<compile_context>
chip_gen: v7x
topology: tpu7x:2x2x1
jax: 0.10.2.dev20260603
libtpu: 0.0.44.dev20260713+nightly
codegen_flags: <defaults>
</compile_context>

<pallas_src>
import functools

import jax
import jax.numpy as jnp
from jax import lax
from jax.experimental import pallas as pl
from jax.experimental.pallas import tpu as pltpu
from jax.experimental.pallas import tpu_sc as plsc

N_NODES = 10000
N_EDGES = 320000
IN_FEAT = 128
OUT_FEAT = 128
NUM_RELS = 64
NUM_BASES = 8
SI = IN_FEAT // NUM_BASES
SO = OUT_FEAT // NUM_BASES

NC = 2
NS = 16
NW = NC * NS

EDGES_PER_TILE = N_EDGES // NW
CHUNK = 64
SG = 16
N_GROUPS = 10
EDGES_PAD = N_GROUPS * SG * CHUNK
ROWS_BIG = 632
ROWS_SMALL = 624

MM_BLK = 400
COMB_BLK = 2000


def _mm_body(h_ref, w_ref, o_ref):
    o_ref[0] = jnp.dot(h_ref[...], w_ref[0],
                       preferred_element_type=jnp.float32)


def _compute_table(h_bf, wbd_bf):
    return pl.pallas_call(
        _mm_body,
        grid=(NUM_RELS,),
        in_specs=[
            pl.BlockSpec((N_NODES, IN_FEAT), lambda r: (0, 0)),
            pl.BlockSpec((1, IN_FEAT, OUT_FEAT), lambda r: (r, 0, 0)),
        ],
        out_specs=pl.BlockSpec((1, N_NODES, OUT_FEAT), lambda r: (r, 0, 0)),
        out_shape=jax.ShapeDtypeStruct((NUM_RELS, N_NODES, OUT_FEAT),
                                       jnp.float32),
    )(h_bf, wbd_bf)


def _sc_scatter(src3, ety3, dst3, nrm3, table, zeros):
    mesh = plsc.VectorSubcoreMesh(core_axis_name="c", subcore_axis_name="s",
                                  num_cores=NC, num_subcores=NS)

    @functools.partial(
        pl.kernel,
        out_type=jax.ShapeDtypeStruct((NC, N_NODES, OUT_FEAT), jnp.float32),
        mesh=mesh,
        scratch_types=[
            pltpu.VMEM((SG, CHUNK), jnp.int32),
            pltpu.VMEM((SG, CHUNK), jnp.int32),
            pltpu.VMEM((SG, CHUNK), jnp.int32),
            pltpu.VMEM((SG, CHUNK), jnp.float32),
            pltpu.VMEM((2, CHUNK, OUT_FEAT), jnp.float32),
            pltpu.VMEM_SHARED((N_NODES, OUT_FEAT), jnp.float32),
            pltpu.SemaphoreType.DMA((2,)),
            pltpu.SemaphoreType.DMA((2,)),
        ],
    )
    def k(src_hbm, ety_hbm, dst_hbm, nrm_hbm, t_hbm, zeros_hbm, out_hbm,
          src_v, idx_v, dst_v, nrm_v, msg_v, acc_sh, gsem, ssem):
        c = lax.axis_index("c")
        s = lax.axis_index("s")
        wid = s * NC + c
        row0 = pl.multiple_of(
            s * ROWS_SMALL + 8 * jnp.minimum(s, 2), 8)

        @pl.when(s < 2)
        def _():
            pltpu.sync_copy(zeros_hbm.at[pl.ds(row0, ROWS_BIG)],
                            acc_sh.at[pl.ds(row0, ROWS_BIG)])

        @pl.when(s >= 2)
        def _():
            pltpu.sync_copy(zeros_hbm.at[pl.ds(row0, ROWS_SMALL)],
                            acc_sh.at[pl.ds(row0, ROWS_SMALL)])

        plsc.subcore_barrier()

        def _gather(cc, b):
            return pltpu.async_copy(t_hbm.at[idx_v.at[cc]], msg_v.at[b],
                                    gsem.at[b])

        def _wait_scatter(cc, b):
            pltpu.make_async_copy(msg_v.at[b], acc_sh.at[dst_v.at[cc]],
                                  ssem.at[b]).wait()

        def _group(g, cy):
            c0 = pl.multiple_of(g * SG, SG)
            pltpu.sync_copy(src_hbm.at[wid, pl.ds(c0, SG)], src_v)
            pltpu.sync_copy(ety_hbm.at[wid, pl.ds(c0, SG)], idx_v)
            pltpu.sync_copy(dst_hbm.at[wid, pl.ds(c0, SG)], dst_v)
            pltpu.sync_copy(nrm_hbm.at[wid, pl.ds(c0, SG)], nrm_v)

            def _cidx(j, cy2):
                for v in range(CHUNK // 16):
                    sl = pl.ds(v * 16, 16)
                    idx_v[j, sl] = idx_v[j, sl] * N_NODES + src_v[j, sl]
                return cy2
            lax.fori_loop(0, SG, _cidx, 0)

            _gather(0, 0)

            def _step(cc, cy2):
                b = lax.rem(cc, 2)
                pltpu.make_async_copy(t_hbm.at[idx_v.at[cc]], msg_v.at[b],
                                      gsem.at[b]).wait()

                def _scale(gg, cy3):
                    nv = nrm_v[cc, pl.ds(gg * 16, 16)]
                    for l in range(16):
                        nsc = nv[l]
                        e = gg * 16 + l
                        for bb in range(OUT_FEAT // 16):
                            sl = pl.ds(bb * 16, 16)
                            msg_v[b, e, sl] = msg_v[b, e, sl] * nsc
                    return cy3
                lax.fori_loop(0, CHUNK // 16, _scale, 0)
                pltpu.async_copy(msg_v.at[b], acc_sh.at[dst_v.at[cc]],
                                 ssem.at[b], add=True)

                @pl.when(cc <= SG - 2)
                def _():
                    @pl.when(cc >= 1)
                    def _():
                        _wait_scatter(cc - 1, 1 - b)
                    _gather(cc + 1, 1 - b)
                return cy2
            lax.fori_loop(0, SG, _step, 0)

            _wait_scatter(SG - 2, lax.rem(SG - 2, 2))
            _wait_scatter(SG - 1, lax.rem(SG - 1, 2))
            return cy
        lax.fori_loop(0, N_GROUPS, _group, 0)
        plsc.subcore_barrier()

        @pl.when(s < 2)
        def _():
            pltpu.sync_copy(acc_sh.at[pl.ds(row0, ROWS_BIG)],
                            out_hbm.at[c, pl.ds(row0, ROWS_BIG)])

        @pl.when(s >= 2)
        def _():
            pltpu.sync_copy(acc_sh.at[pl.ds(row0, ROWS_SMALL)],
                            out_hbm.at[c, pl.ds(row0, ROWS_SMALL)])

    return k(src3, ety3, dst3, nrm3, table, zeros)


def _comb_body(p_ref, b_ref, o_ref):
    o_ref[...] = p_ref[0] + p_ref[1] + b_ref[...]


def _combine(partial, bias2d):
    return pl.pallas_call(
        _comb_body,
        grid=(N_NODES // COMB_BLK,),
        in_specs=[
            pl.BlockSpec((NC, COMB_BLK, OUT_FEAT), lambda i: (0, i, 0)),
            pl.BlockSpec((1, OUT_FEAT), lambda i: (0, 0)),
        ],
        out_specs=pl.BlockSpec((COMB_BLK, OUT_FEAT), lambda i: (i, 0)),
        out_shape=jax.ShapeDtypeStruct((N_NODES, OUT_FEAT), jnp.float32),
    )(partial, bias2d)


def kernel(h, edge_index, etype, norm, weight, h_bias):
    h = h.astype(jnp.float32)
    src = edge_index[0].astype(jnp.int32)
    dst = edge_index[1].astype(jnp.int32)
    ety = etype.astype(jnp.int32)
    nrm = norm.reshape(-1).astype(jnp.float32)

    w4 = weight.reshape(NUM_RELS, NUM_BASES, SI, SO)
    wbd = jnp.zeros((NUM_RELS, NUM_BASES, SI, NUM_BASES, SO), weight.dtype)
    for b in range(NUM_BASES):
        wbd = wbd.at[:, b, :, b, :].set(w4[:, b])
    wbd = wbd.reshape(NUM_RELS, IN_FEAT, OUT_FEAT)

    t = _compute_table(h.astype(jnp.bfloat16), wbd.astype(jnp.bfloat16))
    t2 = t.reshape(NUM_RELS * N_NODES, OUT_FEAT)
    zeros = jnp.zeros((N_NODES, OUT_FEAT), jnp.float32)

    pad = ((0, 0), (0, EDGES_PAD - EDGES_PER_TILE))
    shp = (NW, N_GROUPS * SG, CHUNK)
    srcp = jnp.pad(src.reshape(NW, EDGES_PER_TILE), pad).reshape(shp)
    etyp = jnp.pad(ety.reshape(NW, EDGES_PER_TILE), pad).reshape(shp)
    dstp = jnp.pad(dst.reshape(NW, EDGES_PER_TILE), pad).reshape(shp)
    nrmp = jnp.pad(nrm.reshape(NW, EDGES_PER_TILE), pad).reshape(shp)
    part = _sc_scatter(srcp, etyp, dstp, nrmp, t2, zeros)
    return _combine(part, h_bias.reshape(1, OUT_FEAT))

# --- scband reference (transcript-rebuilt; emitter-appended) ---
"""Pipeline reference for scband-rel-graph-conv-bdd-86938728005791 (READ-ONLY COPY).

The authoritative reference and input builder live on the scoring server;
editing this copy changes nothing except your own understanding.
"""

import jax, jax.numpy as jnp
import numpy as np

N_NODES = 10000
N_EDGES = 320000
IN_FEAT = 128
OUT_FEAT = 128
NUM_RELS = 64
NUM_BASES = 8
SUBMAT_IN = IN_FEAT // NUM_BASES   # 16
SUBMAT_OUT = OUT_FEAT // NUM_BASES # 16


def setup_inputs(seed: int = 0) -> dict:
    key = jax.random.key(seed)
    k_h, k_ei, k_r, k_norm, k_w = jax.random.split(key, 5)
    h = jax.random.normal(k_h, (N_NODES, IN_FEAT), dtype=jnp.float32)
    edge_index = jax.random.randint(k_ei, (2, N_EDGES), 0, N_NODES, dtype=jnp.int64)
    etype = jax.random.randint(k_r, (N_EDGES,), 0, NUM_RELS, dtype=jnp.int64)
    norm = jax.random.uniform(k_norm, (N_EDGES, 1), dtype=jnp.float32)
    # learned parameters
    # weight: [num_rels, num_bases * submat_in * submat_out], xavier-ish init
    fan = SUBMAT_IN + SUBMAT_OUT
    scale = np.sqrt(2.0) * np.sqrt(6.0 / fan)
    weight = jax.random.uniform(
        k_w,
        (NUM_RELS, NUM_BASES * SUBMAT_IN * SUBMAT_OUT),
        minval=-scale, maxval=scale, dtype=jnp.float32,
    )
    h_bias = jnp.zeros((OUT_FEAT,), dtype=jnp.float32)
    return {
        "h": h,
        "edge_index": edge_index,
        "etype": etype,
        "norm": norm,
        "weight": weight,
        "h_bias": h_bias,
    }


def reference(h, edge_index, etype, norm, weight, h_bias):
    src = edge_index[0]
    dst = edge_index[1]
    # message: block-diagonal-decomposition per-edge transform
    # weight[etype] : [E, num_bases*si*so] -> [E*num_bases, si, so]
    w = jnp.take(weight, etype, axis=0).reshape(-1, SUBMAT_IN, SUBMAT_OUT)
    # src node features: [E, in_feat] -> [E*num_bases, 1, si]
    node = jnp.take(h, src, axis=0).reshape(-1, 1, SUBMAT_IN)
    msg = jnp.matmul(node, w).reshape(-1, OUT_FEAT)  # [E, out_feat]
    msg = msg * norm
    # aggregate: sum messages into destination nodes (scatter-add)
    node_repr = jax.ops.segment_sum(msg, dst, num_segments=N_NODES)
    # bias (bias=True); self_loop=False, activation=None, dropout=0.0
    node_repr = node_repr + h_bias
    return node_repr

if __name__ == "__main__":
    import jax
    _d = setup_inputs()
    print(jax.jit(kernel)(*tuple(_d.values())))

</pallas_src>

<mosaic_0001>
#map = affine_map<(d0, d1) -> (0, 0, 0)>
#map1 = affine_map<(d0, d1) -> (0, 0)>
module attributes {stable_mosaic.version = 14 : i64} {
  func.func @k(%arg0: i32, %arg1: i32, %arg2: memref<32x160x64xi32, #tpu.memory_space<hbm>>, %arg3: memref<32x160x64xi32, #tpu.memory_space<hbm>>, %arg4: memref<32x160x64xi32, #tpu.memory_space<hbm>>, %arg5: memref<32x160x64xf32, #tpu.memory_space<hbm>>, %arg6: memref<640000x128xf32, #tpu.memory_space<hbm>>, %arg7: memref<10000x128xf32, #tpu.memory_space<hbm>>, %arg8: memref<2x10000x128xf32, #tpu.memory_space<hbm>>, %arg9: memref<16x64xi32, #tpu.memory_space<vmem>>, %arg10: memref<16x64xi32, #tpu.memory_space<vmem>>, %arg11: memref<16x64xi32, #tpu.memory_space<vmem>>, %arg12: memref<16x64xf32, #tpu.memory_space<vmem>>, %arg13: memref<2x64x128xf32, #tpu.memory_space<vmem>>, %arg14: memref<10000x128xf32, #tpu.memory_space<vmem_shared>>, %arg15: memref<2x!tpu.dma_semaphore, #tpu.memory_space<semaphore_mem>>, %arg16: memref<2x!tpu.dma_semaphore, #tpu.memory_space<semaphore_mem>>) attributes {dimension_semantics = [#tpu.dimension_semantics<core_parallel>, #tpu.dimension_semantics<subcore_parallel>], iteration_bounds = array<i64: 2, 16>, scalar_prefetch = 0 : i64, scratch_operands = 8 : i64, tpu.core_type = #tpu.core_type<sc_vector_subcore>, window_params = [{transform_indices = #map}, {transform_indices = #map}, {transform_indices = #map}, {transform_indices = #map}, {transform_indices = #map1}, {transform_indices = #map1}, {transform_indices = #map}]} {
    %mul3A = arith.constant 2 : i32
    %mul3A_0 = arith.muli %arg1, %mul3A : i32
    %add3A = arith.addi %mul3A_0, %arg0 : i32
    %mul3A_1 = arith.constant 624 : i32
    %mul3A_2 = arith.muli %arg1, %mul3A_1 : i32
    %min3A = arith.constant 2 : i32
    %min3A_3 = arith.minsi %arg1, %min3A : i32
    %mul3A_4 = arith.constant 8 : i32
    %mul3A_5 = arith.muli %mul3A_4, %min3A_3 : i32
    %add3A_6 = arith.addi %mul3A_2, %mul3A_5 : i32
    %multiple_of3A = tpu.assume_multiple %add3A_6, 8 : i32
    %lt3A = arith.constant 2 : i32
    %lt3A_7 = arith.cmpi slt, %arg1, %lt3A : i32
    %convert_element_type3A = arith.extui %lt3A_7 : i1 to i32
    %cond3A = arith.constant 0 : i32
    %cond3A_8 = arith.cmpi ne, %convert_element_type3A, %cond3A : i32
    scf.if %cond3A_8 {
      "tpu.region"() ({
        %run_scoped3A = tpu.sem_alloc : memref<!tpu.dma_semaphore, #tpu.memory_space<semaphore_mem>>
        %dma_start3A = arith.constant 0 : i32
        %dma_start3A_29 = tpu.memref_slice %arg14[%multiple_of3A, %dma_start3A] : memref<10000x128xf32, #tpu.memory_space<vmem_shared>> -> memref<632x128xf32, #tpu.memory_space<vmem_shared>>
        %dma_start3A_30 = arith.constant 0 : i32
        %dma_start3A_31 = tpu.memref_slice %arg7[%multiple_of3A, %dma_start3A_30] : memref<10000x128xf32, #tpu.memory_space<hbm>> -> memref<632x128xf32, #tpu.memory_space<hbm>>
        tpu.enqueue_dma source(%dma_start3A_31 : memref<632x128xf32, #tpu.memory_space<hbm>>) target(%dma_start3A_29 : memref<632x128xf32, #tpu.memory_space<vmem_shared>>) target_semaphore(%run_scoped3A : memref<!tpu.dma_semaphore, #tpu.memory_space<semaphore_mem>>)
        %dma_wait3A = arith.constant 0 : i32
        %dma_wait3A_32 = tpu.memref_slice %arg14[%multiple_of3A, %dma_wait3A] : memref<10000x128xf32, #tpu.memory_space<vmem_shared>> -> memref<632x128xf32, #tpu.memory_space<vmem_shared>>
        %dma_wait3A_33 = arith.constant 0 : i32
        %dma_wait3A_34 = tpu.memref_slice %arg7[%multiple_of3A, %dma_wait3A_33] : memref<10000x128xf32, #tpu.memory_space<hbm>> -> memref<632x128xf32, #tpu.memory_space<hbm>>
        tpu.wait_dma2 semaphore(%run_scoped3A : memref<!tpu.dma_semaphore, #tpu.memory_space<semaphore_mem>>) src(%dma_wait3A_34 : memref<632x128xf32, #tpu.memory_space<hbm>>) dst(%dma_wait3A_32 : memref<632x128xf32, #tpu.memory_space<vmem_shared>>)
        tpu.yield
      }) : () -> ()
    } else {
    }
    %ge3A = arith.constant 2 : i32
    %ge3A_9 = arith.cmpi sge, %arg1, %ge3A : i32
    %convert_element_type3A_10 = arith.extui %ge3A_9 : i1 to i32
    %cond3A_11 = arith.constant 0 : i32
    %cond3A_12 = arith.cmpi ne, %convert_element_type3A_10, %cond3A_11 : i32
    scf.if %cond3A_12 {
      "tpu.region"() ({
        %run_scoped3A = tpu.sem_alloc : memref<!tpu.dma_semaphore, #tpu.memory_space<semaphore_mem>>
        %dma_start3A = arith.constant 0 : i32
        %dma_start3A_29 = tpu.memref_slice %arg14[%multiple_of3A, %dma_start3A] : memref<10000x128xf32, #tpu.memory_space<vmem_shared>> -> memref<624x128xf32, #tpu.memory_space<vmem_shared>>
        %dma_start3A_30 = arith.constant 0 : i32
        %dma_start3A_31 = tpu.memref_slice %arg7[%multiple_of3A, %dma_start3A_30] : memref<10000x128xf32, #tpu.memory_space<hbm>> -> memref<624x128xf32, #tpu.memory_space<hbm>>
        tpu.enqueue_dma source(%dma_start3A_31 : memref<624x128xf32, #tpu.memory_space<hbm>>) target(%dma_start3A_29 : memref<624x128xf32, #tpu.memory_space<vmem_shared>>) target_semaphore(%run_scoped3A : memref<!tpu.dma_semaphore, #tpu.memory_space<semaphore_mem>>)
        %dma_wait3A = arith.constant 0 : i32
        %dma_wait3A_32 = tpu.memref_slice %arg14[%multiple_of3A, %dma_wait3A] : memref<10000x128xf32, #tpu.memory_space<vmem_shared>> -> memref<624x128xf32, #tpu.memory_space<vmem_shared>>
        %dma_wait3A_33 = arith.constant 0 : i32
        %dma_wait3A_34 = tpu.memref_slice %arg7[%multiple_of3A, %dma_wait3A_33] : memref<10000x128xf32, #tpu.memory_space<hbm>> -> memref<624x128xf32, #tpu.memory_space<hbm>>
        tpu.wait_dma2 semaphore(%run_scoped3A : memref<!tpu.dma_semaphore, #tpu.memory_space<semaphore_mem>>) src(%dma_wait3A_34 : memref<624x128xf32, #tpu.memory_space<hbm>>) dst(%dma_wait3A_32 : memref<624x128xf32, #tpu.memory_space<vmem_shared>>)
        tpu.yield
      }) : () -> ()
    } else {
    }
    %barrier3A = arith.constant 0 : index
    tpu.barrier barrier_id(%barrier3A)
    %scan3A = arith.constant 0 : i32
    %scan3A_13 = arith.constant 0 : i32
    %scan3A_14 = arith.constant 10 : i32
    %scan3A_15 = arith.addi %scan3A_13, %scan3A_14 : i32
    %scan3A_16 = arith.constant 1 : i32
    scf.for %scan3A_29 = %scan3A_13 to %scan3A_15 step %scan3A_16  : i32 {
      %mul3A_30 = arith.constant 16 : i32
      %mul3A_31 = arith.muli %scan3A_29, %mul3A_30 : i32
      %multiple_of3A_32 = tpu.assume_multiple %mul3A_31, 16 : i32
      "tpu.region"() ({
        %run_scoped3A = tpu.sem_alloc : memref<!tpu.dma_semaphore, #tpu.memory_space<semaphore_mem>>
        %dma_start3A_89 = arith.constant 0 : i32
        %dma_start3A_90 = tpu.memref_slice %arg2[%add3A, %multiple_of3A_32, %dma_start3A_89] : memref<32x160x64xi32, #tpu.memory_space<hbm>> -> memref<1x16x64xi32, #tpu.memory_space<hbm>>
        %dma_start3A_91 = tpu.memref_squeeze %dma_start3A_90 : memref<1x16x64xi32, #tpu.memory_space<hbm>> -> memref<16x64xi32, #tpu.memory_space<hbm>>
        %dma_start3A_92 = arith.constant 0 : i32
        %dma_start3A_93 = tpu.memref_slice %arg2[%add3A, %multiple_of3A_32, %dma_start3A_92] : memref<32x160x64xi32, #tpu.memory_space<hbm>> -> memref<1x16x64xi32, #tpu.memory_space<hbm>>
        %dma_start3A_94 = tpu.memref_squeeze %dma_start3A_93 : memref<1x16x64xi32, #tpu.memory_space<hbm>> -> memref<16x64xi32, #tpu.memory_space<hbm>>
        tpu.enqueue_dma source(%dma_start3A_94 : memref<16x64xi32, #tpu.memory_space<hbm>>) target(%arg9 : memref<16x64xi32, #tpu.memory_space<vmem>>) target_semaphore(%run_scoped3A : memref<!tpu.dma_semaphore, #tpu.memory_space<semaphore_mem>>)
        %dma_wait3A_95 = arith.constant 0 : i32
        %dma_wait3A_96 = tpu.memref_slice %arg2[%add3A, %multiple_of3A_32, %dma_wait3A_95] : memref<32x160x64xi32, #tpu.memory_space<hbm>> -> memref<1x16x64xi32, #tpu.memory_space<hbm>>
        %dma_wait3A_97 = tpu.memref_squeeze %dma_wait3A_96 : memref<1x16x64xi32, #tpu.memory_space<hbm>> -> memref<16x64xi32, #tpu.memory_space<hbm>>
        %dma_wait3A_98 = arith.constant 0 : i32
        %dma_wait3A_99 = tpu.memref_slice %arg2[%add3A, %multiple_of3A_32, %dma_wait3A_98] : memref<32x160x64xi32, #tpu.memory_space<hbm>> -> memref<1x16x64xi32, #tpu.memory_space<hbm>>
        %dma_wait3A_100 = tpu.memref_squeeze %dma_wait3A_99 : memref<1x16x64xi32, #tpu.memory_space<hbm>> -> memref<16x64xi32, #tpu.memory_space<hbm>>
        tpu.wait_dma2 semaphore(%run_scoped3A : memref<!tpu.dma_semaphore, #tpu.memory_space<semaphore_mem>>) src(%dma_wait3A_100 : memref<16x64xi32, #tpu.memory_space<hbm>>) dst(%arg9 : memref<16x64xi32, #tpu.memory_space<vmem>>)
        tpu.yield
      }) : () -> ()
      "tpu.region"() ({
        %run_scoped3A = tpu.sem_alloc : memref<!tpu.dma_semaphore, #tpu.memory_space<semaphore_mem>>
        %dma_start3A_89 = arith.constant 0 : i32
        %dma_start3A_90 = tpu.memref_slice %arg3[%add3A, %multiple_of3A_32, %dma_start3A_89] : memref<32x160x64xi32, #tpu.memory_space<hbm>> -> memref<1x16x64xi32, #tpu.memory_space<hbm>>
        %dma_start3A_91 = tpu.memref_squeeze %dma_start3A_90 : memref<1x16x64xi32, #tpu.memory_space<hbm>> -> memref<16x64xi32, #tpu.memory_space<hbm>>
        %dma_start3A_92 = arith.constant 0 : i32
        %dma_start3A_93 = tpu.memref_slice %arg3[%add3A, %multiple_of3A_32, %dma_start3A_92] : memref<32x160x64xi32, #tpu.memory_space<hbm>> -> memref<1x16x64xi32, #tpu.memory_space<hbm>>
        %dma_start3A_94 = tpu.memref_squeeze %dma_start3A_93 : memref<1x16x64xi32, #tpu.memory_space<hbm>> -> memref<16x64xi32, #tpu.memory_space<hbm>>
        tpu.enqueue_dma source(%dma_start3A_94 : memref<16x64xi32, #tpu.memory_space<hbm>>) target(%arg10 : memref<16x64xi32, #tpu.memory_space<vmem>>) target_semaphore(%run_scoped3A : memref<!tpu.dma_semaphore, #tpu.memory_space<semaphore_mem>>)
        %dma_wait3A_95 = arith.constant 0 : i32
        %dma_wait3A_96 = tpu.memref_slice %arg3[%add3A, %multiple_of3A_32, %dma_wait3A_95] : memref<32x160x64xi32, #tpu.memory_space<hbm>> -> memref<1x16x64xi32, #tpu.memory_space<hbm>>
        %dma_wait3A_97 = tpu.memref_squeeze %dma_wait3A_96 : memref<1x16x64xi32, #tpu.memory_space<hbm>> -> memref<16x64xi32, #tpu.memory_space<hbm>>
        %dma_wait3A_98 = arith.constant 0 : i32
        %dma_wait3A_99 = tpu.memref_slice %arg3[%add3A, %multiple_of3A_32, %dma_wait3A_98] : memref<32x160x64xi32, #tpu.memory_space<hbm>> -> memref<1x16x64xi32, #tpu.memory_space<hbm>>
        %dma_wait3A_100 = tpu.memref_squeeze %dma_wait3A_99 : memref<1x16x64xi32, #tpu.memory_space<hbm>> -> memref<16x64xi32, #tpu.memory_space<hbm>>
        tpu.wait_dma2 semaphore(%run_scoped3A : memref<!tpu.dma_semaphore, #tpu.memory_space<semaphore_mem>>) src(%dma_wait3A_100 : memref<16x64xi32, #tpu.memory_space<hbm>>) dst(%arg10 : memref<16x64xi32, #tpu.memory_space<vmem>>)
        tpu.yield
      }) : () -> ()
      "tpu.region"() ({
        %run_scoped3A = tpu.sem_alloc : memref<!tpu.dma_semaphore, #tpu.memory_space<semaphore_mem>>
        %dma_start3A_89 = arith.constant 0 : i32
        %dma_start3A_90 = tpu.memref_slice %arg4[%add3A, %multiple_of3A_32, %dma_start3A_89] : memref<32x160x64xi32, #tpu.memory_space<hbm>> -> memref<1x16x64xi32, #tpu.memory_space<hbm>>
        %dma_start3A_91 = tpu.memref_squeeze %dma_start3A_90 : memref<1x16x64xi32, #tpu.memory_space<hbm>> -> memref<16x64xi32, #tpu.memory_space<hbm>>
        %dma_start3A_92 = arith.constant 0 : i32
        %dma_start3A_93 = tpu.memref_slice %arg4[%add3A, %multiple_of3A_32, %dma_start3A_92] : memref<32x160x64xi32, #tpu.memory_space<hbm>> -> memref<1x16x64xi32, #tpu.memory_space<hbm>>
        %dma_start3A_94 = tpu.memref_squeeze %dma_start3A_93 : memref<1x16x64xi32, #tpu.memory_space<hbm>> -> memref<16x64xi32, #tpu.memory_space<hbm>>
        tpu.enqueue_dma source(%dma_start3A_94 : memref<16x64xi32, #tpu.memory_space<hbm>>) target(%arg11 : memref<16x64xi32, #tpu.memory_space<vmem>>) target_semaphore(%run_scoped3A : memref<!tpu.dma_semaphore, #tpu.memory_space<semaphore_mem>>)
        %dma_wait3A_95 = arith.constant 0 : i32
        %dma_wait3A_96 = tpu.memref_slice %arg4[%add3A, %multiple_of3A_32, %dma_wait3A_95] : memref<32x160x64xi32, #tpu.memory_space<hbm>> -> memref<1x16x64xi32, #tpu.memory_space<hbm>>
        %dma_wait3A_97 = tpu.memref_squeeze %dma_wait3A_96 : memref<1x16x64xi32, #tpu.memory_space<hbm>> -> memref<16x64xi32, #tpu.memory_space<hbm>>
        %dma_wait3A_98 = arith.constant 0 : i32
        %dma_wait3A_99 = tpu.memref_slice %arg4[%add3A, %multiple_of3A_32, %dma_wait3A_98] : memref<32x160x64xi32, #tpu.memory_space<hbm>> -> memref<1x16x64xi32, #tpu.memory_space<hbm>>
        %dma_wait3A_100 = tpu.memref_squeeze %dma_wait3A_99 : memref<1x16x64xi32, #tpu.memory_space<hbm>> -> memref<16x64xi32, #tpu.memory_space<hbm>>
        tpu.wait_dma2 semaphore(%run_scoped3A : memref<!tpu.dma_semaphore, #tpu.memory_space<semaphore_mem>>) src(%dma_wait3A_100 : memref<16x64xi32, #tpu.memory_space<hbm>>) dst(%arg11 : memref<16x64xi32, #tpu.memory_space<vmem>>)
        tpu.yield
      }) : () -> ()
      "tpu.region"() ({
        %run_scoped3A = tpu.sem_alloc : memref<!tpu.dma_semaphore, #tpu.memory_space<semaphore_mem>>
        %dma_start3A_89 = arith.constant 0 : i32
        %dma_start3A_90 = tpu.memref_slice %arg5[%add3A, %multiple_of3A_32, %dma_start3A_89] : memref<32x160x64xf32, #tpu.memory_space<hbm>> -> memref<1x16x64xf32, #tpu.memory_space<hbm>>
        %dma_start3A_91 = tpu.memref_squeeze %dma_start3A_90 : memref<1x16x64xf32, #tpu.memory_space<hbm>> -> memref<16x64xf32, #tpu.memory_space<hbm>>
        %dma_start3A_92 = arith.constant 0 : i32
        %dma_start3A_93 = tpu.memref_slice %arg5[%add3A, %multiple_of3A_32, %dma_start3A_92] : memref<32x160x64xf32, #tpu.memory_space<hbm>> -> memref<1x16x64xf32, #tpu.memory_space<hbm>>
        %dma_start3A_94 = tpu.memref_squeeze %dma_start3A_93 : memref<1x16x64xf32, #tpu.memory_space<hbm>> -> memref<16x64xf32, #tpu.memory_space<hbm>>
        tpu.enqueue_dma source(%dma_start3A_94 : memref<16x64xf32, #tpu.memory_space<hbm>>) target(%arg12 : memref<16x64xf32, #tpu.memory_space<vmem>>) target_semaphore(%run_scoped3A : memref<!tpu.dma_semaphore, #tpu.memory_space<semaphore_mem>>)
        %dma_wait3A_95 = arith.constant 0 : i32
        %dma_wait3A_96 = tpu.memref_slice %arg5[%add3A, %multiple_of3A_32, %dma_wait3A_95] : memref<32x160x64xf32, #tpu.memory_space<hbm>> -> memref<1x16x64xf32, #tpu.memory_space<hbm>>
        %dma_wait3A_97 = tpu.memref_squeeze %dma_wait3A_96 : memref<1x16x64xf32, #tpu.memory_space<hbm>> -> memref<16x64xf32, #tpu.memory_space<hbm>>
        %dma_wait3A_98 = arith.constant 0 : i32
        %dma_wait3A_99 = tpu.memref_slice %arg5[%add3A, %multiple_of3A_32, %dma_wait3A_98] : memref<32x160x64xf32, #tpu.memory_space<hbm>> -> memref<1x16x64xf32, #tpu.memory_space<hbm>>
        %dma_wait3A_100 = tpu.memref_squeeze %dma_wait3A_99 : memref<1x16x64xf32, #tpu.memory_space<hbm>> -> memref<16x64xf32, #tpu.memory_space<hbm>>
        tpu.wait_dma2 semaphore(%run_scoped3A : memref<!tpu.dma_semaphore, #tpu.memory_space<semaphore_mem>>) src(%dma_wait3A_100 : memref<16x64xf32, #tpu.memory_space<hbm>>) dst(%arg12 : memref<16x64xf32, #tpu.memory_space<vmem>>)
        tpu.yield
      }) : () -> ()
      %scan3A_33 = arith.constant 0 : i32
      %scan3A_34 = arith.constant 0 : i32
      %scan3A_35 = arith.constant 16 : i32
      %scan3A_36 = arith.addi %scan3A_34, %scan3A_35 : i32
      %scan3A_37 = arith.constant 1 : i32
      scf.for %scan3A_89 = %scan3A_34 to %scan3A_36 step %scan3A_37  : i32 {
        %get3A = arith.index_cast %scan3A_89 : i32 to index
        %get3A_90 = arith.constant 0 : index
        %get3A_91 = tpu.vector_load %arg10[%get3A, %get3A_90] {strides = array<i32>} : memref<16x64xi32, #tpu.memory_space<vmem>>, vector<1x16xi32>,
        %get3A_92 = vector.shape_cast %get3A_91 : vector<1x16xi32> to vector<16xi32>
        %mul3A_93 = arith.constant 10000 : i32
        %mul3A_94 = vector.broadcast %mul3A_93 : i32 to vector<16xi32>
        %mul3A_95 = arith.muli %get3A_92, %mul3A_94 : vector<16xi32>
        %get3A_96 = arith.index_cast %scan3A_89 : i32 to index
        %get3A_97 = arith.constant 0 : index
        %get3A_98 = tpu.vector_load %arg9[%get3A_96, %get3A_97] {strides = array<i32>} : memref<16x64xi32, #tpu.memory_space<vmem>>, vector<1x16xi32>,
        %get3A_99 = vector.shape_cast %get3A_98 : vector<1x16xi32> to vector<16xi32>
        %add3A_100 = arith.addi %mul3A_95, %get3A_99 : vector<16xi32>
        %swap3A = arith.index_cast %scan3A_89 : i32 to index
        %swap3A_101 = arith.constant 0 : index
        %swap3A_102 = tpu.vector_load %arg10[%swap3A, %swap3A_101] {strides = array<i32>} : memref<16x64xi32, #tpu.memory_space<vmem>>, vector<1x16xi32>,
        %swap3A_103 = vector.shape_cast %swap3A_102 : vector<1x16xi32> to vector<16xi32>
        %swap3A_104 = vector.shape_cast %add3A_100 : vector<16xi32> to vector<1x16xi32>
        tpu.vector_store %arg10[%swap3A, %swap3A_101], %swap3A_104 {strides = array<i32>} : memref<16x64xi32, #tpu.memory_space<vmem>>, vector<1x16xi32>,
        %get3A_105 = arith.index_cast %scan3A_89 : i32 to index
        %get3A_106 = arith.constant 16 : index
        %get3A_107 = tpu.vector_load %arg10[%get3A_105, %get3A_106] {strides = array<i32>} : memref<16x64xi32, #tpu.memory_space<vmem>>, vector<1x16xi32>,
        %get3A_108 = vector.shape_cast %get3A_107 : vector<1x16xi32> to vector<16xi32>
        %mul3A_109 = arith.constant 10000 : i32
        %mul3A_110 = vector.broadcast %mul3A_109 : i32 to vector<16xi32>
        %mul3A_111 = arith.muli %get3A_108, %mul3A_110 : vector<16xi32>
        %get3A_112 = arith.index_cast %scan3A_89 : i32 to index
        %get3A_113 = arith.constant 16 : index
        %get3A_114 = tpu.vector_load %arg9[%get3A_112, %get3A_113] {strides = array<i32>} : memref<16x64xi32, #tpu.memory_space<vmem>>, vector<1x16xi32>,
        %get3A_115 = vector.shape_cast %get3A_114 : vector<1x16xi32> to vector<16xi32>
        %add3A_116 = arith.addi %mul3A_111, %get3A_115 : vector<16xi32>
        %swap3A_117 = arith.index_cast %scan3A_89 : i32 to index
        %swap3A_118 = arith.constant 16 : index
        %swap3A_119 = tpu.vector_load %arg10[%swap3A_117, %swap3A_118] {strides = array<i32>} : memref<16x64xi32, #tpu.memory_space<vmem>>, vector<1x16xi32>,
        %swap3A_120 = vector.shape_cast %swap3A_119 : vector<1x16xi32> to vector<16xi32>
        %swap3A_121 = vector.shape_cast %add3A_116 : vector<16xi32> to vector<1x16xi32>
        tpu.vector_store %arg10[%swap3A_117, %swap3A_118], %swap3A_121 {strides = array<i32>} : memref<16x64xi32, #tpu.memory_space<vmem>>, vector<1x16xi32>,
        %get3A_122 = arith.index_cast %scan3A_89 : i32 to index
        %get3A_123 = arith.constant 32 : index
        %get3A_124 = tpu.vector_load %arg10[%get3A_122, %get3A_123] {strides = array<i32>} : memref<16x64xi32, #tpu.memory_space<vmem>>, vector<1x16xi32>,
        %get3A_125 = vector.shape_cast %get3A_124 : vector<1x16xi32> to vector<16xi32>
        %mul3A_126 = arith.constant 10000 : i32
        %mul3A_127 = vector.broadcast %mul3A_126 : i32 to vector<16xi32>
        %mul3A_128 = arith.muli %get3A_125, %mul3A_127 : vector<16xi32>
        %get3A_129 = arith.index_cast %scan3A_89 : i32 to index
        %get3A_130 = arith.constant 32 : index
        %get3A_131 = tpu.vector_load %arg9[%get3A_129, %get3A_130] {strides = array<i32>} : memref<16x64xi32, #tpu.memory_space<vmem>>, vector<1x16xi32>,
        %get3A_132 = vector.shape_cast %get3A_131 : vector<1x16xi32> to vector<16xi32>
        %add3A_133 = arith.addi %mul3A_128, %get3A_132 : vector<16xi32>
        %swap3A_134 = arith.index_cast %scan3A_89 : i32 to index
        %swap3A_135 = arith.constant 32 : index
        %swap3A_136 = tpu.vector_load %arg10[%swap3A_134, %swap3A_135] {strides = array<i32>} : memref<16x64xi32, #tpu.memory_space<vmem>>, vector<1x16xi32>,
        %swap3A_137 = vector.shape_cast %swap3A_136 : vector<1x16xi32> to vector<16xi32>
        %swap3A_138 = vector.shape_cast %add3A_133 : vector<16xi32> to vector<1x16xi32>
        tpu.vector_store %arg10[%swap3A_134, %swap3A_135], %swap3A_138 {strides = array<i32>} : memref<16x64xi32, #tpu.memory_space<vmem>>, vector<1x16xi32>,
        %get3A_139 = arith.index_cast %scan3A_89 : i32 to index
        %get3A_140 = arith.constant 48 : index
        %get3A_141 = tpu.vector_load %arg10[%get3A_139, %get3A_140] {strides = array<i32>} : memref<16x64xi32, #tpu.memory_space<vmem>>, vector<1x16xi32>,
        %get3A_142 = vector.shape_cast %get3A_141 : vector<1x16xi32> to vector<16xi32>
        %mul3A_143 = arith.constant 10000 : i32
        %mul3A_144 = vector.broadcast %mul3A_143 : i32 to vector<16xi32>
        %mul3A_145 = arith.muli %get3A_142, %mul3A_144 : vector<16xi32>
        %get3A_146 = arith.index_cast %scan3A_89 : i32 to index
        %get3A_147 = arith.constant 48 : index
        %get3A_148 = tpu.vector_load %arg9[%get3A_146, %get3A_147] {strides = array<i32>} : memref<16x64xi32, #tpu.memory_space<vmem>>, vector<1x16xi32>,
        %get3A_149 = vector.shape_cast %get3A_148 : vector<1x16xi32> to vector<16xi32>
        %add3A_150 = arith.addi %mul3A_145, %get3A_149 : vector<16xi32>
        %swap3A_151 = arith.index_cast %scan3A_89 : i32 to index
        %swap3A_152 = arith.constant 48 : index
        %swap3A_153 = tpu.vector_load %arg10[%swap3A_151, %swap3A_152] {strides = array<i32>} : memref<16x64xi32, #tpu.memory_space<vmem>>, vector<1x16xi32>,
        %swap3A_154 = vector.shape_cast %swap3A_153 : vector<1x16xi32> to vector<16xi32>
        %swap3A_155 = vector.shape_cast %add3A_150 : vector<16xi32> to vector<1x16xi32>
        tpu.vector_store %arg10[%swap3A_151, %swap3A_152], %swap3A_155 {strides = array<i32>} : memref<16x64xi32, #tpu.memory_space<vmem>>, vector<1x16xi32>,
      }
      %scan3A_38 = arith.constant 16 : i32
      %dma_start3A = arith.constant 0 : i32
      %dma_start3A_39 = arith.constant 0 : i32
      %dma_start3A_40 = arith.constant 0 : i32
      %dma_start3A_41 = arith.constant 0 : i32
      %dma_start3A_42 = arith.constant 0 : i32
      %dma_start3A_43 = tpu.memref_slice %arg13[%dma_start3A_39, %dma_start3A_41, %dma_start3A_42] : memref<2x64x128xf32, #tpu.memory_space<vmem>> -> memref<1x64x128xf32, #tpu.memory_space<vmem>>
      %dma_start3A_44 = tpu.memref_squeeze %dma_start3A_43 : memref<1x64x128xf32, #tpu.memory_space<vmem>> -> memref<64x128xf32, #tpu.memory_space<vmem>>
      %dma_start3A_45 = arith.constant 0 : i32
      %dma_start3A_46 = tpu.memref_slice %arg10[%dma_start3A, %dma_start3A_45] : memref<16x64xi32, #tpu.memory_space<vmem>> -> memref<1x64xi32, #tpu.memory_space<vmem>>
      %dma_start3A_47 = tpu.memref_squeeze %dma_start3A_46 : memref<1x64xi32, #tpu.memory_space<vmem>> -> memref<64xi32, #tpu.memory_space<vmem>>
      %dma_start3A_48 = arith.constant 0 : i32
      %dma_start3A_49 = arith.constant 0 : i32
      %dma_start3A_50 = tpu.memref_slice %arg6[%dma_start3A_48, %dma_start3A_49] : memref<640000x128xf32, #tpu.memory_space<hbm>> -> memref<640000x128xf32, #tpu.memory_space<hbm>>
      %dma_start3A_51 = tpu.memref_slice %arg15[%dma_start3A_40] : memref<2x!tpu.dma_semaphore, #tpu.memory_space<semaphore_mem>> -> memref<1x!tpu.dma_semaphore, #tpu.memory_space<semaphore_mem>>
      %dma_start3A_52 = tpu.memref_squeeze %dma_start3A_51 : memref<1x!tpu.dma_semaphore, #tpu.memory_space<semaphore_mem>> -> memref<!tpu.dma_semaphore, #tpu.memory_space<semaphore_mem>>
      tpu.enqueue_indirect_dma source(%dma_start3A_50 : memref<640000x128xf32, #tpu.memory_space<hbm>>) target(%dma_start3A_44 : memref<64x128xf32, #tpu.memory_space<vmem>>) offsets(%dma_start3A_47 : memref<64xi32, #tpu.memory_space<vmem>>) semaphore(%dma_start3A_52 : memref<!tpu.dma_semaphore, #tpu.memory_space<semaphore_mem>>)
      %scan3A_53 = arith.constant 0 : i32
      %scan3A_54 = arith.constant 0 : i32
      %scan3A_55 = arith.constant 16 : i32
      %scan3A_56 = arith.addi %scan3A_54, %scan3A_55 : i32
      %scan3A_57 = arith.constant 1 : i32
      scf.for %scan3A_89 = %scan3A_54 to %scan3A_56 step %scan3A_57  : i32 {
        %rem3A_90 = arith.constant 2 : i32
        %rem3A_91 = arith.remsi %scan3A_89, %rem3A_90 : i32
        %dma_wait3A_92 = arith.constant 0 : i32
        %dma_wait3A_93 = arith.constant 0 : i32
        %dma_wait3A_94 = tpu.memref_slice %arg13[%rem3A_91, %dma_wait3A_92, %dma_wait3A_93] : memref<2x64x128xf32, #tpu.memory_space<vmem>> -> memref<1x64x128xf32, #tpu.memory_space<vmem>>
        %dma_wait3A_95 = tpu.memref_squeeze %dma_wait3A_94 : memref<1x64x128xf32, #tpu.memory_space<vmem>> -> memref<64x128xf32, #tpu.memory_space<vmem>>
        %dma_wait3A_96 = arith.constant 0 : i32
        %dma_wait3A_97 = tpu.memref_slice %arg10[%scan3A_89, %dma_wait3A_96] : memref<16x64xi32, #tpu.memory_space<vmem>> -> memref<1x64xi32, #tpu.memory_space<vmem>>
        %dma_wait3A_98 = tpu.memref_squeeze %dma_wait3A_97 : memref<1x64xi32, #tpu.memory_space<vmem>> -> memref<64xi32, #tpu.memory_space<vmem>>
        %dma_wait3A_99 = arith.constant 0 : i32
        %dma_wait3A_100 = arith.constant 0 : i32
        %dma_wait3A_101 = tpu.memref_slice %arg6[%dma_wait3A_99, %dma_wait3A_100] : memref<640000x128xf32, #tpu.memory_space<hbm>> -> memref<640000x128xf32, #tpu.memory_space<hbm>>
        %dma_wait3A_102 = tpu.memref_slice %arg15[%rem3A_91] : memref<2x!tpu.dma_semaphore, #tpu.memory_space<semaphore_mem>> -> memref<1x!tpu.dma_semaphore, #tpu.memory_space<semaphore_mem>>
        %dma_wait3A_103 = tpu.memref_squeeze %dma_wait3A_102 : memref<1x!tpu.dma_semaphore, #tpu.memory_space<semaphore_mem>> -> memref<!tpu.dma_semaphore, #tpu.memory_space<semaphore_mem>>
        tpu.wait_indirect_dma semaphore(%dma_wait3A_103 : memref<!tpu.dma_semaphore, #tpu.memory_space<semaphore_mem>>) src(%dma_wait3A_101 : memref<640000x128xf32, #tpu.memory_space<hbm>>) dst(%dma_wait3A_95 : memref<64x128xf32, #tpu.memory_space<vmem>>)
        %scan3A_104 = arith.constant 0 : i32
        %scan3A_105 = arith.constant 0 : i32
        %scan3A_106 = arith.constant 4 : i32
        %scan3A_107 = arith.addi %scan3A_105, %scan3A_106 : i32
        %scan3A_108 = arith.constant 1 : i32
        scf.for %scan3A_126 = %scan3A_105 to %scan3A_107 step %scan3A_108  : i32 {
          %mul3A_127 = arith.constant 16 : i32
          %mul3A_128 = arith.muli %scan3A_126, %mul3A_127 : i32
          %get3A = arith.index_cast %scan3A_89 : i32 to index
          %get3A_129 = arith.index_cast %mul3A_128 : i32 to index
          %get3A_130 = tpu.vector_load %arg12[%get3A, %get3A_129] {strides = array<i32>} : memref<16x64xf32, #tpu.memory_space<vmem>>, vector<1x16xf32>,
          %get3A_131 = vector.shape_cast %get3A_130 : vector<1x16xf32> to vector<16xf32>
          %slice3A = vector.extract_strided_slice %get3A_131 {offsets = [0], sizes = [1], strides = [1]} : vector<16xf32> to vector<1xf32>
          %squeeze3A = vector.extract %slice3A[0] : f32 from vector<1xf32>
          %mul3A_132 = arith.constant 16 : i32
          %mul3A_133 = arith.muli %scan3A_126, %mul3A_132 : i32
          %add3A_134 = arith.constant 0 : i32
          %add3A_135 = arith.addi %mul3A_133, %add3A_134 : i32
          %get3A_136 = arith.index_cast %rem3A_91 : i32 to index
          %get3A_137 = arith.index_cast %add3A_135 : i32 to index
          %get3A_138 = arith.constant 0 : index
          %get3A_139 = tpu.vector_load %arg13[%get3A_136, %get3A_137, %get3A_138] {strides = array<i32>} : memref<2x64x128xf32, #tpu.memory_space<vmem>>, vector<1x1x16xf32>,
          %get3A_140 = vector.shape_cast %get3A_139 : vector<1x1x16xf32> to vector<16xf32>
          %mul3A_141 = vector.broadcast %squeeze3A : f32 to vector<16xf32>
          %mul3A_142 = arith.mulf %get3A_140, %mul3A_141 : vector<16xf32>
          %swap3A = arith.index_cast %rem3A_91 : i32 to index
          %swap3A_143 = arith.index_cast %add3A_135 : i32 to index
          %swap3A_144 = arith.constant 0 : index
          %swap3A_145 = tpu.vector_load %arg13[%swap3A, %swap3A_143, %swap3A_144] {strides = array<i32>} : memref<2x64x128xf32, #tpu.memory_space<vmem>>, vector<1x1x16xf32>,
          %swap3A_146 = vector.shape_cast %swap3A_145 : vector<1x1x16xf32> to vector<16xf32>
          %swap3A_147 = vector.shape_cast %mul3A_142 : vector<16xf32> to vector<1x1x16xf32>
          tpu.vector_store %arg13[%swap3A, %swap3A_143, %swap3A_144], %swap3A_147 {strides = array<i32>} : memref<2x64x128xf32, #tpu.memory_space<vmem>>, vector<1x1x16xf32>,
          %get3A_148 = arith.index_cast %rem3A_91 : i32 to index
          %get3A_149 = arith.index_cast %add3A_135 : i32 to index
          %get3A_150 = arith.constant 16 : index
          %get3A_151 = tpu.vector_load %arg13[%get3A_148, %get3A_149, %get3A_150] {strides = array<i32>} : memref<2x64x128xf32, #tpu.memory_space<vmem>>, vector<1x1x16xf32>,
          %get3A_152 = vector.shape_cast %get3A_151 : vector<1x1x16xf32> to vector<16xf32>
          %mul3A_153 = vector.broadcast %squeeze3A : f32 to vector<16xf32>
          %mul3A_154 = arith.mulf %get3A_152, %mul3A_153 : vector<16xf32>
          %swap3A_155 = arith.index_cast %rem3A_91 : i32 to index
          %swap3A_156 = arith.index_cast %add3A_135 : i32 to index
          %swap3A_157 = arith.constant 16 : index
          %swap3A_158 = tpu.vector_load %arg13[%swap3A_155, %swap3A_156, %swap3A_157] {strides = array<i32>} : memref<2x64x128xf32, #tpu.memory_space<vmem>>, vector<1x1x16xf32>,
          %swap3A_159 = vector.shape_cast %swap3A_158 : vector<1x1x16xf32> to vector<16xf32>
          %swap3A_160 = vector.shape_cast %mul3A_154 : vector<16xf32> to vector<1x1x16xf32>
          tpu.vector_store %arg13[%swap3A_155, %swap3A_156, %swap3A_157], %swap3A_160 {strides = array<i32>} : memref<2x64x128xf32, #tpu.memory_space<vmem>>, vector<1x1x16xf32>,
          %get3A_161 = arith.index_cast %rem3A_91 : i32 to index
          %get3A_162 = arith.index_cast %add3A_135 : i32 to index
          %get3A_163 = arith.constant 32 : index
          %get3A_164 = tpu.vector_load %arg13[%get3A_161, %get3A_162, %get3A_163] {strides = array<i32>} : memref<2x64x128xf32, #tpu.memory_space<vmem>>, vector<1x1x16xf32>,
          %get3A_165 = vector.shape_cast %get3A_164 : vector<1x1x16xf32> to vector<16xf32>
          %mul3A_166 = vector.broadcast %squeeze3A : f32 to vector<16xf32>
          %mul3A_167 = arith.mulf %get3A_165, %mul3A_166 : vector<16xf32>
          %swap3A_168 = arith.index_cast %rem3A_91 : i32 to index
          %swap3A_169 = arith.index_cast %add3A_135 : i32 to index
          %swap3A_170 = arith.constant 32 : index
          %swap3A_171 = tpu.vector_load %arg13[%swap3A_168, %swap3A_169, %swap3A_170] {strides = array<i32>} : memref<2x64x128xf32, #tpu.memory_space<vmem>>, vector<1x1x16xf32>,
          %swap3A_172 = vector.shape_cast %swap3A_171 : vector<1x1x16xf32> to vector<16xf32>
          %swap3A_173 = vector.shape_cast %mul3A_167 : vector<16xf32> to vector<1x1x16xf32>
          tpu.vector_store %arg13[%swap3A_168, %swap3A_169, %swap3A_170], %swap3A_173 {strides = array<i32>} : memref<2x64x128xf32, #tpu.memory_space<vmem>>, vector<1x1x16xf32>,
          %get3A_174 = arith.index_cast %rem3A_91 : i32 to index
          %get3A_175 = arith.index_cast %add3A_135 : i32 to index
          %get3A_176 = arith.constant 48 : index
          %get3A_177 = tpu.vector_load %arg13[%get3A_174, %get3A_175, %get3A_176] {strides = array<i32>} : memref<2x64x128xf32, #tpu.memory_space<vmem>>, vector<1x1x16xf32>,
          %get3A_178 = vector.shape_cast %get3A_177 : vector<1x1x16xf32> to vector<16xf32>
          %mul3A_179 = vector.broadcast %squeeze3A : f32 to vector<16xf32>
          %mul3A_180 = arith.mulf %get3A_178, %mul3A_179 : vector<16xf32>
          %swap3A_181 = arith.index_cast %rem3A_91 : i32 to index
          %swap3A_182 = arith.index_cast %add3A_135 : i32 to index
          %swap3A_183 = arith.constant 48 : index
          %swap3A_184 = tpu.vector_load %arg13[%swap3A_181, %swap3A_182, %swap3A_183] {strides = array<i32>} : memref<2x64x128xf32, #tpu.memory_space<vmem>>, vector<1x1x16xf32>,
          %swap3A_185 = vector.shape_cast %swap3A_184 : vector<1x1x16xf32> to vector<16xf32>
          %swap3A_186 = vector.shape_cast %mul3A_180 : vector<16xf32> to vector<1x1x16xf32>
          tpu.vector_store %arg13[%swap3A_181, %swap3A_182, %swap3A_183], %swap3A_186 {strides = array<i32>} : memref<2x64x128xf32, #tpu.memory_space<vmem>>, vector<1x1x16xf32>,
          %get3A_187 = arith.index_cast %rem3A_91 : i32 to index
          %get3A_188 = arith.index_cast %add3A_135 : i32 to index
          %get3A_189 = arith.constant 64 : index
          %get3A_190 = tpu.vector_load %arg13[%get3A_187, %get3A_188, %get3A_189] {strides = array<i32>} : memref<2x64x128xf32, #tpu.memory_space<vmem>>, vector<1x1x16xf32>,
          %get3A_191 = vector.shape_cast %get3A_190 : vector<1x1x16xf32> to vector<16xf32>
          %mul3A_192 = vector.broadcast %squeeze3A : f32 to vector<16xf32>
          %mul3A_193 = arith.mulf %get3A_191, %mul3A_192 : vector<16xf32>
          %swap3A_194 = arith.index_cast %rem3A_91 : i32 to index
          %swap3A_195 = arith.index_cast %add3A_135 : i32 to index
          %swap3A_196 = arith.constant 64 : index
          %swap3A_197 = tpu.vector_load %arg13[%swap3A_194, %swap3A_195, %swap3A_196] {strides = array<i32>} : memref<2x64x128xf32, #tpu.memory_space<vmem>>, vector<1x1x16xf32>,
          %swap3A_198 = vector.shape_cast %swap3A_197 : vector<1x1x16xf32> to vector<16xf32>
          %swap3A_199 = vector.shape_cast %mul3A_193 : vector<16xf32> to vector<1x1x16xf32>
          tpu.vector_store %arg13[%swap3A_194, %swap3A_195, %swap3A_196], %swap3A_199 {strides = array<i32>} : memref<2x64x128xf32, #tpu.memory_space<vmem>>, vector<1x1x16xf32>,
          %get3A_200 = arith.index_cast %rem3A_91 : i32 to index
          %get3A_201 = arith.index_cast %add3A_135 : i32 to index
          %get3A_202 = arith.constant 80 : index
          %get3A_203 = tpu.vector_load %arg13[%get3A_200, %get3A_201, %get3A_202] {strides = array<i32>} : memref<2x64x128xf32, #tpu.memory_space<vmem>>, vector<1x1x16xf32>,
          %get3A_204 = vector.shape_cast %get3A_203 : vector<1x1x16xf32> to vector<16xf32>
          %mul3A_205 = vector.broadcast %squeeze3A : f32 to vector<16xf32>
          %mul3A_206 = arith.mulf %get3A_204, %mul3A_205 : vector<16xf32>
          %swap3A_207 = arith.index_cast %rem3A_91 : i32 to index
          %swap3A_208 = arith.index_cast %add3A_135 : i32 to index
          %swap3A_209 = arith.constant 80 : index
          %swap3A_210 = tpu.vector_load %arg13[%swap3A_207, %swap3A_208, %swap3A_209] {strides = array<i32>} : memref<2x64x128xf32, #tpu.memory_space<vmem>>, vector<1x1x16xf32>,
          %swap3A_211 = vector.shape_cast %swap3A_210 : vector<1x1x16xf32> to vector<16xf32>
          %swap3A_212 = vector.shape_cast %mul3A_206 : vector<16xf32> to vector<1x1x16xf32>
          tpu.vector_store %arg13[%swap3A_207, %swap3A_208, %swap3A_209], %swap3A_212 {strides = array<i32>} : memref<2x64x128xf32, #tpu.memory_space<vmem>>, vector<1x1x16xf32>,
          %get3A_213 = arith.index_cast %rem3A_91 : i32 to index
          %get3A_214 = arith.index_cast %add3A_135 : i32 to index
          %get3A_215 = arith.constant 96 : index
          %get3A_216 = tpu.vector_load %arg13[%get3A_213, %get3A_214, %get3A_215] {strides = array<i32>} : memref<2x64x128xf32, #tpu.memory_space<vmem>>, vector<1x1x16xf32>,
          %get3A_217 = vector.shape_cast %get3A_216 : vector<1x1x16xf32> to vector<16xf32>
          %mul3A_218 = vector.broadcast %squeeze3A : f32 to vector<16xf32>
          %mul3A_219 = arith.mulf %get3A_217, %mul3A_218 : vector<16xf32>
          %swap3A_220 = arith.index_cast %rem3A_91 : i32 to index
          %swap3A_221 = arith.index_cast %add3A_135 : i32 to index
          %swap3A_222 = arith.constant 96 : index
          %swap3A_223 = tpu.vector_load %arg13[%swap3A_220, %swap3A_221, %swap3A_222] {strides = array<i32>} : memref<2x64x128xf32, #tpu.memory_space<vmem>>, vector<1x1x16xf32>,
          %swap3A_224 = vector.shape_cast %swap3A_223 : vector<1x1x16xf32> to vector<16xf32>
          %swap3A_225 = vector.shape_cast %mul3A_219 : vector<16xf32> to vector<1x1x16xf32>
          tpu.vector_store %arg13[%swap3A_220, %swap3A_221, %swap3A_222], %swap3A_225 {strides = array<i32>} : memref<2x64x128xf32, #tpu.memory_space<vmem>>, vector<1x1x16xf32>,
          %get3A_226 = arith.index_cast %rem3A_91 : i32 to index
          %get3A_227 = arith.index_cast %add3A_135 : i32 to index
          %get3A_228 = arith.constant 112 : index
          %get3A_229 = tpu.vector_load %arg13[%get3A_226, %get3A_227, %get3A_228] {strides = array<i32>} : memref<2x64x128xf32, #tpu.memory_space<vmem>>, vector<1x1x16xf32>,
          %get3A_230 = vector.shape_cast %get3A_229 : vector<1x1x16xf32> to vector<16xf32>
          %mul3A_231 = vector.broadcast %squeeze3A : f32 to vector<16xf32>
          %mul3A_232 = arith.mulf %get3A_230, %mul3A_231 : vector<16xf32>
          %swap3A_233 = arith.index_cast %rem3A_91 : i32 to index
          %swap3A_234 = arith.index_cast %add3A_135 : i32 to index
          %swap3A_235 = arith.constant 112 : index
          %swap3A_236 = tpu.vector_load %arg13[%swap3A_233, %swap3A_234, %swap3A_235] {strides = array<i32>} : memref<2x64x128xf32, #tpu.memory_space<vmem>>, vector<1x1x16xf32>,
          %swap3A_237 = vector.shape_cast %swap3A_236 : vector<1x1x16xf32> to vector<16xf32>
          %swap3A_238 = vector.shape_cast %mul3A_232 : vector<16xf32> to vector<1x1x16xf32>
          tpu.vector_store %arg13[%swap3A_233, %swap3A_234, %swap3A_235], %swap3A_238 {strides = array<i32>} : memref<2x64x128xf32, #tpu.memory_space<vmem>>, vector<1x1x16xf32>,
          %slice3A_239 = vector.extract_strided_slice %get3A_131 {offsets = [1], sizes = [1], strides = [1]} : vector<16xf32> to vector<1xf32>
          %squeeze3A_240 = vector.extract %slice3A_239[0] : f32 from vector<1xf32>
          %mul3A_241 = arith.constant 16 : i32
          %mul3A_242 = arith.muli %scan3A_126, %mul3A_241 : i32
          %add3A_243 = arith.constant 1 : i32
          %add3A_244 = arith.addi %mul3A_242, %add3A_243 : i32
          %get3A_245 = arith.index_cast %rem3A_91 : i32 to index
          %get3A_246 = arith.index_cast %add3A_244 : i32 to index
          %get3A_247 = arith.constant 0 : index
          %get3A_248 = tpu.vector_load %arg13[%get3A_245, %get3A_246, %get3A_247] {strides = array<i32>} : memref<2x64x128xf32, #tpu.memory_space<vmem>>, vector<1x1x16xf32>,
          %get3A_249 = vector.shape_cast %get3A_248 : vector<1x1x16xf32> to vector<16xf32>
          %mul3A_250 = vector.broadcast %squeeze3A_240 : f32 to vector<16xf32>
          %mul3A_251 = arith.mulf %get3A_249, %mul3A_250 : vector<16xf32>
          %swap3A_252 = arith.index_cast %rem3A_91 : i32 to index
          %swap3A_253 = arith.index_cast %add3A_244 : i32 to index
          %swap3A_254 = arith.constant 0 : index
          %swap3A_255 = tpu.vector_load %arg13[%swap3A_252, %swap3A_253, %swap3A_254] {strides = array<i32>} : memref<2x64x128xf32, #tpu.memory_space<vmem>>, vector<1x1x16xf32>,
          %swap3A_256 = vector.shape_cast %swap3A_255 : vector<1x1x16xf32> to vector<16xf32>
          %swap3A_257 = vector.shape_cast %mul3A_251 : vector<16xf32> to vector<1x1x16xf32>
          tpu.vector_store %arg13[%swap3A_252, %swap3A_253, %swap3A_254], %swap3A_257 {strides = array<i32>} : memref<2x64x128xf32, #tpu.memory_space<vmem>>, vector<1x1x16xf32>,
          %get3A_258 = arith.index_cast %rem3A_91 : i32 to index
          %get3A_259 = arith.index_cast %add3A_244 : i32 to index
          %get3A_260 = arith.constant 16 : index
          %get3A_261 = tpu.vector_load %arg13[%get3A_258, %get3A_259, %get3A_260] {strides = array<i32>} : memref<2x64x128xf32, #tpu.memory_space<vmem>>, vector<1x1x16xf32>,
          %get3A_262 = vector.shape_cast %get3A_261 : vector<1x1x16xf32> to vector<16xf32>
          %mul3A_263 = vector.broadcast %squeeze3A_240 : f32 to vector<16xf32>
          %mul3A_264 = arith.mulf %get3A_262, %mul3A_263 : vector<16xf32>
          %swap3A_265 = arith.index_cast %rem3A_91 : i32 to index
          %swap3A_266 = arith.index_cast %add3A_244 : i32 to index
          %swap3A_267 = arith.constant 16 : index
          %swap3A_268 = tpu.vector_load %arg13[%swap3A_265, %swap3A_266, %swap3A_267] {strides = array<i32>} : memref<2x64x128xf32, #tpu.memory_space<vmem>>, vector<1x1x16xf32>,
          %swap3A_269 = vector.shape_cast %swap3A_268 : vector<1x1x16xf32> to vector<16xf32>
          %swap3A_270 = vector.shape_cast %mul3A_264 : vector<16xf32> to vector<1x1x16xf32>
          tpu.vector_store %arg13[%swap3A_265, %swap3A_266, %swap3A_267], %swap3A_270 {strides = array<i32>} : memref<2x64x128xf32, #tpu.memory_space<vmem>>, vector<1x1x16xf32>,
          %get3A_271 = arith.index_cast %rem3A_91 : i32 to index
          %get3A_272 = arith.index_cast %add3A_244 : i32 to index
          %get3A_273 = arith.constant 32 : index
          %get3A_274 = tpu.vector_load %arg13[%get3A_271, %get3A_272, %get3A_273] {strides = array<i32>} : memref<2x64x128xf32, #tpu.memory_space<vmem>>, vector<1x1x16xf32>,
          %get3A_275 = vector.shape_cast %get3A_274 : vector<1x1x16xf32> to vector<16xf32>
          %mul3A_276 = vector.broadcast %squeeze3A_240 : f32 to vector<16xf32>
          %mul3A_277 = arith.mulf %get3A_275, %mul3A_276 : vector<16xf32>
          %swap3A_278 = arith.index_cast %rem3A_91 : i32 to index
          %swap3A_279 = arith.index_cast %add3A_244 : i32 to index
          %swap3A_280 = arith.constant 32 : index
          %swap3A_281 = tpu.vector_load %arg13[%swap3A_278, %swap3A_279, %swap3A_280] {strides = array<i32>} : memref<2x64x128xf32, #tpu.memory_space<vmem>>, vector<1x1x16xf32>,
          %swap3A_282 = vector.shape_cast %swap3A_281 : vector<1x1x16xf32> to vector<16xf32>
          %swap3A_283 = vector.shape_cast %mul3A_277 : vector<16xf32> to vector<1x1x16xf32>
          tpu.vector_store %arg13[%swap3A_278, %swap3A_279, %swap3A_280], %swap3A_283 {strides = array<i32>} : memref<2x64x128xf32, #tpu.memory_space<vmem>>, vector<1x1x16xf32>,
          %get3A_284 = arith.index_cast %rem3A_91 : i32 to index
          %get3A_285 = arith.index_cast %add3A_244 : i32 to index
          %get3A_286 = arith.constant 48 : index
          %get3A_287 = tpu.vector_load %arg13[%get3A_284, %get3A_285, %get3A_286] {strides = array<i32>} : memref<2x64x128xf32, #tpu.memory_space<vmem>>, vector<1x1x16xf32>,
          %get3A_288 = vector.shape_cast %get3A_287 : vector<1x1x16xf32> to vector<16xf32>
          %mul3A_289 = vector.broadcast %squeeze3A_240 : f32 to vector<16xf32>
          %mul3A_290 = arith.mulf %get3A_288, %mul3A_289 : vector<16xf32>
          %swap3A_291 = arith.index_cast %rem3A_91 : i32 to index
          %swap3A_292 = arith.index_cast %add3A_244 : i32 to index
          %swap3A_293 = arith.constant 48 : index
          %swap3A_294 = tpu.vector_load %arg13[%swap3A_291, %swap3A_292, %swap3A_293] {strides = array<i32>} : memref<2x64x128xf32, #tpu.memory_space<vmem>>, vector<1x1x16xf32>,
          %swap3A_295 = vector.shape_cast %swap3A_294 : vector<1x1x16xf32> to vector<16xf32>
          %swap3A_296 = vector.shape_cast %mul3A_290 : vector<16xf32> to vector<1x1x16xf32>
          tpu.vector_store %arg13[%swap3A_291, %swap3A_292, %swap3A_293], %swap3A_296 {strides = array<i32>} : memref<2x64x128xf32, #tpu.memory_space<vmem>>, vector<1x1x16xf32>,
          %get3A_297 = arith.index_cast %rem3A_91 : i32 to index
          %get3A_298 = arith.index_cast %add3A_244 : i32 to index
          %get3A_299 = arith.constant 64 : index
          %get3A_300 = tpu.vector_load %arg13[%get3A_297, %get3A_298, %get3A_299] {strides = array<i32>} : memref<2x64x128xf32, #tpu.memory_space<vmem>>, vector<1x1x16xf32>,
          %get3A_301 = vector.shape_cast %get3A_300 : vector<1x1x16xf32> to vector<16xf32>
          %mul3A_302 = vector.broadcast %squeeze3A_240 : f32 to vector<16xf32>
          %mul3A_303 = arith.mulf %get3A_301, %mul3A_302 : vector<16xf32>
          %swap3A_304 = arith.index_cast %rem3A_91 : i32 to index
          %swap3A_305 = arith.index_cast %add3A_244 : i32 to index
          %swap3A_306 = arith.constant 64 : index
          %swap3A_307 = tpu.vector_load %arg13[%swap3A_304, %swap3A_305, %swap3A_306] {strides = array<i32>} : memref<2x64x128xf32, #tpu.memory_space<vmem>>, vector<1x1x16xf32>,
          %swap3A_308 = vector.shape_cast %swap3A_307 : vector<1x1x16xf32> to vector<16xf32>
          %swap3A_309 = vector.shape_cast %mul3A_303 : vector<16xf32> to vector<1x1x16xf32>
          tpu.vector_store %arg13[%swap3A_304, %swap3A_305, %swap3A_306], %swap3A_309 {strides = array<i32>} : memref<2x64x128xf32, #tpu.memory_space<vmem>>, vector<1x1x16xf32>,
          %get3A_310 = arith.index_cast %rem3A_91 : i32 to index
          %get3A_311 = arith.index_cast %add3A_244 : i32 to index
          %get3A_312 = arith.constant 80 : index
          %get3A_313 = tpu.vector_load %arg13[%get3A_310, %get3A_311, %get3A_312] {strides = array<i32>} : memref<2x64x128xf32, #tpu.memory_space<vmem>>, vector<1x1x16xf32>,
          %get3A_314 = vector.shape_cast %get3A_313 : vector<1x1x16xf32> to vector<16xf32>
          %mul3A_315 = vector.broadcast %squeeze3A_240 : f32 to vector<16xf32>
          %mul3A_316 = arith.mulf %get3A_314, %mul3A_315 : vector<16xf32>
          %swap3A_317 = arith.index_cast %rem3A_91 : i32 to index
          %swap3A_318 = arith.index_cast %add3A_244 : i32 to index
          %swap3A_319 = arith.constant 80 : index
          %swap3A_320 = tpu.vector_load %arg13[%swap3A_317, %swap3A_318, %swap3A_319] {strides = array<i32>} : memref<2x64x128xf32, #tpu.memory_space<vmem>>, vector<1x1x16xf32>,
          %swap3A_321 = vector.shape_cast %swap3A_320 : vector<1x1x16xf32> to vector<16xf32>
          %swap3A_322 = vector.shape_cast %mul3A_316 : vector<16xf32> to vector<1x1x16xf32>
          tpu.vector_store %arg13[%swap3A_317, %swap3A_318, %swap3A_319], %swap3A_322 {strides = array<i32>} : memref<2x64x128xf32, #tpu.memory_space<vmem>>, vector<1x1x16xf32>,
          %get3A_323 = arith.index_cast %rem3A_91 : i32 to index
          %get3A_324 = arith.index_cast %add3A_244 : i32 to index
          %get3A_325 = arith.constant 96 : index
          %get3A_326 = tpu.vector_load %arg13[%get3A_323, %get3A_324, %get3A_325] {strides = array<i32>} : memref<2x64x128xf32, #tpu.memory_space<vmem>>, vector<1x1x16xf32>,
          %get3A_327 = vector.shape_cast %get3A_326 : vector<1x1x16xf32> to vector<16xf32>
          %mul3A_328 = vector.broadcast %squeeze3A_240 : f32 to vector<16xf32>
          %mul3A_329 = arith.mulf %get3A_327, %mul3A_328 : vector<16xf32>
          %swap3A_330 = arith.index_cast %rem3A_91 : i32 to index
          %swap3A_331 = arith.index_cast %add3A_244 : i32 to index
          %swap3A_332 = arith.constant 96 : index
          %swap3A_333 = tpu.vector_load %arg13[%swap3A_330, %swap3A_331, %swap3A_332] {strides = array<i32>} : memref<2x64x128xf32, #tpu.memory_space<vmem>>, vector<1x1x16xf32>,
          %swap3A_334 = vector.shape_cast %swap3A_333 : vector<1x1x16xf32> to vector<16xf32>
          %swap3A_335 = vector.shape_cast %mul3A_329 : vector<16xf32> to vector<1x1x16xf32>
          tpu.vector_store %arg13[%swap3A_330, %swap3A_331, %swap3A_332], %swap3A_335 {strides = array<i32>} : memref<2x64x128xf32, #tpu.memory_space<vmem>>, vector<1x1x16xf32>,
          %get3A_336 = arith.index_cast %rem3A_91 : i32 to index
          %get3A_337 = arith.index_cast %add3A_244 : i32 to index
          %get3A_338 = arith.constant 112 : index
          %get3A_339 = tpu.vector_load %arg13[%get3A_336, %get3A_337, %get3A_338] {strides = array<i32>} : memref<2x64x128xf32, #tpu.memory_space<vmem>>, vector<1x1x16xf32>,
          %get3A_340 = vector.shape_cast %get3A_339 : vector<1x1x16xf32> to vector<16xf32>
          %mul3A_341 = vector.broadcast %squeeze3A_240 : f32 to vector<16xf32>
          %mul3A_342 = arith.mulf %get3A_340, %mul3A_341 : vector<16xf32>
          %swap3A_343 = arith.index_cast %rem3A_91 : i32 to index
          %swap3A_344 = arith.index_cast %add3A_244 : i32 to index
          %swap3A_345 = arith.constant 112 : index
          %swap3A_346 = tpu.vector_load %arg13[%swap3A_343, %swap3A_344, %swap3A_345] {strides = array<i32>} : memref<2x64x128xf32, #tpu.memory_space<vmem>>, vector<1x1x16xf32>,
          %swap3A_347 = vector.shape_cast %swap3A_346 : vector<1x1x16xf32> to vector<16xf32>
          %swap3A_348 = vector.shape_cast %mul3A_342 : vector<16xf32> to vector<1x1x16xf32>
          tpu.vector_store %arg13[%swap3A_343, %swap3A_344, %swap3A_345], %swap3A_348 {strides = array<i32>} : memref<2x64x128xf32, #tpu.memory_space<vmem>>, vector<1x1x16xf32>,
          %slice3A_349 = vector.extract_strided_slice %get3A_131 {offsets = [2], sizes = [1], strides = [1]} : vector<16xf32> to vector<1xf32>
          %squeeze3A_350 = vector.extract %slice3A_349[0] : f32 from vector<1xf32>
          %mul3A_351 = arith.constant 16 : i32
          %mul3A_352 = arith.muli %scan3A_126, %mul3A_351 : i32
          %add3A_353 = arith.constant 2 : i32
          %add3A_354 = arith.addi %mul3A_352, %add3A_353 : i32
          %get3A_355 = arith.index_cast %rem3A_91 : i32 to index
          %get3A_356 = arith.index_cast %add3A_354 : i32 to index
          %get3A_357 = arith.constant 0 : index
          %get3A_358 = tpu.vector_load %arg13[%get3A_355, %get3A_356, %get3A_357] {strides = array<i32>} : memref<2x64x128xf32, #tpu.memory_space<vmem>>, vector<1x1x16xf32>,
          %get3A_359 = vector.shape_cast %get3A_358 : vector<1x1x16xf32> to vector<16xf32>
          %mul3A_360 = vector.broadcast %squeeze3A_350 : f32 to vector<16xf32>
          %mul3A_361 = arith.mulf %get3A_359, %mul3A_360 : vector<16xf32>
          %swap3A_362 = arith.index_cast %rem3A_91 : i32 to index
          %swap3A_363 = arith.index_cast %add3A_354 : i32 to index
          %swap3A_364 = arith.constant 0 : index
          %swap3A_365 = tpu.vector_load %arg13[%swap3A_362, %swap3A_363, %swap3A_364] {strides = array<i32>} : memref<2x64x128xf32, #tpu.memory_space<vmem>>, vector<1x1x16xf32>,
          %swap3A_366 = vector.shape_cast %swap3A_365 : vector<1x1x16xf32> to vector<16xf32>
          %swap3A_367 = vector.shape_cast %mul3A_361 : vector<16xf32> to vector<1x1x16xf32>
          tpu.vector_store %arg13[%swap3A_362, %swap3A_363, %swap3A_364], %swap3A_367 {strides = array<i32>} : memref<2x64x128xf32, #tpu.memory_space<vmem>>, vector<1x1x16xf32>,
          %get3A_368 = arith.index_cast %rem3A_91 : i32 to index
          %get3A_369 = arith.index_cast %add3A_354 : i32 to index
          %get3A_370 = arith.constant 16 : index
          %get3A_371 = tpu.vector_load %arg13[%get3A_368, %get3A_369, %get3A_370] {strides = array<i32>} : memref<2x64x128xf32, #tpu.memory_space<vmem>>, vector<1x1x16xf32>,
          %get3A_372 = vector.shape_cast %get3A_371 : vector<1x1x16xf32> to vector<16xf32>
          %mul3A_373 = vector.broadcast %squeeze3A_350 : f32 to vector<16xf32>
          %mul3A_374 = arith.mulf %get3A_372, %mul3A_373 : vector<16xf32>
          %swap3A_375 = arith.index_cast %rem3A_91 : i32 to index
          %swap3A_376 = arith.index_cast %add3A_354 : i32 to index
          %swap3A_377 = arith.constant 16 : index
          %swap3A_378 = tpu.vector_load %arg13[%swap3A_375, %swap3A_376, %swap3A_377] {strides = array<i32>} : memref<2x64x128xf32, #tpu.memory_space<vmem>>, vector<1x1x16xf32>,
          %swap3A_379 = vector.shape_cast %swap3A_378 : vector<1x1x16xf32> to vector<16xf32>
          %swap3A_380 = vector.shape_cast %mul3A_374 : vector<16xf32> to vector<1x1x16xf32>
          tpu.vector_store %arg13[%swap3A_375, %swap3A_376, %swap3A_377], %swap3A_380 {strides = array<i32>} : memref<2x64x128xf32, #tpu.memory_space<vmem>>, vector<1x1x16xf32>,
          %get3A_381 = arith.index_cast %rem3A_91 : i32 to index
          %get3A_382 = arith.index_cast %add3A_354 : i32 to index
          %get3A_383 = arith.constant 32 : index
          %get3A_384 = tpu.vector_load %arg13[%get3A_381, %get3A_382, %get3A_383] {strides = array<i32>} : memref<2x64x128xf32, #tpu.memory_space<vmem>>, vector<1x1x16xf32>,
          %get3A_385 = vector.shape_cast %get3A_384 : vector<1x1x16xf32> to vector<16xf32>
          %mul3A_386 = vector.broadcast %squeeze3A_350 : f32 to vector<16xf32>
          %mul3A_387 = arith.mulf %get3A_385, %mul3A_386 : vector<16xf32>
          %swap3A_388 = arith.index_cast %rem3A_91 : i32 to index
          %swap3A_389 = arith.index_cast %add3A_354 : i32 to index
          %swap3A_390 = arith.constant 32 : index
          %swap3A_391 = tpu.vector_load %arg13[%swap3A_388, %swap3A_389, %swap3A_390] {strides = array<i32>} : memref<2x64x128xf32, #tpu.memory_space<vmem>>, vector<1x1x16xf32>,
          %swap3A_392 = vector.shape_cast %swap3A_391 : vector<1x1x16xf32> to vector<16xf32>
          %swap3A_393 = vector.shape_cast %mul3A_387 : vector<16xf32> to vector<1x1x16xf32>
          tpu.vector_store %arg13[%swap3A_388, %swap3A_389, %swap3A_390], %swap3A_393 {strides = array<i32>} : memref<2x64x128xf32, #tpu.memory_space<vmem>>, vector<1x1x16xf32>,
          %get3A_394 = arith.index_cast %rem3A_91 : i32 to index
          %get3A_395 = arith.index_cast %add3A_354 : i32 to index
          %get3A_396 = arith.constant 48 : index
          %get3A_397 = tpu.vector_load %arg13[%get3A_394, %get3A_395, %get3A_396] {strides = array<i32>} : memref<2x64x128xf32, #tpu.memory_space<vmem>>, vector<1x1x16xf32>,
          %get3A_398 = vector.shape_cast %get3A_397 : vector<1x1x16xf32> to vector<16xf32>
          %mul3A_399 = vector.broadcast %squeeze3A_350 : f32 to vector<16xf32>
          %mul3A_400 = arith.mulf %get3A_398, %mul3A_399 : vector<16xf32>
          %swap3A_401 = arith.index_cast %rem3A_91 : i32 to index
          %swap3A_402 = arith.index_cast %add3A_354 : i32 to index
          %swap3A_403 = arith.constant 48 : index
          %swap3A_404 = tpu.vector_load %arg13[%swap3A_401, %swap3A_402, %swap3A_403] {strides = array<i32>} : memref<2x64x128xf32, #tpu.memory_space<vmem>>, vector<1x1x16xf32>,
          %swap3A_405 = vector.shape_cast %swap3A_404 : vector<1x1x16xf32> to vector<16xf32>
          %swap3A_406 = vector.shape_cast %mul3A_400 : vector<16xf32> to vector<1x1x16xf32>
          tpu.vector_store %arg13[%swap3A_401, %swap3A_402, %swap3A_403], %swap3A_406 {strides = array<i32>} : memref<2x64x128xf32, #tpu.memory_space<vmem>>, vector<1x1x16xf32>,
          %get3A_407 = arith.index_cast %rem3A_91 : i32 to index
          %get3A_408 = arith.index_cast %add3A_354 : i32 to index
          %get3A_409 = arith.constant 64 : index
          %get3A_410 = tpu.vector_load %arg13[%get3A_407, %get3A_408, %get3A_409] {strides = array<i32>} : memref<2x64x128xf32, #tpu.memory_space<vmem>>, vector<1x1x16xf32>,
          %get3A_411 = vector.shape_cast %get3A_410 : vector<1x1x16xf32> to vector<16xf32>
          %mul3A_412 = vector.broadcast %squeeze3A_350 : f32 to vector<16xf32>
          %mul3A_413 = arith.mulf %get3A_411, %mul3A_412 : vector<16xf32>
          %swap3A_414 = arith.index_cast %rem3A_91 : i32 to index
          %swap3A_415 = arith.index_cast %add3A_354 : i32 to index
          %swap3A_416 = arith.constant 64 : index
          %swap3A_417 = tpu.vector_load %arg13[%swap3A_414, %swap3A_415, %swap3A_416] {strides = array<i32>} : memref<2x64x128xf32, #tpu.memory_space<vmem>>, vector<1x1x16xf32>,
          %swap3A_418 = vector.shape_cast %swap3A_417 : vector<1x1x16xf32> to vector<16xf32>
          %swap3A_419 = vector.shape_cast %mul3A_413 : vector<16xf32> to vector<1x1x16xf32>
          tpu.vector_store %arg13[%swap3A_414, %swap3A_415, %swap3A_416], %swap3A_419 {strides = array<i32>} : memref<2x64x128xf32, #tpu.memory_space<vmem>>, vector<1x1x16xf32>,
          %get3A_420 = arith.index_cast %rem3A_91 : i32 to index
          %get3A_421 = arith.index_cast %add3A_354 : i32 to index
          %get3A_422 = arith.constant 80 : index
          %get3A_423 = tpu.vector_load %arg13[%get3A_420, %get3A_421, %get3A_422] {strides = array<i32>} : memref<2x64x128xf32, #tpu.memory_space<vmem>>, vector<1x1x16xf32>,
          %get3A_424 = vector.shape_cast %get3A_423 : vector<1x1x16xf32> to vector<16xf32>
          %mul3A_425 = vector.broadcast %squeeze3A_350 : f32 to vector<16xf32>
          %mul3A_426 = arith.mulf %get3A_424, %mul3A_425 : vector<16xf32>
          %swap3A_427 = arith.index_cast %rem3A_91 : i32 to index
          %swap3A_428 = arith.index_cast %add3A_354 : i32 to index
          %swap3A_429 = arith.constant 80 : index
          %swap3A_430 = tpu.vector_load %arg13[%swap3A_427, %swap3A_428, %swap3A_429] {strides = array<i32>} : memref<2x64x128xf32, #tpu.memory_space<vmem>>, vector<1x1x16xf32>,
          %swap3A_431 = vector.shape_cast %swap3A_430 : vector<1x1x16xf32> to vector<16xf32>
          %swap3A_432 = vector.shape_cast %mul3A_426 : vector<16xf32> to vector<1x1x16xf32>
          tpu.vector_store %arg13[%swap3A_427, %swap3A_428, %swap3A_429], %swap3A_432 {strides = array<i32>} : memref<2x64x128xf32, #tpu.memory_space<vmem>>, vector<1x1x16xf32>,
          %get3A_433 = arith.index_cast %rem3A_91 : i32 to index
          %get3A_434 = arith.index_cast %add3A_354 : i32 to index
          %get3A_435 = arith.constant 96 : index
          %get3A_436 = tpu.vector_load %arg13[%get3A_433, %get3A_434, %get3A_435] {strides = array<i32>} : memref<2x64x128xf32, #tpu.memory_space<vmem>>, vector<1x1x16xf32>,
          %get3A_437 = vector.shape_cast %get3A_436 : vector<1x1x16xf32> to vector<16xf32>
          %mul3A_438 = vector.broadcast %squeeze3A_350 : f32 to vector<16xf32>
          %mul3A_439 = arith.mulf %get3A_437, %mul3A_438 : vector<16xf32>
          %swap3A_440 = arith.index_cast %rem3A_91 : i32 to index
          %swap3A_441 = arith.index_cast %add3A_354 : i32 to index
          %swap3A_442 = arith.constant 96 : index
          %swap3A_443 = tpu.vector_load %arg13[%swap3A_440, %swap3A_441, %swap3A_442] {strides = array<i32>} : memref<2x64x128xf32, #tpu.memory_space<vmem>>, vector<1x1x16xf32>,
          %swap3A_444 = vector.shape_cast %swap3A_443 : vector<1x1x16xf32> to vector<16xf32>
          %swap3A_445 = vector.shape_cast %mul3A_439 : vector<16xf32> to vector<1x1x16xf32>
          tpu.vector_store %arg13[%swap3A_440, %swap3A_441, %swap3A_442], %swap3A_445 {strides = array<i32>} : memref<2x64x128xf32, #tpu.memory_space<vmem>>, vector<1x1x16xf32>,
          %get3A_446 = arith.index_cast %rem3A_91 : i32 to index
          %get3A_447 = arith.index_cast %add3A_354 : i32 to index
          %get3A_448 = arith.constant 112 : index
          %get3A_449 = tpu.vector_load %arg13[%get3A_446, %get3A_447, %get3A_448] {strides = array<i32>} : memref<2x64x128xf32, #tpu.memory_space<vmem>>, vector<1x1x16xf32>,
          %get3A_450 = vector.shape_cast %get3A_449 : vector<1x1x16xf32> to vector<16xf32>
          %mul3A_451 = vector.broadcast %squeeze3A_350 : f32 to vector<16xf32>
          %mul3A_452 = arith.mulf %get3A_450, %mul3A_451 : vector<16xf32>
          %swap3A_453 = arith.index_cast %rem3A_91 : i32 to index
          %swap3A_454 = arith.index_cast %add3A_354 : i32 to index
          %swap3A_455 = arith.constant 112 : index
          %swap3A_456 = tpu.vector_load %arg13[%swap3A_453, %swap3A_454, %swap3A_455] {strides = array<i32>} : memref<2x64x128xf32, #tpu.memory_space<vmem>>, vector<1x1x16xf32>,
          %swap3A_457 = vector.shape_cast %swap3A_456 : vector<1x1x16xf32> to vector<16xf32>
          %swap3A_458 = vector.shape_cast %mul3A_452 : vector<16xf32> to vector<1x1x16xf32>
          tpu.vector_store %arg13[%swap3A_453, %swap3A_454, %swap3A_455], %swap3A_458 {strides = array<i32>} : memref<2x64x128xf32, #tpu.memory_space<vmem>>, vector<1x1x16xf32>,
          %slice3A_459 = vector.extract_strided_slice %get3A_131 {offsets = [3], sizes = [1], strides = [1]} : vector<16xf32> to vector<1xf32>
          %squeeze3A_460 = vector.extract %slice3A_459[0] : f32 from vector<1xf32>
          %mul3A_461 = arith.constant 16 : i32
          %mul3A_462 = arith.muli %scan3A_126, %mul3A_461 : i32
          %add3A_463 = arith.constant 3 : i32
          %add3A_464 = arith.addi %mul3A_462, %add3A_463 : i32
          %get3A_465 = arith.index_cast %rem3A_91 : i32 to index
          %get3A_466 = arith.index_cast %add3A_464 : i32 to index
          %get3A_467 = arith.constant 0 : index
          %get3A_468 = tpu.vector_load %arg13[%get3A_465, %get3A_466, %get3A_467] {strides = array<i32>} : memref<2x64x128xf32, #tpu.memory_space<vmem>>, vector<1x1x16xf32>,
          %get3A_469 = vector.shape_cast %get3A_468 : vector<1x1x16xf32> to vector<16xf32>
          %mul3A_470 = vector.broadcast %squeeze3A_460 : f32 to vector<16xf32>
          %mul3A_471 = arith.mulf %get3A_469, %mul3A_470 : vector<16xf32>
          %swap3A_472 = arith.index_cast %rem3A_91 : i32 to index
          %swap3A_473 = arith.index_cast %add3A_464 : i32 to index
          %swap3A_474 = arith.constant 0 : index
          %swap3A_475 = tpu.vector_load %arg13[%swap3A_472, %swap3A_473, %swap3A_474] {strides = array<i32>} : memref<2x64x128xf32, #tpu.memory_space<vmem>>, vector<1x1x16xf32>,
          %swap3A_476 = vector.shape_cast %swap3A_475 : vector<1x1x16xf32> to vector<16xf32>
          %swap3A_477 = vector.shape_cast %mul3A_471 : vector<16xf32> to vector<1x1x16xf32>
          tpu.vector_store %arg13[%swap3A_472, %swap3A_473, %swap3A_474], %swap3A_477 {strides = array<i32>} : memref<2x64x128xf32, #tpu.memory_space<vmem>>, vector<1x1x16xf32>,
          %get3A_478 = arith.index_cast %rem3A_91 : i32 to index
          %get3A_479 = arith.index_cast %add3A_464 : i32 to index
          %get3A_480 = arith.constant 16 : index
          %get3A_481 = tpu.vector_load %arg13[%get3A_478, %get3A_479, %get3A_480] {strides = array<i32>} : memref<2x64x128xf32, #tpu.memory_space<vmem>>, vector<1x1x16xf32>,
          %get3A_482 = vector.shape_cast %get3A_481 : vector<1x1x16xf32> to vector<16xf32>
          %mul3A_483 = vector.broadcast %squeeze3A_460 : f32 to vector<16xf32>
          %mul3A_484 = arith.mulf %get3A_482, %mul3A_483 : vector<16xf32>
          %swap3A_485 = arith.index_cast %rem3A_91 : i32 to index
          %swap3A_486 = arith.index_cast %add3A_464 : i32 to index
          %swap3A_487 = arith.constant 16 : index
          %swap3A_488 = tpu.vector_load %arg13[%swap3A_485, %swap3A_486, %swap3A_487] {strides = array<i32>} : memref<2x64x128xf32, #tpu.memory_space<vmem>>, vector<1x1x16xf32>,
          %swap3A_489 = vector.shape_cast %swap3A_488 : vector<1x1x16xf32> to vector<16xf32>
          %swap3A_490 = vector.shape_cast %mul3A_484 : vector<16xf32> to vector<1x1x16xf32>
          tpu.vector_store %arg13[%swap3A_485, %swap3A_486, %swap3A_487], %swap3A_490 {strides = array<i32>} : memref<2x64x128xf32, #tpu.memory_space<vmem>>, vector<1x1x16xf32>,
          %get3A_491 = arith.index_cast %rem3A_91 : i32 to index
          %get3A_492 = arith.index_cast %add3A_464 : i32 to index
          %get3A_493 = arith.constant 32 : index
          %get3A_494 = tpu.vector_load %arg13[%get3A_491, %get3A_492, %get3A_493] {strides = array<i32>} : memref<2x64x128xf32, #tpu.memory_space<vmem>>, vector<1x1x16xf32>,
          %get3A_495 = vector.shape_cast %get3A_494 : vector<1x1x16xf32> to vector<16xf32>
          %mul3A_496 = vector.broadcast %squeeze3A_460 : f32 to vector<16xf32>
          %mul3A_497 = arith.mulf %get3A_495, %mul3A_496 : vector<16xf32>
          %swap3A_498 = arith.index_cast %rem3A_91 : i32 to index
          %swap3A_499 = arith.index_cast %add3A_464 : i32 to index
          %swap3A_500 = arith.constant 32 : index
          %swap3A_501 = tpu.vector_load %arg13[%swap3A_498, %swap3A_499, %swap3A_500] {strides = array<i32>} : memref<2x64x128xf32, #tpu.memory_space<vmem>>, vector<1x1x16xf32>,
          %swap3A_502 = vector.shape_cast %swap3A_501 : vector<1x1x16xf32> to vector<16xf32>
          %swap3A_503 = vector.shape_cast %mul3A_497 : vector<16xf32> to vector<1x1x16xf32>
          tpu.vector_store %arg13[%swap3A_498, %swap3A_499, %swap3A_500], %swap3A_503 {strides = array<i32>} : memref<2x64x128xf32, #tpu.memory_space<vmem>>, vector<1x1x16xf32>,
          %get3A_504 = arith.index_cast %rem3A_91 : i32 to index
          %get3A_505 = arith.index_cast %add3A_464 : i32 to index
          %get3A_506 = arith.constant 48 : index
          %get3A_507 = tpu.vector_load %arg13[%get3A_504, %get3A_505, %get3A_506] {strides = array<i32>} : memref<2x64x128xf32, #tpu.memory_space<vmem>>, vector<1x1x16xf32>,
          %get3A_508 = vector.shape_cast %get3A_507 : vector<1x1x16xf32> to vector<16xf32>
          %mul3A_509 = vector.broadcast %squeeze3A_460 : f32 to vector<16xf32>
          %mul3A_510 = arith.mulf %get3A_508, %mul3A_509 : vector<16xf32>
          %swap3A_511 = arith.index_cast %rem3A_91 : i32 to index
          %swap3A_512 = arith.index_cast %add3A_464 : i32 to index
          %swap3A_513 = arith.constant 48 : index
          %swap3A_514 = tpu.vector_load %arg13[%swap3A_511, %swap3A_512, %swap3A_513] {strides = array<i32>} : memref<2x64x128xf32, #tpu.memory_space<vmem>>, vector<1x1x16xf32>,
          %swap3A_515 = vector.shape_cast %swap3A_514 : vector<1x1x16xf32> to vector<16xf32>
          %swap3A_516 = vector.shape_cast %mul3A_510 : vector<16xf32> to vector<1x1x16xf32>
          tpu.vector_store %arg13[%swap3A_511, %swap3A_512, %swap3A_513], %swap3A_516 {strides = array<i32>} : memref<2x64x128xf32, #tpu.memory_space<vmem>>, vector<1x1x16xf32>,
          %get3A_517 = arith.index_cast %rem3A_91 : i32 to index
          %get3A_518 = arith.index_cast %add3A_464 : i32 to index
          %get3A_519 = arith.constant 64 : index
          %get3A_520 = tpu.vector_load %arg13[%get3A_517, %get3A_518, %get3A_519] {strides = array<i32>} : memref<2x64x128xf32, #tpu.memory_space<vmem>>, vector<1x1x16xf32>,
          %get3A_521 = vector.shape_cast %get3A_520 : vector<1x1x16xf32> to vector<16xf32>
          %mul3A_522 = vector.broadcast %squeeze3A_460 : f32 to vector<16xf32>
          %mul3A_523 = arith.mulf %get3A_521, %mul3A_522 : vector<16xf32>
          %swap3A_524 = arith.index_cast %rem3A_91 : i32 to index
          %swap3A_525 = arith.index_cast %add3A_464 : i32 to index
          %swap3A_526 = arith.constant 64 : index
          %swap3A_527 = tpu.vector_load %arg13[%swap3A_524, %swap3A_525, %swap3A_526] {strides = array<i32>} : memref<2x64x128xf32, #tpu.memory_space<vmem>>, vector<1x1x16xf32>,
          %swap3A_528 = vector.shape_cast %swap3A_527 : vector<1x1x16xf32> to vector<16xf32>
          %swap3A_529 = vector.shape_cast %mul3A_523 : vector<16xf32> to vector<1x1x16xf32>
          tpu.vector_store %arg13[%swap3A_524, %swap3A_525, %swap3A_526], %swap3A_529 {strides = array<i32>} : memref<2x64x128xf32, #tpu.memory_space<vmem>>, vector<1x1x16xf32>,
          %get3A_530 = arith.index_cast %rem3A_91 : i32 to index
          %get3A_531 = arith.index_cast %add3A_464 : i32 to index
          %get3A_532 = arith.constant 80 : index
          %get3A_533 = tpu.vector_load %arg13[%get3A_530, %get3A_531, %get3A_532] {strides = array<i32>} : memref<2x64x128xf32, #tpu.memory_space<vmem>>, vector<1x1x16xf32>,
          %get3A_534 = vector.shape_cast %get3A_533 : vector<1x1x16xf32> to vector<16xf32>
          %mul3A_535 = vector.broadcast %squeeze3A_460 : f32 to vector<16xf32>
          %mul3A_536 = arith.mulf %get3A_534, %mul3A_535 : vector<16xf32>
          %swap3A_537 = arith.index_cast %rem3A_91 : i32 to index
          %swap3A_538 = arith.index_cast %add3A_464 : i32 to index
          %swap3A_539 = arith.constant 80 : index
          %swap3A_540 = tpu.vector_load %arg13[%swap3A_537, %swap3A_538, %swap3A_539] {strides = array<i32>} : memref<2x64x128xf32, #tpu.memory_space<vmem>>, vector<1x1x16xf32>,
          %swap3A_541 = vector.shape_cast %swap3A_540 : vector<1x1x16xf32> to vector<16xf32>
          %swap3A_542 = vector.shape_cast %mul3A_536 : vector<16xf32> to vector<1x1x16xf32>
          tpu.vector_store %arg13[%swap3A_537, %swap3A_538, %swap3A_539], %swap3A_542 {strides = array<i32>} : memref<2x64x128xf32, #tpu.memory_space<vmem>>, vector<1x1x16xf32>,
          %get3A_543 = arith.index_cast %rem3A_91 : i32 to index
          %get3A_544 = arith.index_cast %add3A_464 : i32 to index
          %get3A_545 = arith.constant 96 : index
          %get3A_546 = tpu.vector_load %arg13[%get3A_543, %get3A_544, %get3A_545] {strides = array<i32>} : memref<2x64x128xf32, #tpu.memory_space<vmem>>, vector<1x1x16xf32>,
          %get3A_547 = vector.shape_cast %get3A_546 : vector<1x1x16xf32> to vector<16xf32>
          %mul3A_548 = vector.broadcast %squeeze3A_460 : f32 to vector<16xf32>
          %mul3A_549 = arith.mulf %get3A_547, %mul3A_548 : vector<16xf32>
          %swap3A_550 = arith.index_cast %rem3A_91 : i32 to index
          %swap3A_551 = arith.index_cast %add3A_464 : i32 to index
          %swap3A_552 = arith.constant 96 : index
          %swap3A_553 = tpu.vector_load %arg13[%swap3A_550, %swap3A_551, %swap3A_552] {strides = array<i32>} : memref<2x64x128xf32, #tpu.memory_space<vmem>>, vector<1x1x16xf32>,
          %swap3A_554 = vector.shape_cast %swap3A_553 : vector<1x1x16xf32> to vector<16xf32>
          %swap3A_555 = vector.shape_cast %mul3A_549 : vector<16xf32> to vector<1x1x16xf32>
          tpu.vector_store %arg13[%swap3A_550, %swap3A_551, %swap3A_552], %swap3A_555 {strides = array<i32>} : memref<2x64x128xf32, #tpu.memory_space<vmem>>, vector<1x1x16xf32>,
          %get3A_556 = arith.index_cast %rem3A_91 : i32 to index
          %get3A_557 = arith.index_cast %add3A_464 : i32 to index
          %get3A_558 = arith.constant 112 : index
          %get3A_559 = tpu.vector_load %arg13[%get3A_556, %get3A_557, %get3A_558] {strides = array<i32>} : memref<2x64x128xf32, #tpu.memory_space<vmem>>, vector<1x1x16xf32>,
          %get3A_560 = vector.shape_cast %get3A_559 : vector<1x1x16xf32> to vector<16xf32>
          %mul3A_561 = vector.broadcast %squeeze3A_460 : f32 to vector<16xf32>
          %mul3A_562 = arith.mulf %get3A_560, %mul3A_561 : vector<16xf32>
          %swap3A_563 = arith.index_cast %rem3A_91 : i32 to index
          %swap3A_564 = arith.index_cast %add3A_464 : i32 to index
          %swap3A_565 = arith.constant 112 : index
          %swap3A_566 = tpu.vector_load %arg13[%swap3A_563, %swap3A_564, %swap3A_565] {strides = array<i32>} : memref<2x64x128xf32, #tpu.memory_space<vmem>>, vector<1x1x16xf32>,
          %swap3A_567 = vector.shape_cast %swap3A_566 : vector<1x1x16xf32> to vector<16xf32>
          %swap3A_568 = vector.shape_cast %mul3A_562 : vector<16xf32> to vector<1x1x16xf32>
          tpu.vector_store %arg13[%swap3A_563, %swap3A_564, %swap3A_565], %swap3A_568 {strides = array<i32>} : memref<2x64x128xf32, #tpu.memory_space<vmem>>, vector<1x1x16xf32>,
          %slice3A_569 = vector.extract_strided_slice %get3A_131 {offsets = [4], sizes = [1], strides = [1]} : vector<16xf32> to vector<1xf32>
          %squeeze3A_570 = vector.extract %slice3A_569[0] : f32 from vector<1xf32>
          %mul3A_571 = arith.constant 16 : i32
          %mul3A_572 = arith.muli %scan3A_126, %mul3A_571 : i32
          %add3A_573 = arith.constant 4 : i32
          %add3A_574 = arith.addi %mul3A_572, %add3A_573 : i32
          %get3A_575 = arith.index_cast %rem3A_91 : i32 to index
          %get3A_576 = arith.index_cast %add3A_574 : i32 to index
          %get3A_577 = arith.constant 0 : index
          %get3A_578 = tpu.vector_load %arg13[%get3A_575, %get3A_576, %get3A_577] {strides = array<i32>} : memref<2x64x128xf32, #tpu.memory_space<vmem>>, vector<1x1x16xf32>,
          %get3A_579 = vector.shape_cast %get3A_578 : vector<1x1x16xf32> to vector<16xf32>
          %mul3A_580 = vector.broadcast %squeeze3A_570 : f32 to vector<16xf32>
          %mul3A_581 = arith.mulf %get3A_579, %mul3A_580 : vector<16xf32>
          %swap3A_582 = arith.index_cast %rem3A_91 : i32 to index
          %swap3A_583 = arith.index_cast %add3A_574 : i32 to index
          %swap3A_584 = arith.constant 0 : index
          %swap3A_585 = tpu.vector_load %arg13[%swap3A_582, %swap3A_583, %swap3A_584] {strides = array<i32>} : memref<2x64x128xf32, #tpu.memory_space<vmem>>, vector<1x1x16xf32>,
          %swap3A_586 = vector.shape_cast %swap3A_585 : vector<1x1x16xf32> to vector<16xf32>
          %swap3A_587 = vector.shape_cast %mul3A_581 : vector<16xf32> to vector<1x1x16xf32>
          tpu.vector_store %arg13[%swap3A_582, %swap3A_583, %swap3A_584], %swap3A_587 {strides = array<i32>} : memref<2x64x128xf32, #tpu.memory_space<vmem>>, vector<1x1x16xf32>,
          %get3A_588 = arith.index_cast %rem3A_91 : i32 to index
          %get3A_589 = arith.index_cast %add3A_574 : i32 to index
          %get3A_590 = arith.constant 16 : index
          %get3A_591 = tpu.vector_load %arg13[%get3A_588, %get3A_589, %get3A_590] {strides = array<i32>} : memref<2x64x128xf32, #tpu.memory_space<vmem>>, vector<1x1x16xf32>,
          %get3A_592 = vector.shape_cast %get3A_591 : vector<1x1x16xf32> to vector<16xf32>
          %mul3A_593 = vector.broadcast %squeeze3A_570 : f32 to vector<16xf32>
          %mul3A_594 = arith.mulf %get3A_592, %mul3A_593 : vector<16xf32>
          %swap3A_595 = arith.index_cast %rem3A_91 : i32 to index
          %swap3A_596 = arith.index_cast %add3A_574 : i32 to index
          %swap3A_597 = arith.constant 16 : index
          %swap3A_598 = tpu.vector_load %arg13[%swap3A_595, %swap3A_596, %swap3A_597] {strides = array<i32>} : memref<2x64x128xf32, #tpu.memory_space<vmem>>, vector<1x1x16xf32>,
          %swap3A_599 = vector.shape_cast %swap3A_598 : vector<1x1x16xf32> to vector<16xf32>
          %swap3A_600 = vector.shape_cast %mul3A_594 : vector<16xf32> to vector<1x1x16xf32>
          tpu.vector_store %arg13[%swap3A_595, %swap3A_596, %swap3A_597], %swap3A_600 {strides = array<i32>} : memref<2x64x128xf32, #tpu.memory_space<vmem>>, vector<1x1x16xf32>,
          %get3A_601 = arith.index_cast %rem3A_91 : i32 to index
          %get3A_602 = arith.index_cast %add3A_574 : i32 to index
          %get3A_603 = arith.constant 32 : index
          %get3A_604 = tpu.vector_load %arg13[%get3A_601, %get3A_602, %get3A_603] {strides = array<i32>} : memref<2x64x128xf32, #tpu.memory_space<vmem>>, vector<1x1x16xf32>,
          %get3A_605 = vector.shape_cast %get3A_604 : vector<1x1x16xf32> to vector<16xf32>
          %mul3A_606 = vector.broadcast %squeeze3A_570 : f32 to vector<16xf32>
          %mul3A_607 = arith.mulf %get3A_605, %mul3A_606 : vector<16xf32>
          %swap3A_608 = arith.index_cast %rem3A_91 : i32 to index
          %swap3A_609 = arith.index_cast %add3A_574 : i32 to index
          %swap3A_610 = arith.constant 32 : index
          %swap3A_611 = tpu.vector_load %arg13[%swap3A_608, %swap3A_609, %swap3A_610] {strides = array<i32>} : memref<2x64x128xf32, #tpu.memory_space<vmem>>, vector<1x1x16xf32>,
          %swap3A_612 = vector.shape_cast %swap3A_611 : vector<1x1x16xf32> to vector<16xf32>
          %swap3A_613 = vector.shape_cast %mul3A_607 : vector<16xf32> to vector<1x1x16xf32>
          tpu.vector_store %arg13[%swap3A_608, %swap3A_609, %swap3A_610], %swap3A_613 {strides = array<i32>} : memref<2x64x128xf32, #tpu.memory_space<vmem>>, vector<1x1x16xf32>,
          %get3A_614 = arith.index_cast %rem3A_91 : i32 to index
          %get3A_615 = arith.index_cast %add3A_574 : i32 to index
          %get3A_616 = arith.constant 48 : index
          %get3A_617 = tpu.vector_load %arg13[%get3A_614, %get3A_615, %get3A_616] {strides = array<i32>} : memref<2x64x128xf32, #tpu.memory_space<vmem>>, vector<1x1x16xf32>,
          %get3A_618 = vector.shape_cast %get3A_617 : vector<1x1x16xf32> to vector<16xf32>
          %mul3A_619 = vector.broadcast %squeeze3A_570 : f32 to vector<16xf32>
          %mul3A_620 = arith.mulf %get3A_618, %mul3A_619 : vector<16xf32>
          %swap3A_621 = arith.index_cast %rem3A_91 : i32 to index
          %swap3A_622 = arith.index_cast %add3A_574 : i32 to index
          %swap3A_623 = arith.constant 48 : index
          %swap3A_624 = tpu.vector_load %arg13[%swap3A_621, %swap3A_622, %swap3A_623] {strides = array<i32>} : memref<2x64x128xf32, #tpu.memory_space<vmem>>, vector<1x1x16xf32>,
          %swap3A_625 = vector.shape_cast %swap3A_624 : vector<1x1x16xf32> to vector<16xf32>
          %swap3A_626 = vector.shape_cast %mul3A_620 : vector<16xf32> to vector<1x1x16xf32>
          tpu.vector_store %arg13[%swap3A_621, %swap3A_622, %swap3A_623], %swap3A_626 {strides = array<i32>} : memref<2x64x128xf32, #tpu.memory_space<vmem>>, vector<1x1x16xf32>,
          %get3A_627 = arith.index_cast %rem3A_91 : i32 to index
          %get3A_628 = arith.index_cast %add3A_574 : i32 to index
          %get3A_629 = arith.constant 64 : index
          %get3A_630 = tpu.vector_load %arg13[%get3A_627, %get3A_628, %get3A_629] {strides = array<i32>} : memref<2x64x128xf32, #tpu.memory_space<vmem>>, vector<1x1x16xf32>,
          %get3A_631 = vector.shape_cast %get3A_630 : vector<1x1x16xf32> to vector<16xf32>
          %mul3A_632 = vector.broadcast %squeeze3A_570 : f32 to vector<16xf32>
          %mul3A_633 = arith.mulf %get3A_631, %mul3A_632 : vector<16xf32>
          %swap3A_634 = arith.index_cast %rem3A_91 : i32 to index
          %swap3A_635 = arith.index_cast %add3A_574 : i32 to index
          %swap3A_636 = arith.constant 64 : index
          %swap3A_637 = tpu.vector_load %arg13[%swap3A_634, %swap3A_635, %swap3A_636] {strides = array<i32>} : memref<2x64x128xf32, #tpu.memory_space<vmem>>, vector<1x1x16xf32>,
          %swap3A_638 = vector.shape_cast %swap3A_637 : vector<1x1x16xf32> to vector<16xf32>
          %swap3A_639 = vector.shape_cast %mul3A_633 : vector<16xf32> to vector<1x1x16xf32>
          tpu.vector_store %arg13[%swap3A_634, %swap3A_635, %swap3A_636], %swap3A_639 {strides = array<i32>} : memref<2x64x128xf32, #tpu.memory_space<vmem>>, vector<1x1x16xf32>,
          %get3A_640 = arith.index_cast %rem3A_91 : i32 to index
          %get3A_641 = arith.index_cast %add3A_574 : i32 to index
          %get3A_642 = arith.constant 80 : index
          %get3A_643 = tpu.vector_load %arg13[%get3A_640, %get3A_641, %get3A_642] {strides = array<i32>} : memref<2x64x128xf32, #tpu.memory_space<vmem>>, vector<1x1x16xf32>,
          %get3A_644 = vector.shape_cast %get3A_643 : vector<1x1x16xf32> to vector<16xf32>
          %mul3A_645 = vector.broadcast %squeeze3A_570 : f32 to vector<16xf32>
          %mul3A_646 = arith.mulf %get3A_644, %mul3A_645 : vector<16xf32>
          %swap3A_647 = arith.index_cast %rem3A_91 : i32 to index
          %swap3A_648 = arith.index_cast %add3A_574 : i32 to index
          %swap3A_649 = arith.constant 80 : index
          %swap3A_650 = tpu.vector_load %arg13[%swap3A_647, %swap3A_648, %swap3A_649] {strides = array<i32>} : memref<2x64x128xf32, #tpu.memory_space<vmem>>, vector<1x1x16xf32>,
          %swap3A_651 = vector.shape_cast %swap3A_650 : vector<1x1x16xf32> to vector<16xf32>
          %swap3A_652 = vector.shape_cast %mul3A_646 : vector<16xf32> to vector<1x1x16xf32>
          tpu.vector_store %arg13[%swap3A_647, %swap3A_648, %swap3A_649], %swap3A_652 {strides = array<i32>} : memref<2x64x128xf32, #tpu.memory_space<vmem>>, vector<1x1x16xf32>,
          %get3A_653 = arith.index_cast %rem3A_91 : i32 to index
          %get3A_654 = arith.index_cast %add3A_574 : i32 to index
          %get3A_655 = arith.constant 96 : index
          %get3A_656 = tpu.vector_load %arg13[%get3A_653, %get3A_654, %get3A_655] {strides = array<i32>} : memref<2x64x128xf32, #tpu.memory_space<vmem>>, vector<1x1x16xf32>,
          %get3A_657 = vector.shape_cast %get3A_656 : vector<1x1x16xf32> to vector<16xf32>
          %mul3A_658 = vector.broadcast %squeeze3A_570 : f32 to vector<16xf32>
          %mul3A_659 = arith.mulf %get3A_657, %mul3A_658 : vector<16xf32>
          %swap3A_660 = arith.index_cast %rem3A_91 : i32 to index
          %swap3A_661 = arith.index_cast %add3A_574 : i32 to index
          %swap3A_662 = arith.constant 96 : index
          %swap3A_663 = tpu.vector_load %arg13[%swap3A_660, %swap3A_661, %swap3A_662] {strides = array<i32>} : memref<2x64x128xf32, #tpu.memory_space<vmem>>, vector<1x1x16xf32>,
          %swap3A_664 = vector.shape_cast %swap3A_663 : vector<1x1x16xf32> to vector<16xf32>
          %swap3A_665 = vector.shape_cast %mul3A_659 : vector<16xf32> to vector<1x1x16xf32>
          tpu.vector_store %arg13[%swap3A_660, %swap3A_661, %swap3A_662], %swap3A_665 {strides = array<i32>} : memref<2x64x128xf32, #tpu.memory_space<vmem>>, vector<1x1x16xf32>,
          %get3A_666 = arith.index_cast %rem3A_91 : i32 to index
          %get3A_667 = arith.index_cast %add3A_574 : i32 to index
          %get3A_668 = arith.constant 112 : index
          %get3A_669 = tpu.vector_load %arg13[%get3A_666, %get3A_667, %get3A_668] {strides = array<i32>} : memref<2x64x128xf32, #tpu.memory_space<vmem>>, vector<1x1x16xf32>,
          %get3A_670 = vector.shape_cast %get3A_669 : vector<1x1x16xf32> to vector<16xf32>
          %mul3A_671 = vector.broadcast %squeeze3A_570 : f32 to vector<16xf32>
          %mul3A_672 = arith.mulf %get3A_670, %mul3A_671 : vector<16xf32>
          %swap3A_673 = arith.index_cast %rem3A_91 : i32 to index
          %swap3A_674 = arith.index_cast %add3A_574 : i32 to index
          %swap3A_675 = arith.constant 112 : index
          %swap3A_676 = tpu.vector_load %arg13[%swap3A_673, %swap3A_674, %swap3A_675] {strides = array<i32>} : memref<2x64x128xf32, #tpu.memory_space<vmem>>, vector<1x1x16xf32>,
          %swap3A_677 = vector.shape_cast %swap3A_676 : vector<1x1x16xf32> to vector<16xf32>
          %swap3A_678 = vector.shape_cast %mul3A_672 : vector<16xf32> to vector<1x1x16xf32>
          tpu.vector_store %arg13[%swap3A_673, %swap3A_674, %swap3A_675], %swap3A_678 {strides = array<i32>} : memref<2x64x128xf32, #tpu.memory_space<vmem>>, vector<1x1x16xf32>,
          %slice3A_679 = vector.extract_strided_slice %get3A_131 {offsets = [5], sizes = [1], strides = [1]} : vector<16xf32> to vector<1xf32>
          %squeeze3A_680 = vector.extract %slice3A_679[0] : f32 from vector<1xf32>
          %mul3A_681 = arith.constant 16 : i32
          %mul3A_682 = arith.muli %scan3A_126, %mul3A_681 : i32
          %add3A_683 = arith.constant 5 : i32
          %add3A_684 = arith.addi %mul3A_682, %add3A_683 : i32
          %get3A_685 = arith.index_cast %rem3A_91 : i32 to index
          %get3A_686 = arith.index_cast %add3A_684 : i32 to index
          %get3A_687 = arith.constant 0 : index
          %get3A_688 = tpu.vector_load %arg13[%get3A_685, %get3A_686, %get3A_687] {strides = array<i32>} : memref<2x64x128xf32, #tpu.memory_space<vmem>>, vector<1x1x16xf32>,
          %get3A_689 = vector.shape_cast %get3A_688 : vector<1x1x16xf32> to vector<16xf32>
          %mul3A_690 = vector.broadcast %squeeze3A_680 : f32 to vector<16xf32>
          %mul3A_691 = arith.mulf %get3A_689, %mul3A_690 : vector<16xf32>
          %swap3A_692 = arith.index_cast %rem3A_91 : i32 to index
          %swap3A_693 = arith.index_cast %add3A_684 : i32 to index
          %swap3A_694 = arith.constant 0 : index
          %swap3A_695 = tpu.vector_load %arg13[%swap3A_692, %swap3A_693, %swap3A_694] {strides = array<i32>} : memref<2x64x128xf32, #tpu.memory_space<vmem>>, vector<1x1x16xf32>,
          %swap3A_696 = vector.shape_cast %swap3A_695 : vector<1x1x16xf32> to vector<16xf32>
          %swap3A_697 = vector.shape_cast %mul3A_691 : vector<16xf32> to vector<1x1x16xf32>
          tpu.vector_store %arg13[%swap3A_692, %swap3A_693, %swap3A_694], %swap3A_697 {strides = array<i32>} : memref<2x64x128xf32, #tpu.memory_space<vmem>>, vector<1x1x16xf32>,
          %get3A_698 = arith.index_cast %rem3A_91 : i32 to index
          %get3A_699 = arith.index_cast %add3A_684 : i32 to index
          %get3A_700 = arith.constant 16 : index
          %get3A_701 = tpu.vector_load %arg13[%get3A_698, %get3A_699, %get3A_700] {strides = array<i32>} : memref<2x64x128xf32, #tpu.memory_space<vmem>>, vector<1x1x16xf32>,
          %get3A_702 = vector.shape_cast %get3A_701 : vector<1x1x16xf32> to vector<16xf32>
          %mul3A_703 = vector.broadcast %squeeze3A_680 : f32 to vector<16xf32>
          %mul3A_704 = arith.mulf %get3A_702, %mul3A_703 : vector<16xf32>
          %swap3A_705 = arith.index_cast %rem3A_91 : i32 to index
          %swap3A_706 = arith.index_cast %add3A_684 : i32 to index
          %swap3A_707 = arith.constant 16 : index
          %swap3A_708 = tpu.vector_load %arg13[%swap3A_705, %swap3A_706, %swap3A_707] {strides = array<i32>} : memref<2x64x128xf32, #tpu.memory_space<vmem>>, vector<1x1x16xf32>,
          %swap3A_709 = vector.shape_cast %swap3A_708 : vector<1x1x16xf32> to vector<16xf32>
          %swap3A_710 = vector.shape_cast %mul3A_704 : vector<16xf32> to vector<1x1x16xf32>
          tpu.vector_store %arg13[%swap3A_705, %swap3A_706, %swap3A_707], %swap3A_710 {strides = array<i32>} : memref<2x64x128xf32, #tpu.memory_space<vmem>>, vector<1x1x16xf32>,
          %get3A_711 = arith.index_cast %rem3A_91 : i32 to index
          %get3A_712 = arith.index_cast %add3A_684 : i32 to index
          %get3A_713 = arith.constant 32 : index
          %get3A_714 = tpu.vector_load %arg13[%get3A_711, %get3A_712, %get3A_713] {strides = array<i32>} : memref<2x64x128xf32, #tpu.memory_space<vmem>>, vector<1x1x16xf32>,
          %get3A_715 = vector.shape_cast %get3A_714 : vector<1x1x16xf32> to vector<16xf32>
          %mul3A_716 = vector.broadcast %squeeze3A_680 : f32 to vector<16xf32>
          %mul3A_717 = arith.mulf %get3A_715, %mul3A_716 : vector<16xf32>
          %swap3A_718 = arith.index_cast %rem3A_91 : i32 to index
          %swap3A_719 = arith.index_cast %add3A_684 : i32 to index
          %swap3A_720 = arith.constant 32 : index
          %swap3A_721 = tpu.vector_load %arg13[%swap3A_718, %swap3A_719, %swap3A_720] {strides = array<i32>} : memref<2x64x128xf32, #tpu.memory_space<vmem>>, vector<1x1x16xf32>,
          %swap3A_722 = vector.shape_cast %swap3A_721 : vector<1x1x16xf32> to vector<16xf32>
          %swap3A_723 = vector.shape_cast %mul3A_717 : vector<16xf32> to vector<1x1x16xf32>
          tpu.vector_store %arg13[%swap3A_718, %swap3A_719, %swap3A_720], %swap3A_723 {strides = array<i32>} : memref<2x64x128xf32, #tpu.memory_space<vmem>>, vector<1x1x16xf32>,
          %get3A_724 = arith.index_cast %rem3A_91 : i32 to index
          %get3A_725 = arith.index_cast %add3A_684 : i32 to index
          %get3A_726 = arith.constant 48 : index
          %get3A_727 = tpu.vector_load %arg13[%get3A_724, %get3A_725, %get3A_726] {strides = array<i32>} : memref<2x64x128xf32, #tpu.memory_space<vmem>>, vector<1x1x16xf32>,
          %get3A_728 = vector.shape_cast %get3A_727 : vector<1x1x16xf32> to vector<16xf32>
          %mul3A_729 = vector.broadcast %squeeze3A_680 : f32 to vector<16xf32>
          %mul3A_730 = arith.mulf %get3A_728, %mul3A_729 : vector<16xf32>
          %swap3A_731 = arith.index_cast %rem3A_91 : i32 to index
          %swap3A_732 = arith.index_cast %add3A_684 : i32 to index
          %swap3A_733 = arith.constant 48 : index
          %swap3A_734 = tpu.vector_load %arg13[%swap3A_731, %swap3A_732, %swap3A_733] {strides = array<i32>} : memref<2x64x128xf32, #tpu.memory_space<vmem>>, vector<1x1x16xf32>,
          %swap3A_735 = vector.shape_cast %swap3A_734 : vector<1x1x16xf32> to vector<16xf32>
          %swap3A_736 = vector.shape_cast %mul3A_730 : vector<16xf32> to vector<1x1x16xf32>
          tpu.vector_store %arg13[%swap3A_731, %swap3A_732, %swap3A_733], %swap3A_736 {strides = array<i32>} : memref<2x64x128xf32, #tpu.memory_space<vmem>>, vector<1x1x16xf32>,
          %get3A_737 = arith.index_cast %rem3A_91 : i32 to index
          %get3A_738 = arith.index_cast %add3A_684 : i32 to index
          %get3A_739 = arith.constant 64 : index
          %get3A_740 = tpu.vector_load %arg13[%get3A_737, %get3A_738, %get3A_739] {strides = array<i32>} : memref<2x64x128xf32, #tpu.memory_space<vmem>>, vector<1x1x16xf32>,
          %get3A_741 = vector.shape_cast %get3A_740 : vector<1x1x16xf32> to vector<16xf32>
          %mul3A_742 = vector.broadcast %squeeze3A_680 : f32 to vector<16xf32>
          %mul3A_743 = arith.mulf %get3A_741, %mul3A_742 : vector<16xf32>
          %swap3A_744 = arith.index_cast %rem3A_91 : i32 to index
          %swap3A_745 = arith.index_cast %add3A_684 : i32 to index
          %swap3A_746 = arith.constant 64 : index
          %swap3A_747 = tpu.vector_load %arg13[%swap3A_744, %swap3A_745, %swap3A_746] {strides = array<i32>} : memref<2x64x128xf32, #tpu.memory_space<vmem>>, vector<1x1x16xf32>,
          %swap3A_748 = vector.shape_cast %swap3A_747 : vector<1x1x16xf32> to vector<16xf32>
          %swap3A_749 = vector.shape_cast %mul3A_743 : vector<16xf32> to vector<1x1x16xf32>
          tpu.vector_store %arg13[%swap3A_744, %swap3A_745, %swap3A_746], %swap3A_749 {strides = array<i32>} : memref<2x64x128xf32, #tpu.memory_space<vmem>>, vector<1x1x16xf32>,
          %get3A_750 = arith.index_cast %rem3A_91 : i32 to index
          %get3A_751 = arith.index_cast %add3A_684 : i32 to index
          %get3A_752 = arith.constant 80 : index
          %get3A_753 = tpu.vector_load %arg13[%get3A_750, %get3A_751, %get3A_752] {strides = array<i32>} : memref<2x64x128xf32, #tpu.memory_space<vmem>>, vector<1x1x16xf32>,
          %get3A_754 = vector.shape_cast %get3A_753 : vector<1x1x16xf32> to vector<16xf32>
          %mul3A_755 = vector.broadcast %squeeze3A_680 : f32 to vector<16xf32>
          %mul3A_756 = arith.mulf %get3A_754, %mul3A_755 : vector<16xf32>
          %swap3A_757 = arith.index_cast %rem3A_91 : i32 to index
          %swap3A_758 = arith.index_cast %add3A_684 : i32 to index
          %swap3A_759 = arith.constant 80 : index
          %swap3A_760 = tpu.vector_load %arg13[%swap3A_757, %swap3A_758, %swap3A_759] {strides = array<i32>} : memref<2x64x128xf32, #tpu.memory_space<vmem>>, vector<1x1x16xf32>,
          %swap3A_761 = vector.shape_cast %swap3A_760 : vector<1x1x16xf32> to vector<16xf32>
          %swap3A_762 = vector.shape_cast %mul3A_756 : vector<16xf32> to vector<1x1x16xf32>
          tpu.vector_store %arg13[%swap3A_757, %swap3A_758, %swap3A_759], %swap3A_762 {strides = array<i32>} : memref<2x64x128xf32, #tpu.memory_space<vmem>>, vector<1x1x16xf32>,
          %get3A_763 = arith.index_cast %rem3A_91 : i32 to index
          %get3A_764 = arith.index_cast %add3A_684 : i32 to index
          %get3A_765 = arith.constant 96 : index
          %get3A_766 = tpu.vector_load %arg13[%get3A_763, %get3A_764, %get3A_765] {strides = array<i32>} : memref<2x64x128xf32, #tpu.memory_space<vmem>>, vector<1x1x16xf32>,
          %get3A_767 = vector.shape_cast %get3A_766 : vector<1x1x16xf32> to vector<16xf32>
          %mul3A_768 = vector.broadcast %squeeze3A_680 : f32 to vector<16xf32>
          %mul3A_769 = arith.mulf %get3A_767, %mul3A_768 : vector<16xf32>
          %swap3A_770 = arith.index_cast %rem3A_91 : i32 to index
          %swap3A_771 = arith.index_cast %add3A_684 : i32 to index
          %swap3A_772 = arith.constant 96 : index
          %swap3A_773 = tpu.vector_load %arg13[%swap3A_770, %swap3A_771, %swap3A_772] {strides = array<i32>} : memref<2x64x128xf32, #tpu.memory_space<vmem>>, vector<1x1x16xf32>,
          %swap3A_774 = vector.shape_cast %swap3A_773 : vector<1x1x16xf32> to vector<16xf32>
          %swap3A_775 = vector.shape_cast %mul3A_769 : vector<16xf32> to vector<1x1x16xf32>
          tpu.vector_store %arg13[%swap3A_770, %swap3A_771, %swap3A_772], %swap3A_775 {strides = array<i32>} : memref<2x64x128xf32, #tpu.memory_space<vmem>>, vector<1x1x16xf32>,
          %get3A_776 = arith.index_cast %rem3A_91 : i32 to index
          %get3A_777 = arith.index_cast %add3A_684 : i32 to index
          %get3A_778 = arith.constant 112 : index
          %get3A_779 = tpu.vector_load %arg13[%get3A_776, %get3A_777, %get3A_778] {strides = array<i32>} : memref<2x64x128xf32, #tpu.memory_space<vmem>>, vector<1x1x16xf32>,
          %get3A_780 = vector.shape_cast %get3A_779 : vector<1x1x16xf32> to vector<16xf32>
          %mul3A_781 = vector.broadcast %squeeze3A_680 : f32 to vector<16xf32>
          %mul3A_782 = arith.mulf %get3A_780, %mul3A_781 : vector<16xf32>
          %swap3A_783 = arith.index_cast %rem3A_91 : i32 to index
          %swap3A_784 = arith.index_cast %add3A_684 : i32 to index
          %swap3A_785 = arith.constant 112 : index
          %swap3A_786 = tpu.vector_load %arg13[%swap3A_783, %swap3A_784, %swap3A_785] {strides = array<i32>} : memref<2x64x128xf32, #tpu.memory_space<vmem>>, vector<1x1x16xf32>,
          %swap3A_787 = vector.shape_cast %swap3A_786 : vector<1x1x16xf32> to vector<16xf32>
          %swap3A_788 = vector.shape_cast %mul3A_782 : vector<16xf32> to vector<1x1x16xf32>
          tpu.vector_store %arg13[%swap3A_783, %swap3A_784, %swap3A_785], %swap3A_788 {strides = array<i32>} : memref<2x64x128xf32, #tpu.memory_space<vmem>>, vector<1x1x16xf32>,
          %slice3A_789 = vector.extract_strided_slice %get3A_131 {offsets = [6], sizes = [1], strides = [1]} : vector<16xf32> to vector<1xf32>
          %squeeze3A_790 = vector.extract %slice3A_789[0] : f32 from vector<1xf32>
          %mul3A_791 = arith.constant 16 : i32
          %mul3A_792 = arith.muli %scan3A_126, %mul3A_791 : i32
          %add3A_793 = arith.constant 6 : i32
          %add3A_794 = arith.addi %mul3A_792, %add3A_793 : i32
          %get3A_795 = arith.index_cast %rem3A_91 : i32 to index
          %get3A_796 = arith.index_cast %add3A_794 : i32 to index
          %get3A_797 = arith.constant 0 : index
          %get3A_798 = tpu.vector_load %arg13[%get3A_795, %get3A_796, %get3A_797] {strides = array<i32>} : memref<2x64x128xf32, #tpu.memory_space<vmem>>, vector<1x1x16xf32>,
          %get3A_799 = vector.shape_cast %get3A_798 : vector<1x1x16xf32> to vector<16xf32>
          %mul3A_800 = vector.broadcast %squeeze3A_790 : f32 to vector<16xf32>
          %mul3A_801 = arith.mulf %get3A_799, %mul3A_800 : vector<16xf32>
          %swap3A_802 = arith.index_cast %rem3A_91 : i32 to index
          %swap3A_803 = arith.index_cast %add3A_794 : i32 to index
          %swap3A_804 = arith.constant 0 : index
          %swap3A_805 = tpu.vector_load %arg13[%swap3A_802, %swap3A_803, %swap3A_804] {strides = array<i32>} : memref<2x64x128xf32, #tpu.memory_space<vmem>>, vector<1x1x16xf32>,
          %swap3A_806 = vector.shape_cast %swap3A_805 : vector<1x1x16xf32> to vector<16xf32>
          %swap3A_807 = vector.shape_cast %mul3A_801 : vector<16xf32> to vector<1x1x16xf32>
          tpu.vector_store %arg13[%swap3A_802, %swap3A_803, %swap3A_804], %swap3A_807 {strides = array<i32>} : memref<2x64x128xf32, #tpu.memory_space<vmem>>, vector<1x1x16xf32>,
          %get3A_808 = arith.index_cast %rem3A_91 : i32 to index
          %get3A_809 = arith.index_cast %add3A_794 : i32 to index
          %get3A_810 = arith.constant 16 : index
          %get3A_811 = tpu.vector_load %arg13[%get3A_808, %get3A_809, %get3A_810] {strides = array<i32>} : memref<2x64x128xf32, #tpu.memory_space<vmem>>, vector<1x1x16xf32>,
          %get3A_812 = vector.shape_cast %get3A_811 : vector<1x1x16xf32> to vector<16xf32>
          %mul3A_813 = vector.broadcast %squeeze3A_790 : f32 to vector<16xf32>
          %mul3A_814 = arith.mulf %get3A_812, %mul3A_813 : vector<16xf32>
          %swap3A_815 = arith.index_cast %rem3A_91 : i32 to index
          %swap3A_816 = arith.index_cast %add3A_794 : i32 to index
          %swap3A_817 = arith.constant 16 : index
          %swap3A_818 = tpu.vector_load %arg13[%swap3A_815, %swap3A_816, %swap3A_817] {strides = array<i32>} : memref<2x64x128xf32, #tpu.memory_space<vmem>>, vector<1x1x16xf32>,
          %swap3A_819 = vector.shape_cast %swap3A_818 : vector<1x1x16xf32> to vector<16xf32>
          %swap3A_820 = vector.shape_cast %mul3A_814 : vector<16xf32> to vector<1x1x16xf32>
          tpu.vector_store %arg13[%swap3A_815, %swap3A_816, %swap3A_817], %swap3A_820 {strides = array<i32>} : memref<2x64x128xf32, #tpu.memory_space<vmem>>, vector<1x1x16xf32>,
          %get3A_821 = arith.index_cast %rem3A_91 : i32 to index
          %get3A_822 = arith.index_cast %add3A_794 : i32 to index
          %get3A_823 = arith.constant 32 : index
          %get3A_824 = tpu.vector_load %arg13[%get3A_821, %get3A_822, %get3A_823] {strides = array<i32>} : memref<2x64x128xf32, #tpu.memory_space<vmem>>, vector<1x1x16xf32>,
          %get3A_825 = vector.shape_cast %get3A_824 : vector<1x1x16xf32> to vector<16xf32>
          %mul3A_826 = vector.broadcast %squeeze3A_790 : f32 to vector<16xf32>
          %mul3A_827 = arith.mulf %get3A_825, %mul3A_826 : vector<16xf32>
          %swap3A_828 = arith.index_cast %rem3A_91 : i32 to index
          %swap3A_829 = arith.index_cast %add3A_794 : i32 to index
          %swap3A_830 = arith.constant 32 : index
          %swap3A_831 = tpu.vector_load %arg13[%swap3A_828, %swap3A_829, %swap3A_830] {strides = array<i32>} : memref<2x64x128xf32, #tpu.memory_space<vmem>>, vector<1x1x16xf32>,
          %swap3A_832 = vector.shape_cast %swap3A_831 : vector<1x1x16xf32> to vector<16xf32>
          %swap3A_833 = vector.shape_cast %mul3A_827 : vector<16xf32> to vector<1x1x16xf32>
          tpu.vector_store %arg13[%swap3A_828, %swap3A_829, %swap3A_830], %swap3A_833 {strides = array<i32>} : memref<2x64x128xf32, #tpu.memory_space<vmem>>, vector<1x1x16xf32>,
          %get3A_834 = arith.index_cast %rem3A_91 : i32 to index
          %get3A_835 = arith.index_cast %add3A_794 : i32 to index
          %get3A_836 = arith.constant 48 : index
          %get3A_837 = tpu.vector_load %arg13[%get3A_834, %get3A_835, %get3A_836] {strides = array<i32>} : memref<2x64x128xf32, #tpu.memory_space<vmem>>, vector<1x1x16xf32>,
          %get3A_838 = vector.shape_cast %get3A_837 : vector<1x1x16xf32> to vector<16xf32>
          %mul3A_839 = vector.broadcast %squeeze3A_790 : f32 to vector<16xf32>
          %mul3A_840 = arith.mulf %get3A_838, %mul3A_839 : vector<16xf32>
          %swap3A_841 = arith.index_cast %rem3A_91 : i32 to index
          %swap3A_842 = arith.index_cast %add3A_794 : i32 to index
          %swap3A_843 = arith.constant 48 : index
          %swap3A_844 = tpu.vector_load %arg13[%swap3A_841, %swap3A_842, %swap3A_843] {strides = array<i32>} : memref<2x64x128xf32, #tpu.memory_space<vmem>>, vector<1x1x16xf32>,
          %swap3A_845 = vector.shape_cast %swap3A_844 : vector<1x1x16xf32> to vector<16xf32>
          %swap3A_846 = vector.shape_cast %mul3A_840 : vector<16xf32> to vector<1x1x16xf32>
          tpu.vector_store %arg13[%swap3A_841, %swap3A_842, %swap3A_843], %swap3A_846 {strides = array<i32>} : memref<2x64x128xf32, #tpu.memory_space<vmem>>, vector<1x1x16xf32>,
          %get3A_847 = arith.index_cast %rem3A_91 : i32 to index
          %get3A_848 = arith.index_cast %add3A_794 : i32 to index
          %get3A_849 = arith.constant 64 : index
          %get3A_850 = tpu.vector_load %arg13[%get3A_847, %get3A_848, %get3A_849] {strides = array<i32>} : memref<2x64x128xf32, #tpu.memory_space<vmem>>, vector<1x1x16xf32>,
          %get3A_851 = vector.shape_cast %get3A_850 : vector<1x1x16xf32> to vector<16xf32>
          %mul3A_852 = vector.broadcast %squeeze3A_790 : f32 to vector<16xf32>
          %mul3A_853 = arith.mulf %get3A_851, %mul3A_852 : vector<16xf32>
          %swap3A_854 = arith.index_cast %rem3A_91 : i32 to index
          %swap3A_855 = arith.index_cast %add3A_794 : i32 to index
          %swap3A_856 = arith.constant 64 : index
          %swap3A_857 = tpu.vector_load %arg13[%swap3A_854, %swap3A_855, %swap3A_856] {strides = array<i32>} : memref<2x64x128xf32, #tpu.memory_space<vmem>>, vector<1x1x16xf32>,
          %swap3A_858 = vector.shape_cast %swap3A_857 : vector<1x1x16xf32> to vector<16xf32>
          %swap3A_859 = vector.shape_cast %mul3A_853 : vector<16xf32> to vector<1x1x16xf32>
          tpu.vector_store %arg13[%swap3A_854, %swap3A_855, %swap3A_856], %swap3A_859 {strides = array<i32>} : memref<2x64x128xf32, #tpu.memory_space<vmem>>, vector<1x1x16xf32>,
          %get3A_860 = arith.index_cast %rem3A_91 : i32 to index
          %get3A_861 = arith.index_cast %add3A_794 : i32 to index
          %get3A_862 = arith.constant 80 : index
          %get3A_863 = tpu.vector_load %arg13[%get3A_860, %get3A_861, %get3A_862] {strides = array<i32>} : memref<2x64x128xf32, #tpu.memory_space<vmem>>, vector<1x1x16xf32>,
          %get3A_864 = vector.shape_cast %get3A_863 : vector<1x1x16xf32> to vector<16xf32>
          %mul3A_865 = vector.broadcast %squeeze3A_790 : f32 to vector<16xf32>
          %mul3A_866 = arith.mulf %get3A_864, %mul3A_865 : vector<16xf32>
          %swap3A_867 = arith.index_cast %rem3A_91 : i32 to index
          %swap3A_868 = arith.index_cast %add3A_794 : i32 to index
          %swap3A_869 = arith.constant 80 : index
          %swap3A_870 = tpu.vector_load %arg13[%swap3A_867, %swap3A_868, %swap3A_869] {strides = array<i32>} : memref<2x64x128xf32, #tpu.memory_space<vmem>>, vector<1x1x16xf32>,
          %swap3A_871 = vector.shape_cast %swap3A_870 : vector<1x1x16xf32> to vector<16xf32>
          %swap3A_872 = vector.shape_cast %mul3A_866 : vector<16xf32> to vector<1x1x16xf32>
          tpu.vector_store %arg13[%swap3A_867, %swap3A_868, %swap3A_869], %swap3A_872 {strides = array<i32>} : memref<2x64x128xf32, #tpu.memory_space<vmem>>, vector<1x1x16xf32>,
          %get3A_873 = arith.index_cast %rem3A_91 : i32 to index
          %get3A_874 = arith.index_cast %add3A_794 : i32 to index
          %get3A_875 = arith.constant 96 : index
          %get3A_876 = tpu.vector_load %arg13[%get3A_873, %get3A_874, %get3A_875] {strides = array<i32>} : memref<2x64x128xf32, #tpu.memory_space<vmem>>, vector<1x1x16xf32>,
          %get3A_877 = vector.shape_cast %get3A_876 : vector<1x1x16xf32> to vector<16xf32>
          %mul3A_878 = vector.broadcast %squeeze3A_790 : f32 to vector<16xf32>
          %mul3A_879 = arith.mulf %get3A_877, %mul3A_878 : vector<16xf32>
          %swap3A_880 = arith.index_cast %rem3A_91 : i32 to index
          %swap3A_881 = arith.index_cast %add3A_794 : i32 to index
          %swap3A_882 = arith.constant 96 : index
          %swap3A_883 = tpu.vector_load %arg13[%swap3A_880, %swap3A_881, %swap3A_882] {strides = array<i32>} : memref<2x64x128xf32, #tpu.memory_space<vmem>>, vector<1x1x16xf32>,
          %swap3A_884 = vector.shape_cast %swap3A_883 : vector<1x1x16xf32> to vector<16xf32>
          %swap3A_885 = vector.shape_cast %mul3A_879 : vector<16xf32> to vector<1x1x16xf32>
          tpu.vector_store %arg13[%swap3A_880, %swap3A_881, %swap3A_882], %swap3A_885 {strides = array<i32>} : memref<2x64x128xf32, #tpu.memory_space<vmem>>, vector<1x1x16xf32>,
          %get3A_886 = arith.index_cast %rem3A_91 : i32 to index
          %get3A_887 = arith.index_cast %add3A_794 : i32 to index
          %get3A_888 = arith.constant 112 : index
          %get3A_889 = tpu.vector_load %arg13[%get3A_886, %get3A_887, %get3A_888] {strides = array<i32>} : memref<2x64x128xf32, #tpu.memory_space<vmem>>, vector<1x1x16xf32>,
          %get3A_890 = vector.shape_cast %get3A_889 : vector<1x1x16xf32> to vector<16xf32>
          %mul3A_891 = vector.broadcast %squeeze3A_790 : f32 to vector<16xf32>
          %mul3A_892 = arith.mulf %get3A_890, %mul3A_891 : vector<16xf32>
          %swap3A_893 = arith.index_cast %rem3A_91 : i32 to index
          %swap3A_894 = arith.index_cast %add3A_794 : i32 to index
          %swap3A_895 = arith.constant 112 : index
          %swap3A_896 = tpu.vector_load %arg13[%swap3A_893, %swap3A_894, %swap3A_895] {strides = array<i32>} : memref<2x64x128xf32, #tpu.memory_space<vmem>>, vector<1x1x16xf32>,
          %swap3A_897 = vector.shape_cast %swap3A_896 : vector<1x1x16xf32> to vector<16xf32>
          %swap3A_898 = vector.shape_cast %mul3A_892 : vector<16xf32> to vector<1x1x16xf32>
          tpu.vector_store %arg13[%swap3A_893, %swap3A_894, %swap3A_895], %swap3A_898 {strides = array<i32>} : memref<2x64x128xf32, #tpu.memory_space<vmem>>, vector<1x1x16xf32>,
          %slice3A_899 = vector.extract_strided_slice %get3A_131 {offsets = [7], sizes = [1], strides = [1]} : vector<16xf32> to vector<1xf32>
          %squeeze3A_900 = vector.extract %slice3A_899[0] : f32 from vector<1xf32>
          %mul3A_901 = arith.constant 16 : i32
          %mul3A_902 = arith.muli %scan3A_126, %mul3A_901 : i32
          %add3A_903 = arith.constant 7 : i32
          %add3A_904 = arith.addi %mul3A_902, %add3A_903 : i32
          %get3A_905 = arith.index_cast %rem3A_91 : i32 to index
          %get3A_906 = arith.index_cast %add3A_904 : i32 to index
          %get3A_907 = arith.constant 0 : index
          %get3A_908 = tpu.vector_load %arg13[%get3A_905, %get3A_906, %get3A_907] {strides = array<i32>} : memref<2x64x128xf32, #tpu.memory_space<vmem>>, vector<1x1x16xf32>,
          %get3A_909 = vector.shape_cast %get3A_908 : vector<1x1x16xf32> to vector<16xf32>
          %mul3A_910 = vector.broadcast %squeeze3A_900 : f32 to vector<16xf32>
          %mul3A_911 = arith.mulf %get3A_909, %mul3A_910 : vector<16xf32>
          %swap3A_912 = arith.index_cast %rem3A_91 : i32 to index
          %swap3A_913 = arith.index_cast %add3A_904 : i32 to index
          %swap3A_914 = arith.constant 0 : index
          %swap3A_915 = tpu.vector_load %arg13[%swap3A_912, %swap3A_913, %swap3A_914] {strides = array<i32>} : memref<2x64x128xf32, #tpu.memory_space<vmem>>, vector<1x1x16xf32>,
          %swap3A_916 = vector.shape_cast %swap3A_915 : vector<1x1x16xf32> to vector<16xf32>
          %swap3A_917 = vector.shape_cast %mul3A_911 : vector<16xf32> to vector<1x1x16xf32>
          tpu.vector_store %arg13[%swap3A_912, %swap3A_913, %swap3A_914], %swap3A_917 {strides = array<i32>} : memref<2x64x128xf32, #tpu.memory_space<vmem>>, vector<1x1x16xf32>,
          %get3A_918 = arith.index_cast %rem3A_91 : i32 to index
          %get3A_919 = arith.index_cast %add3A_904 : i32 to index
          %get3A_920 = arith.constant 16 : index
          %get3A_921 = tpu.vector_load %arg13[%get3A_918, %get3A_919, %get3A_920] {strides = array<i32>} : memref<2x64x128xf32, #tpu.memory_space<vmem>>, vector<1x1x16xf32>,
          %get3A_922 = vector.shape_cast %get3A_921 : vector<1x1x16xf32> to vector<16xf32>
          %mul3A_923 = vector.broadcast %squeeze3A_900 : f32 to vector<16xf32>
          %mul3A_924 = arith.mulf %get3A_922, %mul3A_923 : vector<16xf32>
          %swap3A_925 = arith.index_cast %rem3A_91 : i32 to index
          %swap3A_926 = arith.index_cast %add3A_904 : i32 to index
          %swap3A_927 = arith.constant 16 : index
          %swap3A_928 = tpu.vector_load %arg13[%swap3A_925, %swap3A_926, %swap3A_927] {strides = array<i32>} : memref<2x64x128xf32, #tpu.memory_space<vmem>>, vector<1x1x16xf32>,
          %swap3A_929 = vector.shape_cast %swap3A_928 : vector<1x1x16xf32> to vector<16xf32>
          %swap3A_930 = vector.shape_cast %mul3A_924 : vector<16xf32> to vector<1x1x16xf32>
          tpu.vector_store %arg13[%swap3A_925, %swap3A_926, %swap3A_927], %swap3A_930 {strides = array<i32>} : memref<2x64x128xf32, #tpu.memory_space<vmem>>, vector<1x1x16xf32>,
          %get3A_931 = arith.index_cast %rem3A_91 : i32 to index
          %get3A_932 = arith.index_cast %add3A_904 : i32 to index
          %get3A_933 = arith.constant 32 : index
          %get3A_934 = tpu.vector_load %arg13[%get3A_931, %get3A_932, %get3A_933] {strides = array<i32>} : memref<2x64x128xf32, #tpu.memory_space<vmem>>, vector<1x1x16xf32>,
          %get3A_935 = vector.shape_cast %get3A_934 : vector<1x1x16xf32> to vector<16xf32>
          %mul3A_936 = vector.broadcast %squeeze3A_900 : f32 to vector<16xf32>
          %mul3A_937 = arith.mulf %get3A_935, %mul3A_936 : vector<16xf32>
          %swap3A_938 = arith.index_cast %rem3A_91 : i32 to index
          %swap3A_939 = arith.index_cast %add3A_904 : i32 to index
          %swap3A_940 = arith.constant 32 : index
          %swap3A_941 = tpu.vector_load %arg13[%swap3A_938, %swap3A_939, %swap3A_940] {strides = array<i32>} : memref<2x64x128xf32, #tpu.memory_space<vmem>>, vector<1x1x16xf32>,
          %swap3A_942 = vector.shape_cast %swap3A_941 : vector<1x1x16xf32> to vector<16xf32>
          %swap3A_943 = vector.shape_cast %mul3A_937 : vector<16xf32> to vector<1x1x16xf32>
          tpu.vector_store %arg13[%swap3A_938, %swap3A_939, %swap3A_940], %swap3A_943 {strides = array<i32>} : memref<2x64x128xf32, #tpu.memory_space<vmem>>, vector<1x1x16xf32>,
          %get3A_944 = arith.index_cast %rem3A_91 : i32 to index
          %get3A_945 = arith.index_cast %add3A_904 : i32 to index
          %get3A_946 = arith.constant 48 : index
          %get3A_947 = tpu.vector_load %arg13[%get3A_944, %get3A_945, %get3A_946] {strides = array<i32>} : memref<2x64x128xf32, #tpu.memory_space<vmem>>, vector<1x1x16xf32>,
          %get3A_948 = vector.shape_cast %get3A_947 : vector<1x1x16xf32> to vector<16xf32>
          %mul3A_949 = vector.broadcast %squeeze3A_900 : f32 to vector<16xf32>
          %mul3A_950 = arith.mulf %get3A_948, %mul3A_949 : vector<16xf32>
          %swap3A_951 = arith.index_cast %rem3A_91 : i32 to index
          %swap3A_952 = arith.index_cast %add3A_904 : i32 to index
          %swap3A_953 = arith.constant 48 : index
          %swap3A_954 = tpu.vector_load %arg13[%swap3A_951, %swap3A_952, %swap3A_953] {strides = array<i32>} : memref<2x64x128xf32, #tpu.memory_space<vmem>>, vector<1x1x16xf32>,
          %swap3A_955 = vector.shape_cast %swap3A_954 : vector<1x1x16xf32> to vector<16xf32>
          %swap3A_956 = vector.shape_cast %mul3A_950 : vector<16xf32> to vector<1x1x16xf32>
          tpu.vector_store %arg13[%swap3A_951, %swap3A_952, %swap3A_953], %swap3A_956 {strides = array<i32>} : memref<2x64x128xf32, #tpu.memory_space<vmem>>, vector<1x1x16xf32>,
          %get3A_957 = arith.index_cast %rem3A_91 : i32 to index
          %get3A_958 = arith.index_cast %add3A_904 : i32 to index
          %get3A_959 = arith.constant 64 : index
          %get3A_960 = tpu.vector_load %arg13[%get3A_957, %get3A_958, %get3A_959] {strides = array<i32>} : memref<2x64x128xf32, #tpu.memory_space<vmem>>, vector<1x1x16xf32>,
          %get3A_961 = vector.shape_cast %get3A_960 : vector<1x1x16xf32> to vector<16xf32>
          %mul3A_962 = vector.broadcast %squeeze3A_900 : f32 to vector<16xf32>
          %mul3A_963 = arith.mulf %get3A_961, %mul3A_962 : vector<16xf32>
          %swap3A_964 = arith.index_cast %rem3A_91 : i32 to index
          %swap3A_965 = arith.index_cast %add3A_904 : i32 to index
          %swap3A_966 = arith.constant 64 : index
          %swap3A_967 = tpu.vector_load %arg13[%swap3A_964, %swap3A_965, %swap3A_966] {strides = array<i32>} : memref<2x64x128xf32, #tpu.memory_space<vmem>>, vector<1x1x16xf32>,
          %swap3A_968 = vector.shape_cast %swap3A_967 : vector<1x1x16xf32> to vector<16xf32>
          %swap3A_969 = vector.shape_cast %mul3A_963 : vector<16xf32> to vector<1x1x16xf32>
          tpu.vector_store %arg13[%swap3A_964, %swap3A_965, %swap3A_966], %swap3A_969 {strides = array<i32>} : memref<2x64x128xf32, #tpu.memory_space<vmem>>, vector<1x1x16xf32>,
          %get3A_970 = arith.index_cast %rem3A_91 : i32 to index
          %get3A_971 = arith.index_cast %add3A_904 : i32 to index
          %get3A_972 = arith.constant 80 : index
          %get3A_973 = tpu.vector_load %arg13[%get3A_970, %get3A_971, %get3A_972] {strides = array<i32>} : memref<2x64x128xf32, #tpu.memory_space<vmem>>, vector<1x1x16xf32>,
          %get3A_974 = vector.shape_cast %get3A_973 : vector<1x1x16xf32> to vector<16xf32>
          %mul3A_975 = vector.broadcast %squeeze3A_900 : f32 to vector<16xf32>
          %mul3A_976 = arith.mulf %get3A_974, %mul3A_975 : vector<16xf32>
          %swap3A_977 = arith.index_cast %rem3A_91 : i32 to index
          %swap3A_978 = arith.index_cast %add3A_904 : i32 to index
          %swap3A_979 = arith.constant 80 : index
          %swap3A_980 = tpu.vector_load %arg13[%swap3A_977, %swap3A_978, %swap3A_979] {strides = array<i32>} : memref<2x64x128xf32, #tpu.memory_space<vmem>>, vector<1x1x16xf32>,
          %swap3A_981 = vector.shape_cast %swap3A_980 : vector<1x1x16xf32> to vector<16xf32>
          %swap3A_982 = vector.shape_cast %mul3A_976 : vector<16xf32> to vector<1x1x16xf32>
          tpu.vector_store %arg13[%swap3A_977, %swap3A_978, %swap3A_979], %swap3A_982 {strides = array<i32>} : memref<2x64x128xf32, #tpu.memory_space<vmem>>, vector<1x1x16xf32>,
          %get3A_983 = arith.index_cast %rem3A_91 : i32 to index
          %get3A_984 = arith.index_cast %add3A_904 : i32 to index
          %get3A_985 = arith.constant 96 : index
          %get3A_986 = tpu.vector_load %arg13[%get3A_983, %get3A_984, %get3A_985] {strides = array<i32>} : memref<2x64x128xf32, #tpu.memory_space<vmem>>, vector<1x1x16xf32>,
          %get3A_987 = vector.shape_cast %get3A_986 : vector<1x1x16xf32> to vector<16xf32>
          %mul3A_988 = vector.broadcast %squeeze3A_900 : f32 to vector<16xf32>
          %mul3A_989 = arith.mulf %get3A_987, %mul3A_988 : vector<16xf32>
          %swap3A_990 = arith.index_cast %rem3A_91 : i32 to index
          %swap3A_991 = arith.index_cast %add3A_904 : i32 to index
          %swap3A_992 = arith.constant 96 : index
          %swap3A_993 = tpu.vector_load %arg13[%swap3A_990, %swap3A_991, %swap3A_992] {strides = array<i32>} : memref<2x64x128xf32, #tpu.memory_space<vmem>>, vector<1x1x16xf32>,
          %swap3A_994 = vector.shape_cast %swap3A_993 : vector<1x1x16xf32> to vector<16xf32>
          %swap3A_995 = vector.shape_cast %mul3A_989 : vector<16xf32> to vector<1x1x16xf32>
          tpu.vector_store %arg13[%swap3A_990, %swap3A_991, %swap3A_992], %swap3A_995 {strides = array<i32>} : memref<2x64x128xf32, #tpu.memory_space<vmem>>, vector<1x1x16xf32>,
          %get3A_996 = arith.index_cast %rem3A_91 : i32 to index
          %get3A_997 = arith.index_cast %add3A_904 : i32 to index
          %get3A_998 = arith.constant 112 : index
          %get3A_999 = tpu.vector_load %arg13[%get3A_996, %get3A_997, %get3A_998] {strides = array<i32>} : memref<2x64x128xf32, #tpu.memory_space<vmem>>, vector<1x1x16xf32>,
          %get3A_1000 = vector.shape_cast %get3A_999 : vector<1x1x16xf32> to vector<16xf32>
          %mul3A_1001 = vector.broadcast %squeeze3A_900 : f32 to vector<16xf32>
          %mul3A_1002 = arith.mulf %get3A_1000, %mul3A_1001 : vector<16xf32>
          %swap3A_1003 = arith.index_cast %rem3A_91 : i32 to index
          %swap3A_1004 = arith.index_cast %add3A_904 : i32 to index
          %swap3A_1005 = arith.constant 112 : index
          %swap3A_1006 = tpu.vector_load %arg13[%swap3A_1003, %swap3A_1004, %swap3A_1005] {strides = array<i32>} : memref<2x64x128xf32, #tpu.memory_space<vmem>>, vector<1x1x16xf32>,
          %swap3A_1007 = vector.shape_cast %swap3A_1006 : vector<1x1x16xf32> to vector<16xf32>
          %swap3A_1008 = vector.shape_cast %mul3A_1002 : vector<16xf32> to vector<1x1x16xf32>
          tpu.vector_store %arg13[%swap3A_1003, %swap3A_1004, %swap3A_1005], %swap3A_1008 {strides = array<i32>} : memref<2x64x128xf32, #tpu.memory_space<vmem>>, vector<1x1x16xf32>,
          %slice3A_1009 = vector.extract_strided_slice %get3A_131 {offsets = [8], sizes = [1], strides = [1]} : vector<16xf32> to vector<1xf32>
          %squeeze3A_1010 = vector.extract %slice3A_1009[0] : f32 from vector<1xf32>
          %mul3A_1011 = arith.constant 16 : i32
          %mul3A_1012 = arith.muli %scan3A_126, %mul3A_1011 : i32
          %add3A_1013 = arith.constant 8 : i32
          %add3A_1014 = arith.addi %mul3A_1012, %add3A_1013 : i32
          %get3A_1015 = arith.index_cast %rem3A_91 : i32 to index
          %get3A_1016 = arith.index_cast %add3A_1014 : i32 to index
          %get3A_1017 = arith.constant 0 : index
          %get3A_1018 = tpu.vector_load %arg13[%get3A_1015, %get3A_1016, %get3A_1017] {strides = array<i32>} : memref<2x64x128xf32, #tpu.memory_space<vmem>>, vector<1x1x16xf32>,
          %get3A_1019 = vector.shape_cast %get3A_1018 : vector<1x1x16xf32> to vector<16xf32>
          %mul3A_1020 = vector.broadcast %squeeze3A_1010 : f32 to vector<16xf32>
          %mul3A_1021 = arith.mulf %get3A_1019, %mul3A_1020 : vector<16xf32>
          %swap3A_1022 = arith.index_cast %rem3A_91 : i32 to index
          %swap3A_1023 = arith.index_cast %add3A_1014 : i32 to index
          %swap3A_1024 = arith.constant 0 : index
          %swap3A_1025 = tpu.vector_load %arg13[%swap3A_1022, %swap3A_1023, %swap3A_1024] {strides = array<i32>} : memref<2x64x128xf32, #tpu.memory_space<vmem>>, vector<1x1x16xf32>,
          %swap3A_1026 = vector.shape_cast %swap3A_1025 : vector<1x1x16xf32> to vector<16xf32>
          %swap3A_1027 = vector.shape_cast %mul3A_1021 : vector<16xf32> to vector<1x1x16xf32>
          tpu.vector_store %arg13[%swap3A_1022, %swap3A_1023, %swap3A_1024], %swap3A_1027 {strides = array<i32>} : memref<2x64x128xf32, #tpu.memory_space<vmem>>, vector<1x1x16xf32>,
          %get3A_1028 = arith.index_cast %rem3A_91 : i32 to index
          %get3A_1029 = arith.index_cast %add3A_1014 : i32 to index
          %get3A_1030 = arith.constant 16 : index
          %get3A_1031 = tpu.vector_load %arg13[%get3A_1028, %get3A_1029, %get3A_1030] {strides = array<i32>} : memref<2x64x128xf32, #tpu.memory_space<vmem>>, vector<1x1x16xf32>,
          %get3A_1032 = vector.shape_cast %get3A_1031 : vector<1x1x16xf32> to vector<16xf32>
          %mul3A_1033 = vector.broadcast %squeeze3A_1010 : f32 to vector<16xf32>
          %mul3A_1034 = arith.mulf %get3A_1032, %mul3A_1033 : vector<16xf32>
          %swap3A_1035 = arith.index_cast %rem3A_91 : i32 to index
          %swap3A_1036 = arith.index_cast %add3A_1014 : i32 to index
          %swap3A_1037 = arith.constant 16 : index
          %swap3A_1038 = tpu.vector_load %arg13[%swap3A_1035, %swap3A_1036, %swap3A_1037] {strides = array<i32>} : memref<2x64x128xf32, #tpu.memory_space<vmem>>, vector<1x1x16xf32>,
          %swap3A_1039 = vector.shape_cast %swap3A_1038 : vector<1x1x16xf32> to vector<16xf32>
          %swap3A_1040 = vector.shape_cast %mul3A_1034 : vector<16xf32> to vector<1x1x16xf32>
          tpu.vector_store %arg13[%swap3A_1035, %swap3A_1036, %swap3A_1037], %swap3A_1040 {strides = array<i32>} : memref<2x64x128xf32, #tpu.memory_space<vmem>>, vector<1x1x16xf32>,
          %get3A_1041 = arith.index_cast %rem3A_91 : i32 to index
          %get3A_1042 = arith.index_cast %add3A_1014 : i32 to index
          %get3A_1043 = arith.constant 32 : index
          %get3A_1044 = tpu.vector_load %arg13[%get3A_1041, %get3A_1042, %get3A_1043] {strides = array<i32>} : memref<2x64x128xf32, #tpu.memory_space<vmem>>, vector<1x1x16xf32>,
          %get3A_1045 = vector.shape_cast %get3A_1044 : vector<1x1x16xf32> to vector<16xf32>
          %mul3A_1046 = vector.broadcast %squeeze3A_1010 : f32 to vector<16xf32>
          %mul3A_1047 = arith.mulf %get3A_1045, %mul3A_1046 : vector<16xf32>
          %swap3A_1048 = arith.index_cast %rem3A_91 : i32 to index
          %swap3A_1049 = arith.index_cast %add3A_1014 : i32 to index
          %swap3A_1050 = arith.constant 32 : index
          %swap3A_1051 = tpu.vector_load %arg13[%swap3A_1048, %swap3A_1049, %swap3A_1050] {strides = array<i32>} : memref<2x64x128xf32, #tpu.memory_space<vmem>>, vector<1x1x16xf32>,
          %swap3A_1052 = vector.shape_cast %swap3A_1051 : vector<1x1x16xf32> to vector<16xf32>
          %swap3A_1053 = vector.shape_cast %mul3A_1047 : vector<16xf32> to vector<1x1x16xf32>
          tpu.vector_store %arg13[%swap3A_1048, %swap3A_1049, %swap3A_1050], %swap3A_1053 {strides = array<i32>} : memref<2x64x128xf32, #tpu.memory_space<vmem>>, vector<1x1x16xf32>,
          %get3A_1054 = arith.index_cast %rem3A_91 : i32 to index
          %get3A_1055 = arith.index_cast %add3A_1014 : i32 to index
          %get3A_1056 = arith.constant 48 : index
          %get3A_1057 = tpu.vector_load %arg13[%get3A_1054, %get3A_1055, %get3A_1056] {strides = array<i32>} : memref<2x64x128xf32, #tpu.memory_space<vmem>>, vector<1x1x16xf32>,
          %get3A_1058 = vector.shape_cast %get3A_1057 : vector<1x1x16xf32> to vector<16xf32>
          %mul3A_1059 = vector.broadcast %squeeze3A_1010 : f32 to vector<16xf32>
          %mul3A_1060 = arith.mulf %get3A_1058, %mul3A_1059 : vector<16xf32>
          %swap3A_1061 = arith.index_cast %rem3A_91 : i32 to index
          %swap3A_1062 = arith.index_cast %add3A_1014 : i32 to index
          %swap3A_1063 = arith.constant 48 : index
          %swap3A_1064 = tpu.vector_load %arg13[%swap3A_1061, %swap3A_1062, %swap3A_1063] {strides = array<i32>} : memref<2x64x128xf32, #tpu.memory_space<vmem>>, vector<1x1x16xf32>,
          %swap3A_1065 = vector.shape_cast %swap3A_1064 : vector<1x1x16xf32> to vector<16xf32>
          %swap3A_1066 = vector.shape_cast %mul3A_1060 : vector<16xf32> to vector<1x1x16xf32>
          tpu.vector_store %arg13[%swap3A_1061, %swap3A_1062, %swap3A_1063], %swap3A_1066 {strides = array<i32>} : memref<2x64x128xf32, #tpu.memory_space<vmem>>, vector<1x1x16xf32>,
          %get3A_1067 = arith.index_cast %rem3A_91 : i32 to index
          %get3A_1068 = arith.index_cast %add3A_1014 : i32 to index
          %get3A_1069 = arith.constant 64 : index
          %get3A_1070 = tpu.vector_load %arg13[%get3A_1067, %get3A_1068, %get3A_1069] {strides = array<i32>} : memref<2x64x128xf32, #tpu.memory_space<vmem>>, vector<1x1x16xf32>,
          %get3A_1071 = vector.shape_cast %get3A_1070 : vector<1x1x16xf32> to vector<16xf32>
          %mul3A_1072 = vector.broadcast %squeeze3A_1010 : f32 to vector<16xf32>
          %mul3A_1073 = arith.mulf %get3A_1071, %mul3A_1072 : vector<16xf32>
          %swap3A_1074 = arith.index_cast %rem3A_91 : i32 to index
          %swap3A_1075 = arith.index_cast %add3A_1014 : i32 to index
          %swap3A_1076 = arith.constant 64 : index
          %swap3A_1077 = tpu.vector_load %arg13[%swap3A_1074, %swap3A_1075, %swap3A_1076] {strides = array<i32>} : memref<2x64x128xf32, #tpu.memory_space<vmem>>, vector<1x1x16xf32>,
          %swap3A_1078 = vector.shape_cast %swap3A_1077 : vector<1x1x16xf32> to vector<16xf32>
          %swap3A_1079 = vector.shape_cast %mul3A_1073 : vector<16xf32> to vector<1x1x16xf32>
          tpu.vector_store %arg13[%swap3A_1074, %swap3A_1075, %swap3A_1076], %swap3A_1079 {strides = array<i32>} : memref<2x64x128xf32, #tpu.memory_space<vmem>>, vector<1x1x16xf32>,
          %get3A_1080 = arith.index_cast %rem3A_91 : i32 to index
          %get3A_1081 = arith.index_cast %add3A_1014 : i32 to index
          %get3A_1082 = arith.constant 80 : index
          %get3A_1083 = tpu.vector_load %arg13[%get3A_1080, %get3A_1081, %get3A_1082] {strides = array<i32>} : memref<2x64x128xf32, #tpu.memory_space<vmem>>, vector<1x1x16xf32>,
          %get3A_1084 = vector.shape_cast %get3A_1083 : vector<1x1x16xf32> to vector<16xf32>
          %mul3A_1085 = vector.broadcast %squeeze3A_1010 : f32 to vector<16xf32>
          %mul3A_1086 = arith.mulf %get3A_1084, %mul3A_1085 : vector<16xf32>
          %swap3A_1087 = arith.index_cast %rem3A_91 : i32 to index
          %swap3A_1088 = arith.index_cast %add3A_1014 : i32 to index
          %swap3A_1089 = arith.constant 80 : index
          %swap3A_1090 = tpu.vector_load %arg13[%swap3A_1087, %swap3A_1088, %swap3A_1089] {strides = array<i32>} : memref<2x64x128xf32, #tpu.memory_space<vmem>>, vector<1x1x16xf32>,
          %swap3A_1091 = vector.shape_cast %swap3A_1090 : vector<1x1x16xf32> to vector<16xf32>
          %swap3A_1092 = vector.shape_cast %mul3A_1086 : vector<16xf32> to vector<1x1x16xf32>
          tpu.vector_store %arg13[%swap3A_1087, %swap3A_1088, %swap3A_1089], %swap3A_1092 {strides = array<i32>} : memref<2x64x128xf32, #tpu.memory_space<vmem>>, vector<1x1x16xf32>,
          %get3A_1093 = arith.index_cast %rem3A_91 : i32 to index
          %get3A_1094 = arith.index_cast %add3A_1014 : i32 to index
          %get3A_1095 = arith.constant 96 : index
          %get3A_1096 = tpu.vector_load %arg13[%get3A_1093, %get3A_1094, %get3A_1095] {strides = array<i32>} : memref<2x64x128xf32, #tpu.memory_space<vmem>>, vector<1x1x16xf32>,
          %get3A_1097 = vector.shape_cast %get3A_1096 : vector<1x1x16xf32> to vector<16xf32>
          %mul3A_1098 = vector.broadcast %squeeze3A_1010 : f32 to vector<16xf32>
          %mul3A_1099 = arith.mulf %get3A_1097, %mul3A_1098 : vector<16xf32>
          %swap3A_1100 = arith.index_cast %rem3A_91 : i32 to index
          %swap3A_1101 = arith.index_cast %add3A_1014 : i32 to index
          %swap3A_1102 = arith.constant 96 : index
          %swap3A_1103 = tpu.vector_load %arg13[%swap3A_1100, %swap3A_1101, %swap3A_1102] {strides = array<i32>} : memref<2x64x128xf32, #tpu.memory_space<vmem>>, vector<1x1x16xf32>,
          %swap3A_1104 = vector.shape_cast %swap3A_1103 : vector<1x1x16xf32> to vector<16xf32>
          %swap3A_1105 = vector.shape_cast %mul3A_1099 : vector<16xf32> to vector<1x1x16xf32>
          tpu.vector_store %arg13[%swap3A_1100, %swap3A_1101, %swap3A_1102], %swap3A_1105 {strides = array<i32>} : memref<2x64x128xf32, #tpu.memory_space<vmem>>, vector<1x1x16xf32>,
          %get3A_1106 = arith.index_cast %rem3A_91 : i32 to index
          %get3A_1107 = arith.index_cast %add3A_1014 : i32 to index
          %get3A_1108 = arith.constant 112 : index
          %get3A_1109 = tpu.vector_load %arg13[%get3A_1106, %get3A_1107, %get3A_1108] {strides = array<i32>} : memref<2x64x128xf32, #tpu.memory_space<vmem>>, vector<1x1x16xf32>,
          %get3A_1110 = vector.shape_cast %get3A_1109 : vector<1x1x16xf32> to vector<16xf32>
          %mul3A_1111 = vector.broadcast %squeeze3A_1010 : f32 to vector<16xf32>
          %mul3A_1112 = arith.mulf %get3A_1110, %mul3A_1111 : vector<16xf32>
          %swap3A_1113 = arith.index_cast %rem3A_91 : i32 to index
          %swap3A_1114 = arith.index_cast %add3A_1014 : i32 to index
          %swap3A_1115 = arith.constant 112 : index
          %swap3A_1116 = tpu.vector_load %arg13[%swap3A_1113, %swap3A_1114, %swap3A_1115] {strides = array<i32>} : memref<2x64x128xf32, #tpu.memory_space<vmem>>, vector<1x1x16xf32>,
          %swap3A_1117 = vector.shape_cast %swap3A_1116 : vector<1x1x16xf32> to vector<16xf32>
          %swap3A_1118 = vector.shape_cast %mul3A_1112 : vector<16xf32> to vector<1x1x16xf32>
          tpu.vector_store %arg13[%swap3A_1113, %swap3A_1114, %swap3A_1115], %swap3A_1118 {strides = array<i32>} : memref<2x64x128xf32, #tpu.memory_space<vmem>>, vector<1x1x16xf32>,
          %slice3A_1119 = vector.extract_strided_slice %get3A_131 {offsets = [9], sizes = [1], strides = [1]} : vector<16xf32> to vector<1xf32>
          %squeeze3A_1120 = vector.extract %slice3A_1119[0] : f32 from vector<1xf32>
          %mul3A_1121 = arith.constant 16 : i32
          %mul3A_1122 = arith.muli %scan3A_126, %mul3A_1121 : i32
          %add3A_1123 = arith.constant 9 : i32
          %add3A_1124 = arith.addi %mul3A_1122, %add3A_1123 : i32
          %get3A_1125 = arith.index_cast %rem3A_91 : i32 to index
          %get3A_1126 = arith.index_cast %add3A_1124 : i32 to index
          %get3A_1127 = arith.constant 0 : index
          %get3A_1128 = tpu.vector_load %arg13[%get3A_1125, %get3A_1126, %get3A_1127] {strides = array<i32>} : memref<2x64x128xf32, #tpu.memory_space<vmem>>, vector<1x1x16xf32>,
          %get3A_1129 = vector.shape_cast %get3A_1128 : vector<1x1x16xf32> to vector<16xf32>
          %mul3A_1130 = vector.broadcast %squeeze3A_1120 : f32 to vector<16xf32>
          %mul3A_1131 = arith.mulf %get3A_1129, %mul3A_1130 : vector<16xf32>
          %swap3A_1132 = arith.index_cast %rem3A_91 : i32 to index
          %swap3A_1133 = arith.index_cast %add3A_1124 : i32 to index
          %swap3A_1134 = arith.constant 0 : index
          %swap3A_1135 = tpu.vector_load %arg13[%swap3A_1132, %swap3A_1133, %swap3A_1134] {strides = array<i32>} : memref<2x64x128xf32, #tpu.memory_space<vmem>>, vector<1x1x16xf32>,
          %swap3A_1136 = vector.shape_cast %swap3A_1135 : vector<1x1x16xf32> to vector<16xf32>
          %swap3A_1137 = vector.shape_cast %mul3A_1131 : vector<16xf32> to vector<1x1x16xf32>
          tpu.vector_store %arg13[%swap3A_1132, %swap3A_1133, %swap3A_1134], %swap3A_1137 {strides = array<i32>} : memref<2x64x128xf32, #tpu.memory_space<vmem>>, vector<1x1x16xf32>,
          %get3A_1138 = arith.index_cast %rem3A_91 : i32 to index
          %get3A_1139 = arith.index_cast %add3A_1124 : i32 to index
          %get3A_1140 = arith.constant 16 : index
          %get3A_1141 = tpu.vector_load %arg13[%get3A_1138, %get3A_1139, %get3A_1140] {strides = array<i32>} : memref<2x64x128xf32, #tpu.memory_space<vmem>>, vector<1x1x16xf32>,
          %get3A_1142 = vector.shape_cast %get3A_1141 : vector<1x1x16xf32> to vector<16xf32>
          %mul3A_1143 = vector.broadcast %squeeze3A_1120 : f32 to vector<16xf32>
          %mul3A_1144 = arith.mulf %get3A_1142, %mul3A_1143 : vector<16xf32>
          %swap3A_1145 = arith.index_cast %rem3A_91 : i32 to index
          %swap3A_1146 = arith.index_cast %add3A_1124 : i32 to index
          %swap3A_1147 = arith.constant 16 : index
          %swap3A_1148 = tpu.vector_load %arg13[%swap3A_1145, %swap3A_1146, %swap3A_1147] {strides = array<i32>} : memref<2x64x128xf32, #tpu.memory_space<vmem>>, vector<1x1x16xf32>,
          %swap3A_1149 = vector.shape_cast %swap3A_1148 : vector<1x1x16xf32> to vector<16xf32>
          %swap3A_1150 = vector.shape_cast %mul3A_1144 : vector<16xf32> to vector<1x1x16xf32>
          tpu.vector_store %arg13[%swap3A_1145, %swap3A_1146, %swap3A_1147], %swap3A_1150 {strides = array<i32>} : memref<2x64x128xf32, #tpu.memory_space<vmem>>, vector<1x1x16xf32>,
          %get3A_1151 = arith.index_cast %rem3A_91 : i32 to index
          %get3A_1152 = arith.index_cast %add3A_1124 : i32 to index
          %get3A_1153 = arith.constant 32 : index
          %get3A_1154 = tpu.vector_load %arg13[%get3A_1151, %get3A_1152, %get3A_1153] {strides = array<i32>} : memref<2x64x128xf32, #tpu.memory_space<vmem>>, vector<1x1x16xf32>,
          %get3A_1155 = vector.shape_cast %get3A_1154 : vector<1x1x16xf32> to vector<16xf32>
          %mul3A_1156 = vector.broadcast %squeeze3A_1120 : f32 to vector<16xf32>
          %mul3A_1157 = arith.mulf %get3A_1155, %mul3A_1156 : vector<16xf32>
          %swap3A_1158 = arith.index_cast %rem3A_91 : i32 to index
          %swap3A_1159 = arith.index_cast %add3A_1124 : i32 to index
          %swap3A_1160 = arith.constant 32 : index
          %swap3A_1161 = tpu.vector_load %arg13[%swap3A_1158, %swap3A_1159, %swap3A_1160] {strides = array<i32>} : memref<2x64x128xf32, #tpu.memory_space<vmem>>, vector<1x1x16xf32>,
          %swap3A_1162 = vector.shape_cast %swap3A_1161 : vector<1x1x16xf32> to vector<16xf32>
          %swap3A_1163 = vector.shape_cast %mul3A_1157 : vector<16xf32> to vector<1x1x16xf32>
          tpu.vector_store %arg13[%swap3A_1158, %swap3A_1159, %swap3A_1160], %swap3A_1163 {strides = array<i32>} : memref<2x64x128xf32, #tpu.memory_space<vmem>>, vector<1x1x16xf32>,
          %get3A_1164 = arith.index_cast %rem3A_91 : i32 to index
          %get3A_1165 = arith.index_cast %add3A_1124 : i32 to index
          %get3A_1166 = arith.constant 48 : index
          %get3A_1167 = tpu.vector_load %arg13[%get3A_1164, %get3A_1165, %get3A_1166] {strides = array<i32>} : memref<2x64x128xf32, #tpu.memory_space<vmem>>, vector<1x1x16xf32>,
          %get3A_1168 = vector.shape_cast %get3A_1167 : vector<1x1x16xf32> to vector<16xf32>
          %mul3A_1169 = vector.broadcast %squeeze3A_1120 : f32 to vector<16xf32>
          %mul3A_1170 = arith.mulf %get3A_1168, %mul3A_1169 : vector<16xf32>
          %swap3A_1171 = arith.index_cast %rem3A_91 : i32 to index
          %swap3A_1172 = arith.index_cast %add3A_1124 : i32 to index
          %swap3A_1173 = arith.constant 48 : index
          %swap3A_1174 = tpu.vector_load %arg13[%swap3A_1171, %swap3A_1172, %swap3A_1173] {strides = array<i32>} : memref<2x64x128xf32, #tpu.memory_space<vmem>>, vector<1x1x16xf32>,
          %swap3A_1175 = vector.shape_cast %swap3A_1174 : vector<1x1x16xf32> to vector<16xf32>
          %swap3A_1176 = vector.shape_cast %mul3A_1170 : vector<16xf32> to vector<1x1x16xf32>
          tpu.vector_store %arg13[%swap3A_1171, %swap3A_1172, %swap3A_1173], %swap3A_1176 {strides = array<i32>} : memref<2x64x128xf32, #tpu.memory_space<vmem>>, vector<1x1x16xf32>,
          %get3A_1177 = arith.index_cast %rem3A_91 : i32 to index
          %get3A_1178 = arith.index_cast %add3A_1124 : i32 to index
          %get3A_1179 = arith.constant 64 : index
          %get3A_1180 = tpu.vector_load %arg13[%get3A_1177, %get3A_1178, %get3A_1179] {strides = array<i32>} : memref<2x64x128xf32, #tpu.memory_space<vmem>>, vector<1x1x16xf32>,
          %get3A_1181 = vector.shape_cast %get3A_1180 : vector<1x1x16xf32> to vector<16xf32>
          %mul3A_1182 = vector.broadcast %squeeze3A_1120 : f32 to vector<16xf32>
          %mul3A_1183 = arith.mulf %get3A_1181, %mul3A_1182 : vector<16xf32>
          %swap3A_1184 = arith.index_cast %rem3A_91 : i32 to index
          %swap3A_1185 = arith.index_cast %add3A_1124 : i32 to index
          %swap3A_1186 = arith.constant 64 : index
          %swap3A_1187 = tpu.vector_load %arg13[%swap3A_1184, %swap3A_1185, %swap3A_1186] {strides = array<i32>} : memref<2x64x128xf32, #tpu.memory_space<vmem>>, vector<1x1x16xf32>,
          %swap3A_1188 = vector.shape_cast %swap3A_1187 : vector<1x1x16xf32> to vector<16xf32>
          %swap3A_1189 = vector.shape_cast %mul3A_1183 : vector<16xf32> to vector<1x1x16xf32>
          tpu.vector_store %arg13[%swap3A_1184, %swap3A_1185, %swap3A_1186], %swap3A_1189 {strides = array<i32>} : memref<2x64x128xf32, #tpu.memory_space<vmem>>, vector<1x1x16xf32>,
          %get3A_1190 = arith.index_cast %rem3A_91 : i32 to index
          %get3A_1191 = arith.index_cast %add3A_1124 : i32 to index
          %get3A_1192 = arith.constant 80 : index
          %get3A_1193 = tpu.vector_load %arg13[%get3A_1190, %get3A_1191, %get3A_1192] {strides = array<i32>} : memref<2x64x128xf32, #tpu.memory_space<vmem>>, vector<1x1x16xf32>,
          %get3A_1194 = vector.shape_cast %get3A_1193 : vector<1x1x16xf32> to vector<16xf32>
          %mul3A_1195 = vector.broadcast %squeeze3A_1120 : f32 to vector<16xf32>
          %mul3A_1196 = arith.mulf %get3A_1194, %mul3A_1195 : vector<16xf32>
          %swap3A_1197 = arith.index_cast %rem3A_91 : i32 to index
          %swap3A_1198 = arith.index_cast %add3A_1124 : i32 to index
          %swap3A_1199 = arith.constant 80 : index
          %swap3A_1200 = tpu.vector_load %arg13[%swap3A_1197, %swap3A_1198, %swap3A_1199] {strides = array<i32>} : memref<2x64x128xf32, #tpu.memory_space<vmem>>, vector<1x1x16xf32>,
          %swap3A_1201 = vector.shape_cast %swap3A_1200 : vector<1x1x16xf32> to vector<16xf32>
          %swap3A_1202 = vector.shape_cast %mul3A_1196 : vector<16xf32> to vector<1x1x16xf32>
          tpu.vector_store %arg13[%swap3A_1197, %swap3A_1198, %swap3A_1199], %swap3A_1202 {strides = array<i32>} : memref<2x64x128xf32, #tpu.memory_space<vmem>>, vector<1x1x16xf32>,
          %get3A_1203 = arith.index_cast %rem3A_91 : i32 to index
          %get3A_1204 = arith.index_cast %add3A_1124 : i32 to index
          %get3A_1205 = arith.constant 96 : index
          %get3A_1206 = tpu.vector_load %arg13[%get3A_1203, %get3A_1204, %get3A_1205] {strides = array<i32>} : memref<2x64x128xf32, #tpu.memory_space<vmem>>, vector<1x1x16xf32>,
          %get3A_1207 = vector.shape_cast %get3A_1206 : vector<1x1x16xf32> to vector<16xf32>
          %mul3A_1208 = vector.broadcast %squeeze3A_1120 : f32 to vector<16xf32>
          %mul3A_1209 = arith.mulf %get3A_1207, %mul3A_1208 : vector<16xf32>
          %swap3A_1210 = arith.index_cast %rem3A_91 : i32 to index
          %swap3A_1211 = arith.index_cast %add3A_1124 : i32 to index
          %swap3A_1212 = arith.constant 96 : index
          %swap3A_1213 = tpu.vector_load %arg13[%swap3A_1210, %swap3A_1211, %swap3A_1212] {strides = array<i32>} : memref<2x64x128xf32, #tpu.memory_space<vmem>>, vector<1x1x16xf32>,
          %swap3A_1214 = vector.shape_cast %swap3A_1213 : vector<1x1x16xf32> to vector<16xf32>
          %swap3A_1215 = vector.shape_cast %mul3A_1209 : vector<16xf32> to vector<1x1x16xf32>
          tpu.vector_store %arg13[%swap3A_1210, %swap3A_1211, %swap3A_1212], %swap3A_1215 {strides = array<i32>} : memref<2x64x128xf32, #tpu.memory_space<vmem>>, vector<1x1x16xf32>,
          %get3A_1216 = arith.index_cast %rem3A_91 : i32 to index
          %get3A_1217 = arith.index_cast %add3A_1124 : i32 to index
          %get3A_1218 = arith.constant 112 : index
          %get3A_1219 = tpu.vector_load %arg13[%get3A_1216, %get3A_1217, %get3A_1218] {strides = array<i32>} : memref<2x64x128xf32, #tpu.memory_space<vmem>>, vector<1x1x16xf32>,
          %get3A_1220 = vector.shape_cast %get3A_1219 : vector<1x1x16xf32> to vector<16xf32>
          %mul3A_1221 = vector.broadcast %squeeze3A_1120 : f32 to vector<16xf32>
          %mul3A_1222 = arith.mulf %get3A_1220, %mul3A_1221 : vector<16xf32>
          %swap3A_1223 = arith.index_cast %rem3A_91 : i32 to index
          %swap3A_1224 = arith.index_cast %add3A_1124 : i32 to index
          %swap3A_1225 = arith.constant 112 : index
          %swap3A_1226 = tpu.vector_load %arg13[%swap3A_1223, %swap3A_1224, %swap3A_1225] {strides = array<i32>} : memref<2x64x128xf32, #tpu.memory_space<vmem>>, vector<1x1x16xf32>,
          %swap3A_1227 = vector.shape_cast %swap3A_1226 : vector<1x1x16xf32> to vector<16xf32>
          %swap3A_1228 = vector.shape_cast %mul3A_1222 : vector<16xf32> to vector<1x1x16xf32>
          tpu.vector_store %arg13[%swap3A_1223, %swap3A_1224, %swap3A_1225], %swap3A_1228 {strides = array<i32>} : memref<2x64x128xf32, #tpu.memory_space<vmem>>, vector<1x1x16xf32>,
          %slice3A_1229 = vector.extract_strided_slice %get3A_131 {offsets = [10], sizes = [1], strides = [1]} : vector<16xf32> to vector<1xf32>
          %squeeze3A_1230 = vector.extract %slice3A_1229[0] : f32 from vector<1xf32>
          %mul3A_1231 = arith.constant 16 : i32
          %mul3A_1232 = arith.muli %scan3A_126, %mul3A_1231 : i32
          %add3A_1233 = arith.constant 10 : i32
          %add3A_1234 = arith.addi %mul3A_1232, %add3A_1233 : i32
          %get3A_1235 = arith.index_cast %rem3A_91 : i32 to index
          %get3A_1236 = arith.index_cast %add3A_1234 : i32 to index
          %get3A_1237 = arith.constant 0 : index
          %get3A_1238 = tpu.vector_load %arg13[%get3A_1235, %get3A_1236, %get3A_1237] {strides = array<i32>} : memref<2x64x128xf32, #tpu.memory_space<vmem>>, vector<1x1x16xf32>,
          %get3A_1239 = vector.shape_cast %get3A_1238 : vector<1x1x16xf32> to vector<16xf32>
          %mul3A_1240 = vector.broadcast %squeeze3A_1230 : f32 to vector<16xf32>
          %mul3A_1241 = arith.mulf %get3A_1239, %mul3A_1240 : vector<16xf32>
          %swap3A_1242 = arith.index_cast %rem3A_91 : i32 to index
          %swap3A_1243 = arith.index_cast %add3A_1234 : i32 to index
          %swap3A_1244 = arith.constant 0 : index
          %swap3A_1245 = tpu.vector_load %arg13[%swap3A_1242, %swap3A_1243, %swap3A_1244] {strides = array<i32>} : memref<2x64x128xf32, #tpu.memory_space<vmem>>, vector<1x1x16xf32>,
          %swap3A_1246 = vector.shape_cast %swap3A_1245 : vector<1x1x16xf32> to vector<16xf32>
          %swap3A_1247 = vector.shape_cast %mul3A_1241 : vector<16xf32> to vector<1x1x16xf32>
          tpu.vector_store %arg13[%swap3A_1242, %swap3A_1243, %swap3A_1244], %swap3A_1247 {strides = array<i32>} : memref<2x64x128xf32, #tpu.memory_space<vmem>>, vector<1x1x16xf32>,
          %get3A_1248 = arith.index_cast %rem3A_91 : i32 to index
          %get3A_1249 = arith.index_cast %add3A_1234 : i32 to index
          %get3A_1250 = arith.constant 16 : index
          %get3A_1251 = tpu.vector_load %arg13[%get3A_1248, %get3A_1249, %get3A_1250] {strides = array<i32>} : memref<2x64x128xf32, #tpu.memory_space<vmem>>, vector<1x1x16xf32>,
          %get3A_1252 = vector.shape_cast %get3A_1251 : vector<1x1x16xf32> to vector<16xf32>
          %mul3A_1253 = vector.broadcast %squeeze3A_1230 : f32 to vector<16xf32>
          %mul3A_1254 = arith.mulf %get3A_1252, %mul3A_1253 : vector<16xf32>
          %swap3A_1255 = arith.index_cast %rem3A_91 : i32 to index
          %swap3A_1256 = arith.index_cast %add3A_1234 : i32 to index
          %swap3A_1257 = arith.constant 16 : index
          %swap3A_1258 = tpu.vector_load %arg13[%swap3A_1255, %swap3A_1256, %swap3A_1257] {strides = array<i32>} : memref<2x64x128xf32, #tpu.memory_space<vmem>>, vector<1x1x16xf32>,
          %swap3A_1259 = vector.shape_cast %swap3A_1258 : vector<1x1x16xf32> to vector<16xf32>
          %swap3A_1260 = vector.shape_cast %mul3A_1254 : vector<16xf32> to vector<1x1x16xf32>
          tpu.vector_store %arg13[%swap3A_1255, %swap3A_1256, %swap3A_1257], %swap3A_1260 {strides = array<i32>} : memref<2x64x128xf32, #tpu.memory_space<vmem>>, vector<1x1x16xf32>,
          %get3A_1261 = arith.index_cast %rem3A_91 : i32 to index
          %get3A_1262 = arith.index_cast %add3A_1234 : i32 to index
          %get3A_1263 = arith.constant 32 : index
          %get3A_1264 = tpu.vector_load %arg13[%get3A_1261, %get3A_1262, %get3A_1263] {strides = array<i32>} : memref<2x64x128xf32, #tpu.memory_space<vmem>>, vector<1x1x16xf32>,
          %get3A_1265 = vector.shape_cast %get3A_1264 : vector<1x1x16xf32> to vector<16xf32>
          %mul3A_1266 = vector.broadcast %squeeze3A_1230 : f32 to vector<16xf32>
          %mul3A_1267 = arith.mulf %get3A_1265, %mul3A_1266 : vector<16xf32>
          %swap3A_1268 = arith.index_cast %rem3A_91 : i32 to index
          %swap3A_1269 = arith.index_cast %add3A_1234 : i32 to index
          %swap3A_1270 = arith.constant 32 : index
          %swap3A_1271 = tpu.vector_load %arg13[%swap3A_1268, %swap3A_1269, %swap3A_1270] {strides = array<i32>} : memref<2x64x128xf32, #tpu.memory_space<vmem>>, vector<1x1x16xf32>,
          %swap3A_1272 = vector.shape_cast %swap3A_1271 : vector<1x1x16xf32> to vector<16xf32>
          %swap3A_1273 = vector.shape_cast %mul3A_1267 : vector<16xf32> to vector<1x1x16xf32>
          tpu.vector_store %arg13[%swap3A_1268, %swap3A_1269, %swap3A_1270], %swap3A_1273 {strides = array<i32>} : memref<2x64x128xf32, #tpu.memory_space<vmem>>, vector<1x1x16xf32>,
          %get3A_1274 = arith.index_cast %rem3A_91 : i32 to index
          %get3A_1275 = arith.index_cast %add3A_1234 : i32 to index
          %get3A_1276 = arith.constant 48 : index
          %get3A_1277 = tpu.vector_load %arg13[%get3A_1274, %get3A_1275, %get3A_1276] {strides = array<i32>} : memref<2x64x128xf32, #tpu.memory_space<vmem>>, vector<1x1x16xf32>,
          %get3A_1278 = vector.shape_cast %get3A_1277 : vector<1x1x16xf32> to vector<16xf32>
          %mul3A_1279 = vector.broadcast %squeeze3A_1230 : f32 to vector<16xf32>
          %mul3A_1280 = arith.mulf %get3A_1278, %mul3A_1279 : vector<16xf32>
          %swap3A_1281 = arith.index_cast %rem3A_91 : i32 to index
          %swap3A_1282 = arith.index_cast %add3A_1234 : i32 to index
          %swap3A_1283 = arith.constant 48 : index
          %swap3A_1284 = tpu.vector_load %arg13[%swap3A_1281, %swap3A_1282, %swap3A_1283] {strides = array<i32>} : memref<2x64x128xf32, #tpu.memory_space<vmem>>, vector<1x1x16xf32>,
          %swap3A_1285 = vector.shape_cast %swap3A_1284 : vector<1x1x16xf32> to vector<16xf32>
          %swap3A_1286 = vector.shape_cast %mul3A_1280 : vector<16xf32> to vector<1x1x16xf32>
          tpu.vector_store %arg13[%swap3A_1281, %swap3A_1282, %swap3A_1283], %swap3A_1286 {strides = array<i32>} : memref<2x64x128xf32, #tpu.memory_space<vmem>>, vector<1x1x16xf32>,
          %get3A_1287 = arith.index_cast %rem3A_91 : i32 to index
          %get3A_1288 = arith.index_cast %add3A_1234 : i32 to index
          %get3A_1289 = arith.constant 64 : index
          %get3A_1290 = tpu.vector_load %arg13[%get3A_1287, %get3A_1288, %get3A_1289] {strides = array<i32>} : memref<2x64x128xf32, #tpu.memory_space<vmem>>, vector<1x1x16xf32>,
          %get3A_1291 = vector.shape_cast %get3A_1290 : vector<1x1x16xf32> to vector<16xf32>
          %mul3A_1292 = vector.broadcast %squeeze3A_1230 : f32 to vector<16xf32>
          %mul3A_1293 = arith.mulf %get3A_1291, %mul3A_1292 : vector<16xf32>
          %swap3A_1294 = arith.index_cast %rem3A_91 : i32 to index
          %swap3A_1295 = arith.index_cast %add3A_1234 : i32 to index
          %swap3A_1296 = arith.constant 64 : index
          %swap3A_1297 = tpu.vector_load %arg13[%swap3A_1294, %swap3A_1295, %swap3A_1296] {strides = array<i32>} : memref<2x64x128xf32, #tpu.memory_space<vmem>>, vector<1x1x16xf32>,
          %swap3A_1298 = vector.shape_cast %swap3A_1297 : vector<1x1x16xf32> to vector<16xf32>
          %swap3A_1299 = vector.shape_cast %mul3A_1293 : vector<16xf32> to vector<1x1x16xf32>
          tpu.vector_store %arg13[%swap3A_1294, %swap3A_1295, %swap3A_1296], %swap3A_1299 {strides = array<i32>} : memref<2x64x128xf32, #tpu.memory_space<vmem>>, vector<1x1x16xf32>,
          %get3A_1300 = arith.index_cast %rem3A_91 : i32 to index
          %get3A_1301 = arith.index_cast %add3A_1234 : i32 to index
          %get3A_1302 = arith.constant 80 : index
          %get3A_1303 = tpu.vector_load %arg13[%get3A_1300, %get3A_1301, %get3A_1302] {strides = array<i32>} : memref<2x64x128xf32, #tpu.memory_space<vmem>>, vector<1x1x16xf32>,
          %get3A_1304 = vector.shape_cast %get3A_1303 : vector<1x1x16xf32> to vector<16xf32>
          %mul3A_1305 = vector.broadcast %squeeze3A_1230 : f32 to vector<16xf32>
          %mul3A_1306 = arith.mulf %get3A_1304, %mul3A_1305 : vector<16xf32>
          %swap3A_1307 = arith.index_cast %rem3A_91 : i32 to index
          %swap3A_1308 = arith.index_cast %add3A_1234 : i32 to index
          %swap3A_1309 = arith.constant 80 : index
          %swap3A_1310 = tpu.vector_load %arg13[%swap3A_1307, %swap3A_1308, %swap3A_1309] {strides = array<i32>} : memref<2x64x128xf32, #tpu.memory_space<vmem>>, vector<1x1x16xf32>,
          %swap3A_1311 = vector.shape_cast %swap3A_1310 : vector<1x1x16xf32> to vector<16xf32>
          %swap3A_1312 = vector.shape_cast %mul3A_1306 : vector<16xf32> to vector<1x1x16xf32>
          tpu.vector_store %arg13[%swap3A_1307, %swap3A_1308, %swap3A_1309], %swap3A_1312 {strides = array<i32>} : memref<2x64x128xf32, #tpu.memory_space<vmem>>, vector<1x1x16xf32>,
          %get3A_1313 = arith.index_cast %rem3A_91 : i32 to index
          %get3A_1314 = arith.index_cast %add3A_1234 : i32 to index
          %get3A_1315 = arith.constant 96 : index
          %get3A_1316 = tpu.vector_load %arg13[%get3A_1313, %get3A_1314, %get3A_1315] {strides = array<i32>} : memref<2x64x128xf32, #tpu.memory_space<vmem>>, vector<1x1x16xf32>,
          %get3A_1317 = vector.shape_cast %get3A_1316 : vector<1x1x16xf32> to vector<16xf32>
          %mul3A_1318 = vector.broadcast %squeeze3A_1230 : f32 to vector<16xf32>
          %mul3A_1319 = arith.mulf %get3A_1317, %mul3A_1318 : vector<16xf32>
          %swap3A_1320 = arith.index_cast %rem3A_91 : i32 to index
          %swap3A_1321 = arith.index_cast %add3A_1234 : i32 to index
          %swap3A_1322 = arith.constant 96 : index
          %swap3A_1323 = tpu.vector_load %arg13[%swap3A_1320, %swap3A_1321, %swap3A_1322] {strides = array<i32>} : memref<2x64x128xf32, #tpu.memory_space<vmem>>, vector<1x1x16xf32>,
          %swap3A_1324 = vector.shape_cast %swap3A_1323 : vector<1x1x16xf32> to vector<16xf32>
          %swap3A_1325 = vector.shape_cast %mul3A_1319 : vector<16xf32> to vector<1x1x16xf32>
          tpu.vector_store %arg13[%swap3A_1320, %swap3A_1321, %swap3A_1322], %swap3A_1325 {strides = array<i32>} : memref<2x64x128xf32, #tpu.memory_space<vmem>>, vector<1x1x16xf32>,
          %get3A_1326 = arith.index_cast %rem3A_91 : i32 to index
          %get3A_1327 = arith.index_cast %add3A_1234 : i32 to index
          %get3A_1328 = arith.constant 112 : index
          %get3A_1329 = tpu.vector_load %arg13[%get3A_1326, %get3A_1327, %get3A_1328] {strides = array<i32>} : memref<2x64x128xf32, #tpu.memory_space<vmem>>, vector<1x1x16xf32>,
          %get3A_1330 = vector.shape_cast %get3A_1329 : vector<1x1x16xf32> to vector<16xf32>
          %mul3A_1331 = vector.broadcast %squeeze3A_1230 : f32 to vector<16xf32>
          %mul3A_1332 = arith.mulf %get3A_1330, %mul3A_1331 : vector<16xf32>
          %swap3A_1333 = arith.index_cast %rem3A_91 : i32 to index
          %swap3A_1334 = arith.index_cast %add3A_1234 : i32 to index
          %swap3A_1335 = arith.constant 112 : index
          %swap3A_1336 = tpu.vector_load %arg13[%swap3A_1333, %swap3A_1334, %swap3A_1335] {strides = array<i32>} : memref<2x64x128xf32, #tpu.memory_space<vmem>>, vector<1x1x16xf32>,
          %swap3A_1337 = vector.shape_cast %swap3A_1336 : vector<1x1x16xf32> to vector<16xf32>
          %swap3A_1338 = vector.shape_cast %mul3A_1332 : vector<16xf32> to vector<1x1x16xf32>
          tpu.vector_store %arg13[%swap3A_1333, %swap3A_1334, %swap3A_1335], %swap3A_1338 {strides = array<i32>} : memref<2x64x128xf32, #tpu.memory_space<vmem>>, vector<1x1x16xf32>,
          %slice3A_1339 = vector.extract_strided_slice %get3A_131 {offsets = [11], sizes = [1], strides = [1]} : vector<16xf32> to vector<1xf32>
          %squeeze3A_1340 = vector.extract %slice3A_1339[0] : f32 from vector<1xf32>
          %mul3A_1341 = arith.constant 16 : i32
          %mul3A_1342 = arith.muli %scan3A_126, %mul3A_1341 : i32
          %add3A_1343 = arith.constant 11 : i32
          %add3A_1344 = arith.addi %mul3A_1342, %add3A_1343 : i32
          %get3A_1345 = arith.index_cast %rem3A_91 : i32 to index
          %get3A_1346 = arith.index_cast %add3A_1344 : i32 to index
          %get3A_1347 = arith.constant 0 : index
          %get3A_1348 = tpu.vector_load %arg13[%get3A_1345, %get3A_1346, %get3A_1347] {strides = array<i32>} : memref<2x64x128xf32, #tpu.memory_space<vmem>>, vector<1x1x16xf32>,
          %get3A_1349 = vector.shape_cast %get3A_1348 : vector<1x1x16xf32> to vector<16xf32>
          %mul3A_1350 = vector.broadcast %squeeze3A_1340 : f32 to vector<16xf32>
          %mul3A_1351 = arith.mulf %get3A_1349, %mul3A_1350 : vector<16xf32>
          %swap3A_1352 = arith.index_cast %rem3A_91 : i32 to index
          %swap3A_1353 = arith.index_cast %add3A_1344 : i32 to index
          %swap3A_1354 = arith.constant 0 : index
          %swap3A_1355 = tpu.vector_load %arg13[%swap3A_1352, %swap3A_1353, %swap3A_1354] {strides = array<i32>} : memref<2x64x128xf32, #tpu.memory_space<vmem>>, vector<1x1x16xf32>,
          %swap3A_1356 = vector.shape_cast %swap3A_1355 : vector<1x1x16xf32> to vector<16xf32>
          %swap3A_1357 = vector.shape_cast %mul3A_1351 : vector<16xf32> to vector<1x1x16xf32>
          tpu.vector_store %arg13[%swap3A_1352, %swap3A_1353, %swap3A_1354], %swap3A_1357 {strides = array<i32>} : memref<2x64x128xf32, #tpu.memory_space<vmem>>, vector<1x1x16xf32>,
          %get3A_1358 = arith.index_cast %rem3A_91 : i32 to index
          %get3A_1359 = arith.index_cast %add3A_1344 : i32 to index
          %get3A_1360 = arith.constant 16 : index
          %get3A_1361 = tpu.vector_load %arg13[%get3A_1358, %get3A_1359, %get3A_1360] {strides = array<i32>} : memref<2x64x128xf32, #tpu.memory_space<vmem>>, vector<1x1x16xf32>,
          %get3A_1362 = vector.shape_cast %get3A_1361 : vector<1x1x16xf32> to vector<16xf32>
          %mul3A_1363 = vector.broadcast %squeeze3A_1340 : f32 to vector<16xf32>
          %mul3A_1364 = arith.mulf %get3A_1362, %mul3A_1363 : vector<16xf32>
          %swap3A_1365 = arith.index_cast %rem3A_91 : i32 to index
          %swap3A_1366 = arith.index_cast %add3A_1344 : i32 to index
          %swap3A_1367 = arith.constant 16 : index
          %swap3A_1368 = tpu.vector_load %arg13[%swap3A_1365, %swap3A_1366, %swap3A_1367] {strides = array<i32>} : memref<2x64x128xf32, #tpu.memory_space<vmem>>, vector<1x1x16xf32>,
          %swap3A_1369 = vector.shape_cast %swap3A_1368 : vector<1x1x16xf32> to vector<16xf32>
          %swap3A_1370 = vector.shape_cast %mul3A_1364 : vector<16xf32> to vector<1x1x16xf32>
          tpu.vector_store %arg13[%swap3A_1365, %swap3A_1366, %swap3A_1367], %swap3A_1370 {strides = array<i32>} : memref<2x64x128xf32, #tpu.memory_space<vmem>>, vector<1x1x16xf32>,
          %get3A_1371 = arith.index_cast %rem3A_91 : i32 to index
          %get3A_1372 = arith.index_cast %add3A_1344 : i32 to index
          %get3A_1373 = arith.constant 32 : index
          %get3A_1374 = tpu.vector_load %arg13[%get3A_1371, %get3A_1372, %get3A_1373] {strides = array<i32>} : memref<2x64x128xf32, #tpu.memory_space<vmem>>, vector<1x1x16xf32>,
          %get3A_1375 = vector.shape_cast %get3A_1374 : vector<1x1x16xf32> to vector<16xf32>
          %mul3A_1376 = vector.broadcast %squeeze3A_1340 : f32 to vector<16xf32>
          %mul3A_1377 = arith.mulf %get3A_1375, %mul3A_1376 : vector<16xf32>
          %swap3A_1378 = arith.index_cast %rem3A_91 : i32 to index
          %swap3A_1379 = arith.index_cast %add3A_1344 : i32 to index
          %swap3A_1380 = arith.constant 32 : index
          %swap3A_1381 = tpu.vector_load %arg13[%swap3A_1378, %swap3A_1379, %swap3A_1380] {strides = array<i32>} : memref<2x64x128xf32, #tpu.memory_space<vmem>>, vector<1x1x16xf32>,
          %swap3A_1382 = vector.shape_cast %swap3A_1381 : vector<1x1x16xf32> to vector<16xf32>
          %swap3A_1383 = vector.shape_cast %mul3A_1377 : vector<16xf32> to vector<1x1x16xf32>
          tpu.vector_store %arg13[%swap3A_1378, %swap3A_1379, %swap3A_1380], %swap3A_1383 {strides = array<i32>} : memref<2x64x128xf32, #tpu.memory_space<vmem>>, vector<1x1x16xf32>,
          %get3A_1384 = arith.index_cast %rem3A_91 : i32 to index
          %get3A_1385 = arith.index_cast %add3A_1344 : i32 to index
          %get3A_1386 = arith.constant 48 : index
          %get3A_1387 = tpu.vector_load %arg13[%get3A_1384, %get3A_1385, %get3A_1386] {strides = array<i32>} : memref<2x64x128xf32, #tpu.memory_space<vmem>>, vector<1x1x16xf32>,
          %get3A_1388 = vector.shape_cast %get3A_1387 : vector<1x1x16xf32> to vector<16xf32>
          %mul3A_1389 = vector.broadcast %squeeze3A_1340 : f32 to vector<16xf32>
          %mul3A_1390 = arith.mulf %get3A_1388, %mul3A_1389 : vector<16xf32>
          %swap3A_1391 = arith.index_cast %rem3A_91 : i32 to index
          %swap3A_1392 = arith.index_cast %add3A_1344 : i32 to index
          %swap3A_1393 = arith.constant 48 : index
          %swap3A_1394 = tpu.vector_load %arg13[%swap3A_1391, %swap3A_1392, %swap3A_1393] {strides = array<i32>} : memref<2x64x128xf32, #tpu.memory_space<vmem>>, vector<1x1x16xf32>,
          %swap3A_1395 = vector.shape_cast %swap3A_1394 : vector<1x1x16xf32> to vector<16xf32>
          %swap3A_1396 = vector.shape_cast %mul3A_1390 : vector<16xf32> to vector<1x1x16xf32>
          tpu.vector_store %arg13[%swap3A_1391, %swap3A_1392, %swap3A_1393], %swap3A_1396 {strides = array<i32>} : memref<2x64x128xf32, #tpu.memory_space<vmem>>, vector<1x1x16xf32>,
          %get3A_1397 = arith.index_cast %rem3A_91 : i32 to index
          %get3A_1398 = arith.index_cast %add3A_1344 : i32 to index
          %get3A_1399 = arith.constant 64 : index
          %get3A_1400 = tpu.vector_load %arg13[%get3A_1397, %get3A_1398, %get3A_1399] {strides = array<i32>} : memref<2x64x128xf32, #tpu.memory_space<vmem>>, vector<1x1x16xf32>,
          %get3A_1401 = vector.shape_cast %get3A_1400 : vector<1x1x16xf32> to vector<16xf32>
          %mul3A_1402 = vector.broadcast %squeeze3A_1340 : f32 to vector<16xf32>
          %mul3A_1403 = arith.mulf %get3A_1401, %mul3A_1402 : vector<16xf32>
          %swap3A_1404 = arith.index_cast %rem3A_91 : i32 to index
          %swap3A_1405 = arith.index_cast %add3A_1344 : i32 to index
          %swap3A_1406 = arith.constant 64 : index
          %swap3A_1407 = tpu.vector_load %arg13[%swap3A_1404, %swap3A_1405, %swap3A_1406] {strides = array<i32>} : memref<2x64x128xf32, #tpu.memory_space<vmem>>, vector<1x1x16xf32>,
          %swap3A_1408 = vector.shape_cast %swap3A_1407 : vector<1x1x16xf32> to vector<16xf32>
          %swap3A_1409 = vector.shape_cast %mul3A_1403 : vector<16xf32> to vector<1x1x16xf32>
          tpu.vector_store %arg13[%swap3A_1404, %swap3A_1405, %swap3A_1406], %swap3A_1409 {strides = array<i32>} : memref<2x64x128xf32, #tpu.memory_space<vmem>>, vector<1x1x16xf32>,
          %get3A_1410 = arith.index_cast %rem3A_91 : i32 to index
          %get3A_1411 = arith.index_cast %add3A_1344 : i32 to index
          %get3A_1412 = arith.constant 80 : index
          %get3A_1413 = tpu.vector_load %arg13[%get3A_1410, %get3A_1411, %get3A_1412] {strides = array<i32>} : memref<2x64x128xf32, #tpu.memory_space<vmem>>, vector<1x1x16xf32>,
          %get3A_1414 = vector.shape_cast %get3A_1413 : vector<1x1x16xf32> to vector<16xf32>
          %mul3A_1415 = vector.broadcast %squeeze3A_1340 : f32 to vector<16xf32>
          %mul3A_1416 = arith.mulf %get3A_1414, %mul3A_1415 : vector<16xf32>
          %swap3A_1417 = arith.index_cast %rem3A_91 : i32 to index
          %swap3A_1418 = arith.index_cast %add3A_1344 : i32 to index
          %swap3A_1419 = arith.constant 80 : index
          %swap3A_1420 = tpu.vector_load %arg13[%swap3A_1417, %swap3A_1418, %swap3A_1419] {strides = array<i32>} : memref<2x64x128xf32, #tpu.memory_space<vmem>>, vector<1x1x16xf32>,
          %swap3A_1421 = vector.shape_cast %swap3A_1420 : vector<1x1x16xf32> to vector<16xf32>
          %swap3A_1422 = vector.shape_cast %mul3A_1416 : vector<16xf32> to vector<1x1x16xf32>
          tpu.vector_store %arg13[%swap3A_1417, %swap3A_1418, %swap3A_1419], %swap3A_1422 {strides = array<i32>} : memref<2x64x128xf32, #tpu.memory_space<vmem>>, vector<1x1x16xf32>,
          %get3A_1423 = arith.index_cast %rem3A_91 : i32 to index
          %get3A_1424 = arith.index_cast %add3A_1344 : i32 to index
          %get3A_1425 = arith.constant 96 : index
          %get3A_1426 = tpu.vector_load %arg13[%get3A_1423, %get3A_1424, %get3A_1425] {strides = array<i32>} : memref<2x64x128xf32, #tpu.memory_space<vmem>>, vector<1x1x16xf32>,
          %get3A_1427 = vector.shape_cast %get3A_1426 : vector<1x1x16xf32> to vector<16xf32>
          %mul3A_1428 = vector.broadcast %squeeze3A_1340 : f32 to vector<16xf32>
          %mul3A_1429 = arith.mulf %get3A_1427, %mul3A_1428 : vector<16xf32>
          %swap3A_1430 = arith.index_cast %rem3A_91 : i32 to index
          %swap3A_1431 = arith.index_cast %add3A_1344 : i32 to index
          %swap3A_1432 = arith.constant 96 : index
          %swap3A_1433 = tpu.vector_load %arg13[%swap3A_1430, %swap3A_1431, %swap3A_1432] {strides = array<i32>} : memref<2x64x128xf32, #tpu.memory_space<vmem>>, vector<1x1x16xf32>,
          %swap3A_1434 = vector.shape_cast %swap3A_1433 : vector<1x1x16xf32> to vector<16xf32>
          %swap3A_1435 = vector.shape_cast %mul3A_1429 : vector<16xf32> to vector<1x1x16xf32>
          tpu.vector_store %arg13[%swap3A_1430, %swap3A_1431, %swap3A_1432], %swap3A_1435 {strides = array<i32>} : memref<2x64x128xf32, #tpu.memory_space<vmem>>, vector<1x1x16xf32>,
          %get3A_1436 = arith.index_cast %rem3A_91 : i32 to index
          %get3A_1437 = arith.index_cast %add3A_1344 : i32 to index
          %get3A_1438 = arith.constant 112 : index
          %get3A_1439 = tpu.vector_load %arg13[%get3A_1436, %get3A_1437, %get3A_1438] {strides = array<i32>} : memref<2x64x128xf32, #tpu.memory_space<vmem>>, vector<1x1x16xf32>,
          %get3A_1440 = vector.shape_cast %get3A_1439 : vector<1x1x16xf32> to vector<16xf32>
          %mul3A_1441 = vector.broadcast %squeeze3A_1340 : f32 to vector<16xf32>
          %mul3A_1442 = arith.mulf %get3A_1440, %mul3A_1441 : vector<16xf32>
          %swap3A_1443 = arith.index_cast %rem3A_91 : i32 to index
          %swap3A_1444 = arith.index_cast %add3A_1344 : i32 to index
          %swap3A_1445 = arith.constant 112 : index
          %swap3A_1446 = tpu.vector_load %arg13[%swap3A_1443, %swap3A_1444, %swap3A_1445] {strides = array<i32>} : memref<2x64x128xf32, #tpu.memory_space<vmem>>, vector<1x1x16xf32>,
          %swap3A_1447 = vector.shape_cast %swap3A_1446 : vector<1x1x16xf32> to vector<16xf32>
          %swap3A_1448 = vector.shape_cast %mul3A_1442 : vector<16xf32> to vector<1x1x16xf32>
          tpu.vector_store %arg13[%swap3A_1443, %swap3A_1444, %swap3A_1445], %swap3A_1448 {strides = array<i32>} : memref<2x64x128xf32, #tpu.memory_space<vmem>>, vector<1x1x16xf32>,
          %slice3A_1449 = vector.extract_strided_slice %get3A_131 {offsets = [12], sizes = [1], strides = [1]} : vector<16xf32> to vector<1xf32>
          %squeeze3A_1450 = vector.extract %slice3A_1449[0] : f32 from vector<1xf32>
          %mul3A_1451 = arith.constant 16 : i32
          %mul3A_1452 = arith.muli %scan3A_126, %mul3A_1451 : i32
          %add3A_1453 = arith.constant 12 : i32
          %add3A_1454 = arith.addi %mul3A_1452, %add3A_1453 : i32
          %get3A_1455 = arith.index_cast %rem3A_91 : i32 to index
          %get3A_1456 = arith.index_cast %add3A_1454 : i32 to index
          %get3A_1457 = arith.constant 0 : index
          %get3A_1458 = tpu.vector_load %arg13[%get3A_1455, %get3A_1456, %get3A_1457] {strides = array<i32>} : memref<2x64x128xf32, #tpu.memory_space<vmem>>, vector<1x1x16xf32>,
          %get3A_1459 = vector.shape_cast %get3A_1458 : vector<1x1x16xf32> to vector<16xf32>
          %mul3A_1460 = vector.broadcast %squeeze3A_1450 : f32 to vector<16xf32>
          %mul3A_1461 = arith.mulf %get3A_1459, %mul3A_1460 : vector<16xf32>
          %swap3A_1462 = arith.index_cast %rem3A_91 : i32 to index
          %swap3A_1463 = arith.index_cast %add3A_1454 : i32 to index
          %swap3A_1464 = arith.constant 0 : index
          %swap3A_1465 = tpu.vector_load %arg13[%swap3A_1462, %swap3A_1463, %swap3A_1464] {strides = array<i32>} : memref<2x64x128xf32, #tpu.memory_space<vmem>>, vector<1x1x16xf32>,
          %swap3A_1466 = vector.shape_cast %swap3A_1465 : vector<1x1x16xf32> to vector<16xf32>
          %swap3A_1467 = vector.shape_cast %mul3A_1461 : vector<16xf32> to vector<1x1x16xf32>
          tpu.vector_store %arg13[%swap3A_1462, %swap3A_1463, %swap3A_1464], %swap3A_1467 {strides = array<i32>} : memref<2x64x128xf32, #tpu.memory_space<vmem>>, vector<1x1x16xf32>,
          %get3A_1468 = arith.index_cast %rem3A_91 : i32 to index
          %get3A_1469 = arith.index_cast %add3A_1454 : i32 to index
          %get3A_1470 = arith.constant 16 : index
          %get3A_1471 = tpu.vector_load %arg13[%get3A_1468, %get3A_1469, %get3A_1470] {strides = array<i32>} : memref<2x64x128xf32, #tpu.memory_space<vmem>>, vector<1x1x16xf32>,
          %get3A_1472 = vector.shape_cast %get3A_1471 : vector<1x1x16xf32> to vector<16xf32>
          %mul3A_1473 = vector.broadcast %squeeze3A_1450 : f32 to vector<16xf32>
          %mul3A_1474 = arith.mulf %get3A_1472, %mul3A_1473 : vector<16xf32>
          %swap3A_1475 = arith.index_cast %rem3A_91 : i32 to index
          %swap3A_1476 = arith.index_cast %add3A_1454 : i32 to index
          %swap3A_1477 = arith.constant 16 : index
          %swap3A_1478 = tpu.vector_load %arg13[%swap3A_1475, %swap3A_1476, %swap3A_1477] {strides = array<i32>} : memref<2x64x128xf32, #tpu.memory_space<vmem>>, vector<1x1x16xf32>,
          %swap3A_1479 = vector.shape_cast %swap3A_1478 : vector<1x1x16xf32> to vector<16xf32>
          %swap3A_1480 = vector.shape_cast %mul3A_1474 : vector<16xf32> to vector<1x1x16xf32>
          tpu.vector_store %arg13[%swap3A_1475, %swap3A_1476, %swap3A_1477], %swap3A_1480 {strides = array<i32>} : memref<2x64x128xf32, #tpu.memory_space<vmem>>, vector<1x1x16xf32>,
          %get3A_1481 = arith.index_cast %rem3A_91 : i32 to index
          %get3A_1482 = arith.index_cast %add3A_1454 : i32 to index
          %get3A_1483 = arith.constant 32 : index
          %get3A_1484 = tpu.vector_load %arg13[%get3A_1481, %get3A_1482, %get3A_1483] {strides = array<i32>} : memref<2x64x128xf32, #tpu.memory_space<vmem>>, vector<1x1x16xf32>,
          %get3A_1485 = vector.shape_cast %get3A_1484 : vector<1x1x16xf32> to vector<16xf32>
          %mul3A_1486 = vector.broadcast %squeeze3A_1450 : f32 to vector<16xf32>
          %mul3A_1487 = arith.mulf %get3A_1485, %mul3A_1486 : vector<16xf32>
          %swap3A_1488 = arith.index_cast %rem3A_91 : i32 to index
          %swap3A_1489 = arith.index_cast %add3A_1454 : i32 to index
          %swap3A_1490 = arith.constant 32 : index
          %swap3A_1491 = tpu.vector_load %arg13[%swap3A_1488, %swap3A_1489, %swap3A_1490] {strides = array<i32>} : memref<2x64x128xf32, #tpu.memory_space<vmem>>, vector<1x1x16xf32>,
          %swap3A_1492 = vector.shape_cast %swap3A_1491 : vector<1x1x16xf32> to vector<16xf32>
          %swap3A_1493 = vector.shape_cast %mul3A_1487 : vector<16xf32> to vector<1x1x16xf32>
          tpu.vector_store %arg13[%swap3A_1488, %swap3A_1489, %swap3A_1490], %swap3A_1493 {strides = array<i32>} : memref<2x64x128xf32, #tpu.memory_space<vmem>>, vector<1x1x16xf32>,
          %get3A_1494 = arith.index_cast %rem3A_91 : i32 to index
          %get3A_1495 = arith.index_cast %add3A_1454 : i32 to index
          %get3A_1496 = arith.constant 48 : index
          %get3A_1497 = tpu.vector_load %arg13[%get3A_1494, %get3A_1495, %get3A_1496] {strides = array<i32>} : memref<2x64x128xf32, #tpu.memory_space<vmem>>, vector<1x1x16xf32>,
          %get3A_1498 = vector.shape_cast %get3A_1497 : vector<1x1x16xf32> to vector<16xf32>
          %mul3A_1499 = vector.broadcast %squeeze3A_1450 : f32 to vector<16xf32>
          %mul3A_1500 = arith.mulf %get3A_1498, %mul3A_1499 : vector<16xf32>
          %swap3A_1501 = arith.index_cast %rem3A_91 : i32 to index
          %swap3A_1502 = arith.index_cast %add3A_1454 : i32 to index
          %swap3A_1503 = arith.constant 48 : index
          %swap3A_1504 = tpu.vector_load %arg13[%swap3A_1501, %swap3A_1502, %swap3A_1503] {strides = array<i32>} : memref<2x64x128xf32, #tpu.memory_space<vmem>>, vector<1x1x16xf32>,
          %swap3A_1505 = vector.shape_cast %swap3A_1504 : vector<1x1x16xf32> to vector<16xf32>
          %swap3A_1506 = vector.shape_cast %mul3A_1500 : vector<16xf32> to vector<1x1x16xf32>
          tpu.vector_store %arg13[%swap3A_1501, %swap3A_1502, %swap3A_1503], %swap3A_1506 {strides = array<i32>} : memref<2x64x128xf32, #tpu.memory_space<vmem>>, vector<1x1x16xf32>,
          %get3A_1507 = arith.index_cast %rem3A_91 : i32 to index
          %get3A_1508 = arith.index_cast %add3A_1454 : i32 to index
          %get3A_1509 = arith.constant 64 : index
          %get3A_1510 = tpu.vector_load %arg13[%get3A_1507, %get3A_1508, %get3A_1509] {strides = array<i32>} : memref<2x64x128xf32, #tpu.memory_space<vmem>>, vector<1x1x16xf32>,
          %get3A_1511 = vector.shape_cast %get3A_1510 : vector<1x1x16xf32> to vector<16xf32>
          %mul3A_1512 = vector.broadcast %squeeze3A_1450 : f32 to vector<16xf32>
          %mul3A_1513 = arith.mulf %get3A_1511, %mul3A_1512 : vector<16xf32>
          %swap3A_1514 = arith.index_cast %rem3A_91 : i32 to index
          %swap3A_1515 = arith.index_cast %add3A_1454 : i32 to index
          %swap3A_1516 = arith.constant 64 : index
          %swap3A_1517 = tpu.vector_load %arg13[%swap3A_1514, %swap3A_1515, %swap3A_1516] {strides = array<i32>} : memref<2x64x128xf32, #tpu.memory_space<vmem>>, vector<1x1x16xf32>,
          %swap3A_1518 = vector.shape_cast %swap3A_1517 : vector<1x1x16xf32> to vector<16xf32>
          %swap3A_1519 = vector.shape_cast %mul3A_1513 : vector<16xf32> to vector<1x1x16xf32>
          tpu.vector_store %arg13[%swap3A_1514, %swap3A_1515, %swap3A_1516], %swap3A_1519 {strides = array<i32>} : memref<2x64x128xf32, #tpu.memory_space<vmem>>, vector<1x1x16xf32>,
          %get3A_1520 = arith.index_cast %rem3A_91 : i32 to index
          %get3A_1521 = arith.index_cast %add3A_1454 : i32 to index
          %get3A_1522 = arith.constant 80 : index
          %get3A_1523 = tpu.vector_load %arg13[%get3A_1520, %get3A_1521, %get3A_1522] {strides = array<i32>} : memref<2x64x128xf32, #tpu.memory_space<vmem>>, vector<1x1x16xf32>,
          %get3A_1524 = vector.shape_cast %get3A_1523 : vector<1x1x16xf32> to vector<16xf32>
          %mul3A_1525 = vector.broadcast %squeeze3A_1450 : f32 to vector<16xf32>
          %mul3A_1526 = arith.mulf %get3A_1524, %mul3A_1525 : vector<16xf32>
          %swap3A_1527 = arith.index_cast %rem3A_91 : i32 to index
          %swap3A_1528 = arith.index_cast %add3A_1454 : i32 to index
          %swap3A_1529 = arith.constant 80 : index
          %swap3A_1530 = tpu.vector_load %arg13[%swap3A_1527, %swap3A_1528, %swap3A_1529] {strides = array<i32>} : memref<2x64x128xf32, #tpu.memory_space<vmem>>, vector<1x1x16xf32>,
          %swap3A_1531 = vector.shape_cast %swap3A_1530 : vector<1x1x16xf32> to vector<16xf32>
          %swap3A_1532 = vector.shape_cast %mul3A_1526 : vector<16xf32> to vector<1x1x16xf32>
          tpu.vector_store %arg13[%swap3A_1527, %swap3A_1528, %swap3A_1529], %swap3A_1532 {strides = array<i32>} : memref<2x64x128xf32, #tpu.memory_space<vmem>>, vector<1x1x16xf32>,
          %get3A_1533 = arith.index_cast %rem3A_91 : i32 to index
          %get3A_1534 = arith.index_cast %add3A_1454 : i32 to index
          %get3A_1535 = arith.constant 96 : index
          %get3A_1536 = tpu.vector_load %arg13[%get3A_1533, %get3A_1534, %get3A_1535] {strides = array<i32>} : memref<2x64x128xf32, #tpu.memory_space<vmem>>, vector<1x1x16xf32>,
          %get3A_1537 = vector.shape_cast %get3A_1536 : vector<1x1x16xf32> to vector<16xf32>
          %mul3A_1538 = vector.broadcast %squeeze3A_1450 : f32 to vector<16xf32>
          %mul3A_1539 = arith.mulf %get3A_1537, %mul3A_1538 : vector<16xf32>
          %swap3A_1540 = arith.index_cast %rem3A_91 : i32 to index
          %swap3A_1541 = arith.index_cast %add3A_1454 : i32 to index
          %swap3A_1542 = arith.constant 96 : index
          %swap3A_1543 = tpu.vector_load %arg13[%swap3A_1540, %swap3A_1541, %swap3A_1542] {strides = array<i32>} : memref<2x64x128xf32, #tpu.memory_space<vmem>>, vector<1x1x16xf32>,
          %swap3A_1544 = vector.shape_cast %swap3A_1543 : vector<1x1x16xf32> to vector<16xf32>
          %swap3A_1545 = vector.shape_cast %mul3A_1539 : vector<16xf32> to vector<1x1x16xf32>
          tpu.vector_store %arg13[%swap3A_1540, %swap3A_1541, %swap3A_1542], %swap3A_1545 {strides = array<i32>} : memref<2x64x128xf32, #tpu.memory_space<vmem>>, vector<1x1x16xf32>,
          %get3A_1546 = arith.index_cast %rem3A_91 : i32 to index
          %get3A_1547 = arith.index_cast %add3A_1454 : i32 to index
          %get3A_1548 = arith.constant 112 : index
          %get3A_1549 = tpu.vector_load %arg13[%get3A_1546, %get3A_1547, %get3A_1548] {strides = array<i32>} : memref<2x64x128xf32, #tpu.memory_space<vmem>>, vector<1x1x16xf32>,
          %get3A_1550 = vector.shape_cast %get3A_1549 : vector<1x1x16xf32> to vector<16xf32>
          %mul3A_1551 = vector.broadcast %squeeze3A_1450 : f32 to vector<16xf32>
          %mul3A_1552 = arith.mulf %get3A_1550, %mul3A_1551 : vector<16xf32>
          %swap3A_1553 = arith.index_cast %rem3A_91 : i32 to index
          %swap3A_1554 = arith.index_cast %add3A_1454 : i32 to index
          %swap3A_1555 = arith.constant 112 : index
          %swap3A_1556 = tpu.vector_load %arg13[%swap3A_1553, %swap3A_1554, %swap3A_1555] {strides = array<i32>} : memref<2x64x128xf32, #tpu.memory_space<vmem>>, vector<1x1x16xf32>,
          %swap3A_1557 = vector.shape_cast %swap3A_1556 : vector<1x1x16xf32> to vector<16xf32>
          %swap3A_1558 = vector.shape_cast %mul3A_1552 : vector<16xf32> to vector<1x1x16xf32>
          tpu.vector_store %arg13[%swap3A_1553, %swap3A_1554, %swap3A_1555], %swap3A_1558 {strides = array<i32>} : memref<2x64x128xf32, #tpu.memory_space<vmem>>, vector<1x1x16xf32>,
          %slice3A_1559 = vector.extract_strided_slice %get3A_131 {offsets = [13], sizes = [1], strides = [1]} : vector<16xf32> to vector<1xf32>
          %squeeze3A_1560 = vector.extract %slice3A_1559[0] : f32 from vector<1xf32>
          %mul3A_1561 = arith.constant 16 : i32
          %mul3A_1562 = arith.muli %scan3A_126, %mul3A_1561 : i32
          %add3A_1563 = arith.constant 13 : i32
          %add3A_1564 = arith.addi %mul3A_1562, %add3A_1563 : i32
          %get3A_1565 = arith.index_cast %rem3A_91 : i32 to index
          %get3A_1566 = arith.index_cast %add3A_1564 : i32 to index
          %get3A_1567 = arith.constant 0 : index
          %get3A_1568 = tpu.vector_load %arg13[%get3A_1565, %get3A_1566, %get3A_1567] {strides = array<i32>} : memref<2x64x128xf32, #tpu.memory_space<vmem>>, vector<1x1x16xf32>,
          %get3A_1569 = vector.shape_cast %get3A_1568 : vector<1x1x16xf32> to vector<16xf32>
          %mul3A_1570 = vector.broadcast %squeeze3A_1560 : f32 to vector<16xf32>
          %mul3A_1571 = arith.mulf %get3A_1569, %mul3A_1570 : vector<16xf32>
          %swap3A_1572 = arith.index_cast %rem3A_91 : i32 to index
          %swap3A_1573 = arith.index_cast %add3A_1564 : i32 to index
          %swap3A_1574 = arith.constant 0 : index
          %swap3A_1575 = tpu.vector_load %arg13[%swap3A_1572, %swap3A_1573, %swap3A_1574] {strides = array<i32>} : memref<2x64x128xf32, #tpu.memory_space<vmem>>, vector<1x1x16xf32>,
          %swap3A_1576 = vector.shape_cast %swap3A_1575 : vector<1x1x16xf32> to vector<16xf32>
          %swap3A_1577 = vector.shape_cast %mul3A_1571 : vector<16xf32> to vector<1x1x16xf32>
          tpu.vector_store %arg13[%swap3A_1572, %swap3A_1573, %swap3A_1574], %swap3A_1577 {strides = array<i32>} : memref<2x64x128xf32, #tpu.memory_space<vmem>>, vector<1x1x16xf32>,
          %get3A_1578 = arith.index_cast %rem3A_91 : i32 to index
          %get3A_1579 = arith.index_cast %add3A_1564 : i32 to index
          %get3A_1580 = arith.constant 16 : index
          %get3A_1581 = tpu.vector_load %arg13[%get3A_1578, %get3A_1579, %get3A_1580] {strides = array<i32>} : memref<2x64x128xf32, #tpu.memory_space<vmem>>, vector<1x1x16xf32>,
          %get3A_1582 = vector.shape_cast %get3A_1581 : vector<1x1x16xf32> to vector<16xf32>
          %mul3A_1583 = vector.broadcast %squeeze3A_1560 : f32 to vector<16xf32>
          %mul3A_1584 = arith.mulf %get3A_1582, %mul3A_1583 : vector<16xf32>
          %swap3A_1585 = arith.index_cast %rem3A_91 : i32 to index
          %swap3A_1586 = arith.index_cast %add3A_1564 : i32 to index
          %swap3A_1587 = arith.constant 16 : index
          %swap3A_1588 = tpu.vector_load %arg13[%swap3A_1585, %swap3A_1586, %swap3A_1587] {strides = array<i32>} : memref<2x64x128xf32, #tpu.memory_space<vmem>>, vector<1x1x16xf32>,
          %swap3A_1589 = vector.shape_cast %swap3A_1588 : vector<1x1x16xf32> to vector<16xf32>
          %swap3A_1590 = vector.shape_cast %mul3A_1584 : vector<16xf32> to vector<1x1x16xf32>
          tpu.vector_store %arg13[%swap3A_1585, %swap3A_1586, %swap3A_1587], %swap3A_1590 {strides = array<i32>} : memref<2x64x128xf32, #tpu.memory_space<vmem>>, vector<1x1x16xf32>,
          %get3A_1591 = arith.index_cast %rem3A_91 : i32 to index
          %get3A_1592 = arith.index_cast %add3A_1564 : i32 to index
          %get3A_1593 = arith.constant 32 : index
          %get3A_1594 = tpu.vector_load %arg13[%get3A_1591, %get3A_1592, %get3A_1593] {strides = array<i32>} : memref<2x64x128xf32, #tpu.memory_space<vmem>>, vector<1x1x16xf32>,
          %get3A_1595 = vector.shape_cast %get3A_1594 : vector<1x1x16xf32> to vector<16xf32>
          %mul3A_1596 = vector.broadcast %squeeze3A_1560 : f32 to vector<16xf32>
          %mul3A_1597 = arith.mulf %get3A_1595, %mul3A_1596 : vector<16xf32>
          %swap3A_1598 = arith.index_cast %rem3A_91 : i32 to index
          %swap3A_1599 = arith.index_cast %add3A_1564 : i32 to index
          %swap3A_1600 = arith.constant 32 : index
          %swap3A_1601 = tpu.vector_load %arg13[%swap3A_1598, %swap3A_1599, %swap3A_1600] {strides = array<i32>} : memref<2x64x128xf32, #tpu.memory_space<vmem>>, vector<1x1x16xf32>,
          %swap3A_1602 = vector.shape_cast %swap3A_1601 : vector<1x1x16xf32> to vector<16xf32>
          %swap3A_1603 = vector.shape_cast %mul3A_1597 : vector<16xf32> to vector<1x1x16xf32>
          tpu.vector_store %arg13[%swap3A_1598, %swap3A_1599, %swap3A_1600], %swap3A_1603 {strides = array<i32>} : memref<2x64x128xf32, #tpu.memory_space<vmem>>, vector<1x1x16xf32>,
          %get3A_1604 = arith.index_cast %rem3A_91 : i32 to index
          %get3A_1605 = arith.index_cast %add3A_1564 : i32 to index
          %get3A_1606 = arith.constant 48 : index
          %get3A_1607 = tpu.vector_load %arg13[%get3A_1604, %get3A_1605, %get3A_1606] {strides = array<i32>} : memref<2x64x128xf32, #tpu.memory_space<vmem>>, vector<1x1x16xf32>,
          %get3A_1608 = vector.shape_cast %get3A_1607 : vector<1x1x16xf32> to vector<16xf32>
          %mul3A_1609 = vector.broadcast %squeeze3A_1560 : f32 to vector<16xf32>
          %mul3A_1610 = arith.mulf %get3A_1608, %mul3A_1609 : vector<16xf32>
          %swap3A_1611 = arith.index_cast %rem3A_91 : i32 to index
          %swap3A_1612 = arith.index_cast %add3A_1564 : i32 to index
          %swap3A_1613 = arith.constant 48 : index
          %swap3A_1614 = tpu.vector_load %arg13[%swap3A_1611, %swap3A_1612, %swap3A_1613] {strides = array<i32>} : memref<2x64x128xf32, #tpu.memory_space<vmem>>, vector<1x1x16xf32>,
          %swap3A_1615 = vector.shape_cast %swap3A_1614 : vector<1x1x16xf32> to vector<16xf32>
          %swap3A_1616 = vector.shape_cast %mul3A_1610 : vector<16xf32> to vector<1x1x16xf32>
          tpu.vector_store %arg13[%swap3A_1611, %swap3A_1612, %swap3A_1613], %swap3A_1616 {strides = array<i32>} : memref<2x64x128xf32, #tpu.memory_space<vmem>>, vector<1x1x16xf32>,
          %get3A_1617 = arith.index_cast %rem3A_91 : i32 to index
          %get3A_1618 = arith.index_cast %add3A_1564 : i32 to index
          %get3A_1619 = arith.constant 64 : index
          %get3A_1620 = tpu.vector_load %arg13[%get3A_1617, %get3A_1618, %get3A_1619] {strides = array<i32>} : memref<2x64x128xf32, #tpu.memory_space<vmem>>, vector<1x1x16xf32>,
          %get3A_1621 = vector.shape_cast %get3A_1620 : vector<1x1x16xf32> to vector<16xf32>
          %mul3A_1622 = vector.broadcast %squeeze3A_1560 : f32 to vector<16xf32>
          %mul3A_1623 = arith.mulf %get3A_1621, %mul3A_1622 : vector<16xf32>
          %swap3A_1624 = arith.index_cast %rem3A_91 : i32 to index
          %swap3A_1625 = arith.index_cast %add3A_1564 : i32 to index
          %swap3A_1626 = arith.constant 64 : index
          %swap3A_1627 = tpu.vector_load %arg13[%swap3A_1624, %swap3A_1625, %swap3A_1626] {strides = array<i32>} : memref<2x64x128xf32, #tpu.memory_space<vmem>>, vector<1x1x16xf32>,
          %swap3A_1628 = vector.shape_cast %swap3A_1627 : vector<1x1x16xf32> to vector<16xf32>
          %swap3A_1629 = vector.shape_cast %mul3A_1623 : vector<16xf32> to vector<1x1x16xf32>
          tpu.vector_store %arg13[%swap3A_1624, %swap3A_1625, %swap3A_1626], %swap3A_1629 {strides = array<i32>} : memref<2x64x128xf32, #tpu.memory_space<vmem>>, vector<1x1x16xf32>,
          %get3A_1630 = arith.index_cast %rem3A_91 : i32 to index
          %get3A_1631 = arith.index_cast %add3A_1564 : i32 to index
          %get3A_1632 = arith.constant 80 : index
          %get3A_1633 = tpu.vector_load %arg13[%get3A_1630, %get3A_1631, %get3A_1632] {strides = array<i32>} : memref<2x64x128xf32, #tpu.memory_space<vmem>>, vector<1x1x16xf32>,
          %get3A_1634 = vector.shape_cast %get3A_1633 : vector<1x1x16xf32> to vector<16xf32>
          %mul3A_1635 = vector.broadcast %squeeze3A_1560 : f32 to vector<16xf32>
          %mul3A_1636 = arith.mulf %get3A_1634, %mul3A_1635 : vector<16xf32>
          %swap3A_1637 = arith.index_cast %rem3A_91 : i32 to index
          %swap3A_1638 = arith.index_cast %add3A_1564 : i32 to index
          %swap3A_1639 = arith.constant 80 : index
          %swap3A_1640 = tpu.vector_load %arg13[%swap3A_1637, %swap3A_1638, %swap3A_1639] {strides = array<i32>} : memref<2x64x128xf32, #tpu.memory_space<vmem>>, vector<1x1x16xf32>,
          %swap3A_1641 = vector.shape_cast %swap3A_1640 : vector<1x1x16xf32> to vector<16xf32>
          %swap3A_1642 = vector.shape_cast %mul3A_1636 : vector<16xf32> to vector<1x1x16xf32>
          tpu.vector_store %arg13[%swap3A_1637, %swap3A_1638, %swap3A_1639], %swap3A_1642 {strides = array<i32>} : memref<2x64x128xf32, #tpu.memory_space<vmem>>, vector<1x1x16xf32>,
          %get3A_1643 = arith.index_cast %rem3A_91 : i32 to index
          %get3A_1644 = arith.index_cast %add3A_1564 : i32 to index
          %get3A_1645 = arith.constant 96 : index
          %get3A_1646 = tpu.vector_load %arg13[%get3A_1643, %get3A_1644, %get3A_1645] {strides = array<i32>} : memref<2x64x128xf32, #tpu.memory_space<vmem>>, vector<1x1x16xf32>,
          %get3A_1647 = vector.shape_cast %get3A_1646 : vector<1x1x16xf32> to vector<16xf32>
          %mul3A_1648 = vector.broadcast %squeeze3A_1560 : f32 to vector<16xf32>
          %mul3A_1649 = arith.mulf %get3A_1647, %mul3A_1648 : vector<16xf32>
          %swap3A_1650 = arith.index_cast %rem3A_91 : i32 to index
          %swap3A_1651 = arith.index_cast %add3A_1564 : i32 to index
          %swap3A_1652 = arith.constant 96 : index
          %swap3A_1653 = tpu.vector_load %arg13[%swap3A_1650, %swap3A_1651, %swap3A_1652] {strides = array<i32>} : memref<2x64x128xf32, #tpu.memory_space<vmem>>, vector<1x1x16xf32>,
          %swap3A_1654 = vector.shape_cast %swap3A_1653 : vector<1x1x16xf32> to vector<16xf32>
          %swap3A_1655 = vector.shape_cast %mul3A_1649 : vector<16xf32> to vector<1x1x16xf32>
          tpu.vector_store %arg13[%swap3A_1650, %swap3A_1651, %swap3A_1652], %swap3A_1655 {strides = array<i32>} : memref<2x64x128xf32, #tpu.memory_space<vmem>>, vector<1x1x16xf32>,
          %get3A_1656 = arith.index_cast %rem3A_91 : i32 to index
          %get3A_1657 = arith.index_cast %add3A_1564 : i32 to index
          %get3A_1658 = arith.constant 112 : index
          %get3A_1659 = tpu.vector_load %arg13[%get3A_1656, %get3A_1657, %get3A_1658] {strides = array<i32>} : memref<2x64x128xf32, #tpu.memory_space<vmem>>, vector<1x1x16xf32>,
          %get3A_1660 = vector.shape_cast %get3A_1659 : vector<1x1x16xf32> to vector<16xf32>
          %mul3A_1661 = vector.broadcast %squeeze3A_1560 : f32 to vector<16xf32>
          %mul3A_1662 = arith.mulf %get3A_1660, %mul3A_1661 : vector<16xf32>
          %swap3A_1663 = arith.index_cast %rem3A_91 : i32 to index
          %swap3A_1664 = arith.index_cast %add3A_1564 : i32 to index
          %swap3A_1665 = arith.constant 112 : index
          %swap3A_1666 = tpu.vector_load %arg13[%swap3A_1663, %swap3A_1664, %swap3A_1665] {strides = array<i32>} : memref<2x64x128xf32, #tpu.memory_space<vmem>>, vector<1x1x16xf32>,
          %swap3A_1667 = vector.shape_cast %swap3A_1666 : vector<1x1x16xf32> to vector<16xf32>
          %swap3A_1668 = vector.shape_cast %mul3A_1662 : vector<16xf32> to vector<1x1x16xf32>
          tpu.vector_store %arg13[%swap3A_1663, %swap3A_1664, %swap3A_1665], %swap3A_1668 {strides = array<i32>} : memref<2x64x128xf32, #tpu.memory_space<vmem>>, vector<1x1x16xf32>,
          %slice3A_1669 = vector.extract_strided_slice %get3A_131 {offsets = [14], sizes = [1], strides = [1]} : vector<16xf32> to vector<1xf32>
          %squeeze3A_1670 = vector.extract %slice3A_1669[0] : f32 from vector<1xf32>
          %mul3A_1671 = arith.constant 16 : i32
          %mul3A_1672 = arith.muli %scan3A_126, %mul3A_1671 : i32
          %add3A_1673 = arith.constant 14 : i32
          %add3A_1674 = arith.addi %mul3A_1672, %add3A_1673 : i32
          %get3A_1675 = arith.index_cast %rem3A_91 : i32 to index
          %get3A_1676 = arith.index_cast %add3A_1674 : i32 to index
          %get3A_1677 = arith.constant 0 : index
          %get3A_1678 = tpu.vector_load %arg13[%get3A_1675, %get3A_1676, %get3A_1677] {strides = array<i32>} : memref<2x64x128xf32, #tpu.memory_space<vmem>>, vector<1x1x16xf32>,
          %get3A_1679 = vector.shape_cast %get3A_1678 : vector<1x1x16xf32> to vector<16xf32>
          %mul3A_1680 = vector.broadcast %squeeze3A_1670 : f32 to vector<16xf32>
          %mul3A_1681 = arith.mulf %get3A_1679, %mul3A_1680 : vector<16xf32>
          %swap3A_1682 = arith.index_cast %rem3A_91 : i32 to index
          %swap3A_1683 = arith.index_cast %add3A_1674 : i32 to index
          %swap3A_1684 = arith.constant 0 : index
          %swap3A_1685 = tpu.vector_load %arg13[%swap3A_1682, %swap3A_1683, %swap3A_1684] {strides = array<i32>} : memref<2x64x128xf32, #tpu.memory_space<vmem>>, vector<1x1x16xf32>,
          %swap3A_1686 = vector.shape_cast %swap3A_1685 : vector<1x1x16xf32> to vector<16xf32>
          %swap3A_1687 = vector.shape_cast %mul3A_1681 : vector<16xf32> to vector<1x1x16xf32>
          tpu.vector_store %arg13[%swap3A_1682, %swap3A_1683, %swap3A_1684], %swap3A_1687 {strides = array<i32>} : memref<2x64x128xf32, #tpu.memory_space<vmem>>, vector<1x1x16xf32>,
          %get3A_1688 = arith.index_cast %rem3A_91 : i32 to index
          %get3A_1689 = arith.index_cast %add3A_1674 : i32 to index
          %get3A_1690 = arith.constant 16 : index
          %get3A_1691 = tpu.vector_load %arg13[%get3A_1688, %get3A_1689, %get3A_1690] {strides = array<i32>} : memref<2x64x128xf32, #tpu.memory_space<vmem>>, vector<1x1x16xf32>,
          %get3A_1692 = vector.shape_cast %get3A_1691 : vector<1x1x16xf32> to vector<16xf32>
          %mul3A_1693 = vector.broadcast %squeeze3A_1670 : f32 to vector<16xf32>
          %mul3A_1694 = arith.mulf %get3A_1692, %mul3A_1693 : vector<16xf32>
          %swap3A_1695 = arith.index_cast %rem3A_91 : i32 to index
          %swap3A_1696 = arith.index_cast %add3A_1674 : i32 to index
          %swap3A_1697 = arith.constant 16 : index
          %swap3A_1698 = tpu.vector_load %arg13[%swap3A_1695, %swap3A_1696, %swap3A_1697] {strides = array<i32>} : memref<2x64x128xf32, #tpu.memory_space<vmem>>, vector<1x1x16xf32>,
          %swap3A_1699 = vector.shape_cast %swap3A_1698 : vector<1x1x16xf32> to vector<16xf32>
          %swap3A_1700 = vector.shape_cast %mul3A_1694 : vector<16xf32> to vector<1x1x16xf32>
          tpu.vector_store %arg13[%swap3A_1695, %swap3A_1696, %swap3A_1697], %swap3A_1700 {strides = array<i32>} : memref<2x64x128xf32, #tpu.memory_space<vmem>>, vector<1x1x16xf32>,
          %get3A_1701 = arith.index_cast %rem3A_91 : i32 to index
          %get3A_1702 = arith.index_cast %add3A_1674 : i32 to index
          %get3A_1703 = arith.constant 32 : index
          %get3A_1704 = tpu.vector_load %arg13[%get3A_1701, %get3A_1702, %get3A_1703] {strides = array<i32>} : memref<2x64x128xf32, #tpu.memory_space<vmem>>, vector<1x1x16xf32>,
          %get3A_1705 = vector.shape_cast %get3A_1704 : vector<1x1x16xf32> to vector<16xf32>
          %mul3A_1706 = vector.broadcast %squeeze3A_1670 : f32 to vector<16xf32>
          %mul3A_1707 = arith.mulf %get3A_1705, %mul3A_1706 : vector<16xf32>
          %swap3A_1708 = arith.index_cast %rem3A_91 : i32 to index
          %swap3A_1709 = arith.index_cast %add3A_1674 : i32 to index
          %swap3A_1710 = arith.constant 32 : index
          %swap3A_1711 = tpu.vector_load %arg13[%swap3A_1708, %swap3A_1709, %swap3A_1710] {strides = array<i32>} : memref<2x64x128xf32, #tpu.memory_space<vmem>>, vector<1x1x16xf32>,
          %swap3A_1712 = vector.shape_cast %swap3A_1711 : vector<1x1x16xf32> to vector<16xf32>
          %swap3A_1713 = vector.shape_cast %mul3A_1707 : vector<16xf32> to vector<1x1x16xf32>
          tpu.vector_store %arg13[%swap3A_1708, %swap3A_1709, %swap3A_1710], %swap3A_1713 {strides = array<i32>} : memref<2x64x128xf32, #tpu.memory_space<vmem>>, vector<1x1x16xf32>,
          %get3A_1714 = arith.index_cast %rem3A_91 : i32 to index
          %get3A_1715 = arith.index_cast %add3A_1674 : i32 to index
          %get3A_1716 = arith.constant 48 : index
          %get3A_1717 = tpu.vector_load %arg13[%get3A_1714, %get3A_1715, %get3A_1716] {strides = array<i32>} : memref<2x64x128xf32, #tpu.memory_space<vmem>>, vector<1x1x16xf32>,
          %get3A_1718 = vector.shape_cast %get3A_1717 : vector<1x1x16xf32> to vector<16xf32>
          %mul3A_1719 = vector.broadcast %squeeze3A_1670 : f32 to vector<16xf32>
          %mul3A_1720 = arith.mulf %get3A_1718, %mul3A_1719 : vector<16xf32>
          %swap3A_1721 = arith.index_cast %rem3A_91 : i32 to index
          %swap3A_1722 = arith.index_cast %add3A_1674 : i32 to index
          %swap3A_1723 = arith.constant 48 : index
          %swap3A_1724 = tpu.vector_load %arg13[%swap3A_1721, %swap3A_1722, %swap3A_1723] {strides = array<i32>} : memref<2x64x128xf32, #tpu.memory_space<vmem>>, vector<1x1x16xf32>,
          %swap3A_1725 = vector.shape_cast %swap3A_1724 : vector<1x1x16xf32> to vector<16xf32>
          %swap3A_1726 = vector.shape_cast %mul3A_1720 : vector<16xf32> to vector<1x1x16xf32>
          tpu.vector_store %arg13[%swap3A_1721, %swap3A_1722, %swap3A_1723], %swap3A_1726 {strides = array<i32>} : memref<2x64x128xf32, #tpu.memory_space<vmem>>, vector<1x1x16xf32>,
          %get3A_1727 = arith.index_cast %rem3A_91 : i32 to index
          %get3A_1728 = arith.index_cast %add3A_1674 : i32 to index
          %get3A_1729 = arith.constant 64 : index
          %get3A_1730 = tpu.vector_load %arg13[%get3A_1727, %get3A_1728, %get3A_1729] {strides = array<i32>} : memref<2x64x128xf32, #tpu.memory_space<vmem>>, vector<1x1x16xf32>,
          %get3A_1731 = vector.shape_cast %get3A_1730 : vector<1x1x16xf32> to vector<16xf32>
          %mul3A_1732 = vector.broadcast %squeeze3A_1670 : f32 to vector<16xf32>
          %mul3A_1733 = arith.mulf %get3A_1731, %mul3A_1732 : vector<16xf32>
          %swap3A_1734 = arith.index_cast %rem3A_91 : i32 to index
          %swap3A_1735 = arith.index_cast %add3A_1674 : i32 to index
          %swap3A_1736 = arith.constant 64 : index
          %swap3A_1737 = tpu.vector_load %arg13[%swap3A_1734, %swap3A_1735, %swap3A_1736] {strides = array<i32>} : memref<2x64x128xf32, #tpu.memory_space<vmem>>, vector<1x1x16xf32>,
          %swap3A_1738 = vector.shape_cast %swap3A_1737 : vector<1x1x16xf32> to vector<16xf32>
          %swap3A_1739 = vector.shape_cast %mul3A_1733 : vector<16xf32> to vector<1x1x16xf32>
          tpu.vector_store %arg13[%swap3A_1734, %swap3A_1735, %swap3A_1736], %swap3A_1739 {strides = array<i32>} : memref<2x64x128xf32, #tpu.memory_space<vmem>>, vector<1x1x16xf32>,
          %get3A_1740 = arith.index_cast %rem3A_91 : i32 to index
          %get3A_1741 = arith.index_cast %add3A_1674 : i32 to index
          %get3A_1742 = arith.constant 80 : index
          %get3A_1743 = tpu.vector_load %arg13[%get3A_1740, %get3A_1741, %get3A_1742] {strides = array<i32>} : memref<2x64x128xf32, #tpu.memory_space<vmem>>, vector<1x1x16xf32>,
          %get3A_1744 = vector.shape_cast %get3A_1743 : vector<1x1x16xf32> to vector<16xf32>
          %mul3A_1745 = vector.broadcast %squeeze3A_1670 : f32 to vector<16xf32>
          %mul3A_1746 = arith.mulf %get3A_1744, %mul3A_1745 : vector<16xf32>
          %swap3A_1747 = arith.index_cast %rem3A_91 : i32 to index
          %swap3A_1748 = arith.index_cast %add3A_1674 : i32 to index
          %swap3A_1749 = arith.constant 80 : index
          %swap3A_1750 = tpu.vector_load %arg13[%swap3A_1747, %swap3A_1748, %swap3A_1749] {strides = array<i32>} : memref<2x64x128xf32, #tpu.memory_space<vmem>>, vector<1x1x16xf32>,
          %swap3A_1751 = vector.shape_cast %swap3A_1750 : vector<1x1x16xf32> to vector<16xf32>
          %swap3A_1752 = vector.shape_cast %mul3A_1746 : vector<16xf32> to vector<1x1x16xf32>
          tpu.vector_store %arg13[%swap3A_1747, %swap3A_1748, %swap3A_1749], %swap3A_1752 {strides = array<i32>} : memref<2x64x128xf32, #tpu.memory_space<vmem>>, vector<1x1x16xf32>,
          %get3A_1753 = arith.index_cast %rem3A_91 : i32 to index
          %get3A_1754 = arith.index_cast %add3A_1674 : i32 to index
          %get3A_1755 = arith.constant 96 : index
          %get3A_1756 = tpu.vector_load %arg13[%get3A_1753, %get3A_1754, %get3A_1755] {strides = array<i32>} : memref<2x64x128xf32, #tpu.memory_space<vmem>>, vector<1x1x16xf32>,
          %get3A_1757 = vector.shape_cast %get3A_1756 : vector<1x1x16xf32> to vector<16xf32>
          %mul3A_1758 = vector.broadcast %squeeze3A_1670 : f32 to vector<16xf32>
          %mul3A_1759 = arith.mulf %get3A_1757, %mul3A_1758 : vector<16xf32>
          %swap3A_1760 = arith.index_cast %rem3A_91 : i32 to index
          %swap3A_1761 = arith.index_cast %add3A_1674 : i32 to index
          %swap3A_1762 = arith.constant 96 : index
          %swap3A_1763 = tpu.vector_load %arg13[%swap3A_1760, %swap3A_1761, %swap3A_1762] {strides = array<i32>} : memref<2x64x128xf32, #tpu.memory_space<vmem>>, vector<1x1x16xf32>,
          %swap3A_1764 = vector.shape_cast %swap3A_1763 : vector<1x1x16xf32> to vector<16xf32>
          %swap3A_1765 = vector.shape_cast %mul3A_1759 : vector<16xf32> to vector<1x1x16xf32>
          tpu.vector_store %arg13[%swap3A_1760, %swap3A_1761, %swap3A_1762], %swap3A_1765 {strides = array<i32>} : memref<2x64x128xf32, #tpu.memory_space<vmem>>, vector<1x1x16xf32>,
          %get3A_1766 = arith.index_cast %rem3A_91 : i32 to index
          %get3A_1767 = arith.index_cast %add3A_1674 : i32 to index
          %get3A_1768 = arith.constant 112 : index
          %get3A_1769 = tpu.vector_load %arg13[%get3A_1766, %get3A_1767, %get3A_1768] {strides = array<i32>} : memref<2x64x128xf32, #tpu.memory_space<vmem>>, vector<1x1x16xf32>,
          %get3A_1770 = vector.shape_cast %get3A_1769 : vector<1x1x16xf32> to vector<16xf32>
          %mul3A_1771 = vector.broadcast %squeeze3A_1670 : f32 to vector<16xf32>
          %mul3A_1772 = arith.mulf %get3A_1770, %mul3A_1771 : vector<16xf32>
          %swap3A_1773 = arith.index_cast %rem3A_91 : i32 to index
          %swap3A_1774 = arith.index_cast %add3A_1674 : i32 to index
          %swap3A_1775 = arith.constant 112 : index
          %swap3A_1776 = tpu.vector_load %arg13[%swap3A_1773, %swap3A_1774, %swap3A_1775] {strides = array<i32>} : memref<2x64x128xf32, #tpu.memory_space<vmem>>, vector<1x1x16xf32>,
          %swap3A_1777 = vector.shape_cast %swap3A_1776 : vector<1x1x16xf32> to vector<16xf32>
          %swap3A_1778 = vector.shape_cast %mul3A_1772 : vector<16xf32> to vector<1x1x16xf32>
          tpu.vector_store %arg13[%swap3A_1773, %swap3A_1774, %swap3A_1775], %swap3A_1778 {strides = array<i32>} : memref<2x64x128xf32, #tpu.memory_space<vmem>>, vector<1x1x16xf32>,
          %slice3A_1779 = vector.extract_strided_slice %get3A_131 {offsets = [15], sizes = [1], strides = [1]} : vector<16xf32> to vector<1xf32>
          %squeeze3A_1780 = vector.extract %slice3A_1779[0] : f32 from vector<1xf32>
          %mul3A_1781 = arith.constant 16 : i32
          %mul3A_1782 = arith.muli %scan3A_126, %mul3A_1781 : i32
          %add3A_1783 = arith.constant 15 : i32
          %add3A_1784 = arith.addi %mul3A_1782, %add3A_1783 : i32
          %get3A_1785 = arith.index_cast %rem3A_91 : i32 to index
          %get3A_1786 = arith.index_cast %add3A_1784 : i32 to index
          %get3A_1787 = arith.constant 0 : index
          %get3A_1788 = tpu.vector_load %arg13[%get3A_1785, %get3A_1786, %get3A_1787] {strides = array<i32>} : memref<2x64x128xf32, #tpu.memory_space<vmem>>, vector<1x1x16xf32>,
          %get3A_1789 = vector.shape_cast %get3A_1788 : vector<1x1x16xf32> to vector<16xf32>
          %mul3A_1790 = vector.broadcast %squeeze3A_1780 : f32 to vector<16xf32>
          %mul3A_1791 = arith.mulf %get3A_1789, %mul3A_1790 : vector<16xf32>
          %swap3A_1792 = arith.index_cast %rem3A_91 : i32 to index
          %swap3A_1793 = arith.index_cast %add3A_1784 : i32 to index
          %swap3A_1794 = arith.constant 0 : index
          %swap3A_1795 = tpu.vector_load %arg13[%swap3A_1792, %swap3A_1793, %swap3A_1794] {strides = array<i32>} : memref<2x64x128xf32, #tpu.memory_space<vmem>>, vector<1x1x16xf32>,
          %swap3A_1796 = vector.shape_cast %swap3A_1795 : vector<1x1x16xf32> to vector<16xf32>
          %swap3A_1797 = vector.shape_cast %mul3A_1791 : vector<16xf32> to vector<1x1x16xf32>
          tpu.vector_store %arg13[%swap3A_1792, %swap3A_1793, %swap3A_1794], %swap3A_1797 {strides = array<i32>} : memref<2x64x128xf32, #tpu.memory_space<vmem>>, vector<1x1x16xf32>,
          %get3A_1798 = arith.index_cast %rem3A_91 : i32 to index
          %get3A_1799 = arith.index_cast %add3A_1784 : i32 to index
          %get3A_1800 = arith.constant 16 : index
          %get3A_1801 = tpu.vector_load %arg13[%get3A_1798, %get3A_1799, %get3A_1800] {strides = array<i32>} : memref<2x64x128xf32, #tpu.memory_space<vmem>>, vector<1x1x16xf32>,
          %get3A_1802 = vector.shape_cast %get3A_1801 : vector<1x1x16xf32> to vector<16xf32>
          %mul3A_1803 = vector.broadcast %squeeze3A_1780 : f32 to vector<16xf32>
          %mul3A_1804 = arith.mulf %get3A_1802, %mul3A_1803 : vector<16xf32>
          %swap3A_1805 = arith.index_cast %rem3A_91 : i32 to index
          %swap3A_1806 = arith.index_cast %add3A_1784 : i32 to index
          %swap3A_1807 = arith.constant 16 : index
          %swap3A_1808 = tpu.vector_load %arg13[%swap3A_1805, %swap3A_1806, %swap3A_1807] {strides = array<i32>} : memref<2x64x128xf32, #tpu.memory_space<vmem>>, vector<1x1x16xf32>,
          %swap3A_1809 = vector.shape_cast %swap3A_1808 : vector<1x1x16xf32> to vector<16xf32>
          %swap3A_1810 = vector.shape_cast %mul3A_1804 : vector<16xf32> to vector<1x1x16xf32>
          tpu.vector_store %arg13[%swap3A_1805, %swap3A_1806, %swap3A_1807], %swap3A_1810 {strides = array<i32>} : memref<2x64x128xf32, #tpu.memory_space<vmem>>, vector<1x1x16xf32>,
          %get3A_1811 = arith.index_cast %rem3A_91 : i32 to index
          %get3A_1812 = arith.index_cast %add3A_1784 : i32 to index
          %get3A_1813 = arith.constant 32 : index
          %get3A_1814 = tpu.vector_load %arg13[%get3A_1811, %get3A_1812, %get3A_1813] {strides = array<i32>} : memref<2x64x128xf32, #tpu.memory_space<vmem>>, vector<1x1x16xf32>,
          %get3A_1815 = vector.shape_cast %get3A_1814 : vector<1x1x16xf32> to vector<16xf32>
          %mul3A_1816 = vector.broadcast %squeeze3A_1780 : f32 to vector<16xf32>
          %mul3A_1817 = arith.mulf %get3A_1815, %mul3A_1816 : vector<16xf32>
          %swap3A_1818 = arith.index_cast %rem3A_91 : i32 to index
          %swap3A_1819 = arith.index_cast %add3A_1784 : i32 to index
          %swap3A_1820 = arith.constant 32 : index
          %swap3A_1821 = tpu.vector_load %arg13[%swap3A_1818, %swap3A_1819, %swap3A_1820] {strides = array<i32>} : memref<2x64x128xf32, #tpu.memory_space<vmem>>, vector<1x1x16xf32>,
          %swap3A_1822 = vector.shape_cast %swap3A_1821 : vector<1x1x16xf32> to vector<16xf32>
          %swap3A_1823 = vector.shape_cast %mul3A_1817 : vector<16xf32> to vector<1x1x16xf32>
          tpu.vector_store %arg13[%swap3A_1818, %swap3A_1819, %swap3A_1820], %swap3A_1823 {strides = array<i32>} : memref<2x64x128xf32, #tpu.memory_space<vmem>>, vector<1x1x16xf32>,
          %get3A_1824 = arith.index_cast %rem3A_91 : i32 to index
          %get3A_1825 = arith.index_cast %add3A_1784 : i32 to index
          %get3A_1826 = arith.constant 48 : index
          %get3A_1827 = tpu.vector_load %arg13[%get3A_1824, %get3A_1825, %get3A_1826] {strides = array<i32>} : memref<2x64x128xf32, #tpu.memory_space<vmem>>, vector<1x1x16xf32>,
          %get3A_1828 = vector.shape_cast %get3A_1827 : vector<1x1x16xf32> to vector<16xf32>
          %mul3A_1829 = vector.broadcast %squeeze3A_1780 : f32 to vector<16xf32>
          %mul3A_1830 = arith.mulf %get3A_1828, %mul3A_1829 : vector<16xf32>
          %swap3A_1831 = arith.index_cast %rem3A_91 : i32 to index
          %swap3A_1832 = arith.index_cast %add3A_1784 : i32 to index
          %swap3A_1833 = arith.constant 48 : index
          %swap3A_1834 = tpu.vector_load %arg13[%swap3A_1831, %swap3A_1832, %swap3A_1833] {strides = array<i32>} : memref<2x64x128xf32, #tpu.memory_space<vmem>>, vector<1x1x16xf32>,
          %swap3A_1835 = vector.shape_cast %swap3A_1834 : vector<1x1x16xf32> to vector<16xf32>
          %swap3A_1836 = vector.shape_cast %mul3A_1830 : vector<16xf32> to vector<1x1x16xf32>
          tpu.vector_store %arg13[%swap3A_1831, %swap3A_1832, %swap3A_1833], %swap3A_1836 {strides = array<i32>} : memref<2x64x128xf32, #tpu.memory_space<vmem>>, vector<1x1x16xf32>,
          %get3A_1837 = arith.index_cast %rem3A_91 : i32 to index
          %get3A_1838 = arith.index_cast %add3A_1784 : i32 to index
          %get3A_1839 = arith.constant 64 : index
          %get3A_1840 = tpu.vector_load %arg13[%get3A_1837, %get3A_1838, %get3A_1839] {strides = array<i32>} : memref<2x64x128xf32, #tpu.memory_space<vmem>>, vector<1x1x16xf32>,
          %get3A_1841 = vector.shape_cast %get3A_1840 : vector<1x1x16xf32> to vector<16xf32>
          %mul3A_1842 = vector.broadcast %squeeze3A_1780 : f32 to vector<16xf32>
          %mul3A_1843 = arith.mulf %get3A_1841, %mul3A_1842 : vector<16xf32>
          %swap3A_1844 = arith.index_cast %rem3A_91 : i32 to index
          %swap3A_1845 = arith.index_cast %add3A_1784 : i32 to index
          %swap3A_1846 = arith.constant 64 : index
          %swap3A_1847 = tpu.vector_load %arg13[%swap3A_1844, %swap3A_1845, %swap3A_1846] {strides = array<i32>} : memref<2x64x128xf32, #tpu.memory_space<vmem>>, vector<1x1x16xf32>,
          %swap3A_1848 = vector.shape_cast %swap3A_1847 : vector<1x1x16xf32> to vector<16xf32>
          %swap3A_1849 = vector.shape_cast %mul3A_1843 : vector<16xf32> to vector<1x1x16xf32>
          tpu.vector_store %arg13[%swap3A_1844, %swap3A_1845, %swap3A_1846], %swap3A_1849 {strides = array<i32>} : memref<2x64x128xf32, #tpu.memory_space<vmem>>, vector<1x1x16xf32>,
          %get3A_1850 = arith.index_cast %rem3A_91 : i32 to index
          %get3A_1851 = arith.index_cast %add3A_1784 : i32 to index
          %get3A_1852 = arith.constant 80 : index
          %get3A_1853 = tpu.vector_load %arg13[%get3A_1850, %get3A_1851, %get3A_1852] {strides = array<i32>} : memref<2x64x128xf32, #tpu.memory_space<vmem>>, vector<1x1x16xf32>,
          %get3A_1854 = vector.shape_cast %get3A_1853 : vector<1x1x16xf32> to vector<16xf32>
          %mul3A_1855 = vector.broadcast %squeeze3A_1780 : f32 to vector<16xf32>
          %mul3A_1856 = arith.mulf %get3A_1854, %mul3A_1855 : vector<16xf32>
          %swap3A_1857 = arith.index_cast %rem3A_91 : i32 to index
          %swap3A_1858 = arith.index_cast %add3A_1784 : i32 to index
          %swap3A_1859 = arith.constant 80 : index
          %swap3A_1860 = tpu.vector_load %arg13[%swap3A_1857, %swap3A_1858, %swap3A_1859] {strides = array<i32>} : memref<2x64x128xf32, #tpu.memory_space<vmem>>, vector<1x1x16xf32>,
          %swap3A_1861 = vector.shape_cast %swap3A_1860 : vector<1x1x16xf32> to vector<16xf32>
          %swap3A_1862 = vector.shape_cast %mul3A_1856 : vector<16xf32> to vector<1x1x16xf32>
          tpu.vector_store %arg13[%swap3A_1857, %swap3A_1858, %swap3A_1859], %swap3A_1862 {strides = array<i32>} : memref<2x64x128xf32, #tpu.memory_space<vmem>>, vector<1x1x16xf32>,
          %get3A_1863 = arith.index_cast %rem3A_91 : i32 to index
          %get3A_1864 = arith.index_cast %add3A_1784 : i32 to index
          %get3A_1865 = arith.constant 96 : index
          %get3A_1866 = tpu.vector_load %arg13[%get3A_1863, %get3A_1864, %get3A_1865] {strides = array<i32>} : memref<2x64x128xf32, #tpu.memory_space<vmem>>, vector<1x1x16xf32>,
          %get3A_1867 = vector.shape_cast %get3A_1866 : vector<1x1x16xf32> to vector<16xf32>
          %mul3A_1868 = vector.broadcast %squeeze3A_1780 : f32 to vector<16xf32>
          %mul3A_1869 = arith.mulf %get3A_1867, %mul3A_1868 : vector<16xf32>
          %swap3A_1870 = arith.index_cast %rem3A_91 : i32 to index
          %swap3A_1871 = arith.index_cast %add3A_1784 : i32 to index
          %swap3A_1872 = arith.constant 96 : index
          %swap3A_1873 = tpu.vector_load %arg13[%swap3A_1870, %swap3A_1871, %swap3A_1872] {strides = array<i32>} : memref<2x64x128xf32, #tpu.memory_space<vmem>>, vector<1x1x16xf32>,
          %swap3A_1874 = vector.shape_cast %swap3A_1873 : vector<1x1x16xf32> to vector<16xf32>
          %swap3A_1875 = vector.shape_cast %mul3A_1869 : vector<16xf32> to vector<1x1x16xf32>
          tpu.vector_store %arg13[%swap3A_1870, %swap3A_1871, %swap3A_1872], %swap3A_1875 {strides = array<i32>} : memref<2x64x128xf32, #tpu.memory_space<vmem>>, vector<1x1x16xf32>,
          %get3A_1876 = arith.index_cast %rem3A_91 : i32 to index
          %get3A_1877 = arith.index_cast %add3A_1784 : i32 to index
          %get3A_1878 = arith.constant 112 : index
          %get3A_1879 = tpu.vector_load %arg13[%get3A_1876, %get3A_1877, %get3A_1878] {strides = array<i32>} : memref<2x64x128xf32, #tpu.memory_space<vmem>>, vector<1x1x16xf32>,
          %get3A_1880 = vector.shape_cast %get3A_1879 : vector<1x1x16xf32> to vector<16xf32>
          %mul3A_1881 = vector.broadcast %squeeze3A_1780 : f32 to vector<16xf32>
          %mul3A_1882 = arith.mulf %get3A_1880, %mul3A_1881 : vector<16xf32>
          %swap3A_1883 = arith.index_cast %rem3A_91 : i32 to index
          %swap3A_1884 = arith.index_cast %add3A_1784 : i32 to index
          %swap3A_1885 = arith.constant 112 : index
          %swap3A_1886 = tpu.vector_load %arg13[%swap3A_1883, %swap3A_1884, %swap3A_1885] {strides = array<i32>} : memref<2x64x128xf32, #tpu.memory_space<vmem>>, vector<1x1x16xf32>,
          %swap3A_1887 = vector.shape_cast %swap3A_1886 : vector<1x1x16xf32> to vector<16xf32>
          %swap3A_1888 = vector.shape_cast %mul3A_1882 : vector<16xf32> to vector<1x1x16xf32>
          tpu.vector_store %arg13[%swap3A_1883, %swap3A_1884, %swap3A_1885], %swap3A_1888 {strides = array<i32>} : memref<2x64x128xf32, #tpu.memory_space<vmem>>, vector<1x1x16xf32>,
        }
        %scan3A_109 = arith.constant 4 : i32
        %dma_start3A_110 = arith.constant 0 : i32
        %dma_start3A_111 = arith.constant 0 : i32
        %dma_start3A_112 = tpu.memref_slice %arg13[%rem3A_91, %dma_start3A_110, %dma_start3A_111] : memref<2x64x128xf32, #tpu.memory_space<vmem>> -> memref<1x64x128xf32, #tpu.memory_space<vmem>>
        %dma_start3A_113 = tpu.memref_squeeze %dma_start3A_112 : memref<1x64x128xf32, #tpu.memory_space<vmem>> -> memref<64x128xf32, #tpu.memory_space<vmem>>
        %dma_start3A_114 = arith.constant 0 : i32
        %dma_start3A_115 = tpu.memref_slice %arg11[%scan3A_89, %dma_start3A_114] : memref<16x64xi32, #tpu.memory_space<vmem>> -> memref<1x64xi32, #tpu.memory_space<vmem>>
        %dma_start3A_116 = tpu.memref_squeeze %dma_start3A_115 : memref<1x64xi32, #tpu.memory_space<vmem>> -> memref<64xi32, #tpu.memory_space<vmem>>
        %dma_start3A_117 = arith.constant 0 : i32
        %dma_start3A_118 = arith.constant 0 : i32
        %dma_start3A_119 = tpu.memref_slice %arg14[%dma_start3A_117, %dma_start3A_118] : memref<10000x128xf32, #tpu.memory_space<vmem_shared>> -> memref<10000x128xf32, #tpu.memory_space<vmem_shared>>
        %dma_start3A_120 = tpu.memref_slice %arg16[%rem3A_91] : memref<2x!tpu.dma_semaphore, #tpu.memory_space<semaphore_mem>> -> memref<1x!tpu.dma_semaphore, #tpu.memory_space<semaphore_mem>>
        %dma_start3A_121 = tpu.memref_squeeze %dma_start3A_120 : memref<1x!tpu.dma_semaphore, #tpu.memory_space<semaphore_mem>> -> memref<!tpu.dma_semaphore, #tpu.memory_space<semaphore_mem>>
        tpu.enqueue_indirect_dma source(%dma_start3A_113 : memref<64x128xf32, #tpu.memory_space<vmem>>) target(%dma_start3A_119 : memref<10000x128xf32, #tpu.memory_space<vmem_shared>>) offsets(%dma_start3A_116 : memref<64xi32, #tpu.memory_space<vmem>>) semaphore(%dma_start3A_121 : memref<!tpu.dma_semaphore, #tpu.memory_space<semaphore_mem>>) {add = true}
        %le3A = arith.constant 14 : i32
        %le3A_122 = arith.cmpi sle, %scan3A_89, %le3A : i32
        %convert_element_type3A_123 = arith.extui %le3A_122 : i1 to i32
        %cond3A_124 = arith.constant 0 : i32
        %cond3A_125 = arith.cmpi ne, %convert_element_type3A_123, %cond3A_124 : i32
        scf.if %cond3A_125 {
          %ge3A_126 = arith.constant 1 : i32
          %ge3A_127 = arith.cmpi sge, %scan3A_89, %ge3A_126 : i32
          %convert_element_type3A_128 = arith.extui %ge3A_127 : i1 to i32
          %cond3A_129 = arith.constant 0 : i32
          %cond3A_130 = arith.cmpi ne, %convert_element_type3A_128, %cond3A_129 : i32
          scf.if %cond3A_130 {
            %sub3A_146 = arith.constant 1 : i32
            %sub3A_147 = arith.subi %scan3A_89, %sub3A_146 : i32
            %sub3A_148 = arith.constant 1 : i32
            %sub3A_149 = arith.subi %sub3A_148, %rem3A_91 : i32
            %dma_wait3A_150 = arith.constant 0 : i32
            %dma_wait3A_151 = arith.constant 0 : i32
            %dma_wait3A_152 = tpu.memref_slice %arg13[%sub3A_149, %dma_wait3A_150, %dma_wait3A_151] : memref<2x64x128xf32, #tpu.memory_space<vmem>> -> memref<1x64x128xf32, #tpu.memory_space<vmem>>
            %dma_wait3A_153 = tpu.memref_squeeze %dma_wait3A_152 : memref<1x64x128xf32, #tpu.memory_space<vmem>> -> memref<64x128xf32, #tpu.memory_space<vmem>>
            %dma_wait3A_154 = arith.constant 0 : i32
            %dma_wait3A_155 = tpu.memref_slice %arg11[%sub3A_147, %dma_wait3A_154] : memref<16x64xi32, #tpu.memory_space<vmem>> -> memref<1x64xi32, #tpu.memory_space<vmem>>
            %dma_wait3A_156 = tpu.memref_squeeze %dma_wait3A_155 : memref<1x64xi32, #tpu.memory_space<vmem>> -> memref<64xi32, #tpu.memory_space<vmem>>
            %dma_wait3A_157 = arith.constant 0 : i32
            %dma_wait3A_158 = arith.constant 0 : i32
            %dma_wait3A_159 = tpu.memref_slice %arg14[%dma_wait3A_157, %dma_wait3A_158] : memref<10000x128xf32, #tpu.memory_space<vmem_shared>> -> memref<10000x128xf32, #tpu.memory_space<vmem_shared>>
            %dma_wait3A_160 = tpu.memref_slice %arg16[%sub3A_149] : memref<2x!tpu.dma_semaphore, #tpu.memory_space<semaphore_mem>> -> memref<1x!tpu.dma_semaphore, #tpu.memory_space<semaphore_mem>>
            %dma_wait3A_161 = tpu.memref_squeeze %dma_wait3A_160 : memref<1x!tpu.dma_semaphore, #tpu.memory_space<semaphore_mem>> -> memref<!tpu.dma_semaphore, #tpu.memory_space<semaphore_mem>>
            tpu.wait_indirect_dma semaphore(%dma_wait3A_161 : memref<!tpu.dma_semaphore, #tpu.memory_space<semaphore_mem>>) src(%dma_wait3A_153 : memref<64x128xf32, #tpu.memory_space<vmem>>) dst(%dma_wait3A_159 : memref<10000x128xf32, #tpu.memory_space<vmem_shared>>)
          } else {
          }
          %add3A_131 = arith.constant 1 : i32
          %add3A_132 = arith.addi %scan3A_89, %add3A_131 : i32
          %sub3A = arith.constant 1 : i32
          %sub3A_133 = arith.subi %sub3A, %rem3A_91 : i32
          %dma_start3A_134 = arith.constant 0 : i32
          %dma_start3A_135 = arith.constant 0 : i32
          %dma_start3A_136 = tpu.memref_slice %arg13[%sub3A_133, %dma_start3A_134, %dma_start3A_135] : memref<2x64x128xf32, #tpu.memory_space<vmem>> -> memref<1x64x128xf32, #tpu.memory_space<vmem>>
          %dma_start3A_137 = tpu.memref_squeeze %dma_start3A_136 : memref<1x64x128xf32, #tpu.memory_space<vmem>> -> memref<64x128xf32, #tpu.memory_space<vmem>>
          %dma_start3A_138 = arith.constant 0 : i32
          %dma_start3A_139 = tpu.memref_slice %arg10[%add3A_132, %dma_start3A_138] : memref<16x64xi32, #tpu.memory_space<vmem>> -> memref<1x64xi32, #tpu.memory_space<vmem>>
          %dma_start3A_140 = tpu.memref_squeeze %dma_start3A_139 : memref<1x64xi32, #tpu.memory_space<vmem>> -> memref<64xi32, #tpu.memory_space<vmem>>
          %dma_start3A_141 = arith.constant 0 : i32
          %dma_start3A_142 = arith.constant 0 : i32
          %dma_start3A_143 = tpu.memref_slice %arg6[%dma_start3A_141, %dma_start3A_142] : memref<640000x128xf32, #tpu.memory_space<hbm>> -> memref<640000x128xf32, #tpu.memory_space<hbm>>
          %dma_start3A_144 = tpu.memref_slice %arg15[%sub3A_133] : memref<2x!tpu.dma_semaphore, #tpu.memory_space<semaphore_mem>> -> memref<1x!tpu.dma_semaphore, #tpu.memory_space<semaphore_mem>>
          %dma_start3A_145 = tpu.memref_squeeze %dma_start3A_144 : memref<1x!tpu.dma_semaphore, #tpu.memory_space<semaphore_mem>> -> memref<!tpu.dma_semaphore, #tpu.memory_space<semaphore_mem>>
          tpu.enqueue_indirect_dma source(%dma_start3A_143 : memref<640000x128xf32, #tpu.memory_space<hbm>>) target(%dma_start3A_137 : memref<64x128xf32, #tpu.memory_space<vmem>>) offsets(%dma_start3A_140 : memref<64xi32, #tpu.memory_space<vmem>>) semaphore(%dma_start3A_145 : memref<!tpu.dma_semaphore, #tpu.memory_space<semaphore_mem>>)
        } else {
        }
      }
      %scan3A_58 = arith.constant 16 : i32
      %rem3A = arith.constant 14 : i32
      %rem3A_59 = arith.constant 2 : i32
      %rem3A_60 = arith.remsi %rem3A, %rem3A_59 : i32
      %dma_wait3A = arith.constant 14 : i32
      %dma_wait3A_61 = arith.constant 0 : i32
      %dma_wait3A_62 = arith.constant 0 : i32
      %dma_wait3A_63 = tpu.memref_slice %arg13[%rem3A_60, %dma_wait3A_61, %dma_wait3A_62] : memref<2x64x128xf32, #tpu.memory_space<vmem>> -> memref<1x64x128xf32, #tpu.memory_space<vmem>>
      %dma_wait3A_64 = tpu.memref_squeeze %dma_wait3A_63 : memref<1x64x128xf32, #tpu.memory_space<vmem>> -> memref<64x128xf32, #tpu.memory_space<vmem>>
      %dma_wait3A_65 = arith.constant 0 : i32
      %dma_wait3A_66 = tpu.memref_slice %arg11[%dma_wait3A, %dma_wait3A_65] : memref<16x64xi32, #tpu.memory_space<vmem>> -> memref<1x64xi32, #tpu.memory_space<vmem>>
      %dma_wait3A_67 = tpu.memref_squeeze %dma_wait3A_66 : memref<1x64xi32, #tpu.memory_space<vmem>> -> memref<64xi32, #tpu.memory_space<vmem>>
      %dma_wait3A_68 = arith.constant 0 : i32
      %dma_wait3A_69 = arith.constant 0 : i32
      %dma_wait3A_70 = tpu.memref_slice %arg14[%dma_wait3A_68, %dma_wait3A_69] : memref<10000x128xf32, #tpu.memory_space<vmem_shared>> -> memref<10000x128xf32, #tpu.memory_space<vmem_shared>>
      %dma_wait3A_71 = tpu.memref_slice %arg16[%rem3A_60] : memref<2x!tpu.dma_semaphore, #tpu.memory_space<semaphore_mem>> -> memref<1x!tpu.dma_semaphore, #tpu.memory_space<semaphore_mem>>
      %dma_wait3A_72 = tpu.memref_squeeze %dma_wait3A_71 : memref<1x!tpu.dma_semaphore, #tpu.memory_space<semaphore_mem>> -> memref<!tpu.dma_semaphore, #tpu.memory_space<semaphore_mem>>
      tpu.wait_indirect_dma semaphore(%dma_wait3A_72 : memref<!tpu.dma_semaphore, #tpu.memory_space<semaphore_mem>>) src(%dma_wait3A_64 : memref<64x128xf32, #tpu.memory_space<vmem>>) dst(%dma_wait3A_70 : memref<10000x128xf32, #tpu.memory_space<vmem_shared>>)
      %rem3A_73 = arith.constant 15 : i32
      %rem3A_74 = arith.constant 2 : i32
      %rem3A_75 = arith.remsi %rem3A_73, %rem3A_74 : i32
      %dma_wait3A_76 = arith.constant 15 : i32
      %dma_wait3A_77 = arith.constant 0 : i32
      %dma_wait3A_78 = arith.constant 0 : i32
      %dma_wait3A_79 = tpu.memref_slice %arg13[%rem3A_75, %dma_wait3A_77, %dma_wait3A_78] : memref<2x64x128xf32, #tpu.memory_space<vmem>> -> memref<1x64x128xf32, #tpu.memory_space<vmem>>
      %dma_wait3A_80 = tpu.memref_squeeze %dma_wait3A_79 : memref<1x64x128xf32, #tpu.memory_space<vmem>> -> memref<64x128xf32, #tpu.memory_space<vmem>>
      %dma_wait3A_81 = arith.constant 0 : i32
      %dma_wait3A_82 = tpu.memref_slice %arg11[%dma_wait3A_76, %dma_wait3A_81] : memref<16x64xi32, #tpu.memory_space<vmem>> -> memref<1x64xi32, #tpu.memory_space<vmem>>
      %dma_wait3A_83 = tpu.memref_squeeze %dma_wait3A_82 : memref<1x64xi32, #tpu.memory_space<vmem>> -> memref<64xi32, #tpu.memory_space<vmem>>
      %dma_wait3A_84 = arith.constant 0 : i32
      %dma_wait3A_85 = arith.constant 0 : i32
      %dma_wait3A_86 = tpu.memref_slice %arg14[%dma_wait3A_84, %dma_wait3A_85] : memref<10000x128xf32, #tpu.memory_space<vmem_shared>> -> memref<10000x128xf32, #tpu.memory_space<vmem_shared>>
      %dma_wait3A_87 = tpu.memref_slice %arg16[%rem3A_75] : memref<2x!tpu.dma_semaphore, #tpu.memory_space<semaphore_mem>> -> memref<1x!tpu.dma_semaphore, #tpu.memory_space<semaphore_mem>>
      %dma_wait3A_88 = tpu.memref_squeeze %dma_wait3A_87 : memref<1x!tpu.dma_semaphore, #tpu.memory_space<semaphore_mem>> -> memref<!tpu.dma_semaphore, #tpu.memory_space<semaphore_mem>>
      tpu.wait_indirect_dma semaphore(%dma_wait3A_88 : memref<!tpu.dma_semaphore, #tpu.memory_space<semaphore_mem>>) src(%dma_wait3A_80 : memref<64x128xf32, #tpu.memory_space<vmem>>) dst(%dma_wait3A_86 : memref<10000x128xf32, #tpu.memory_space<vmem_shared>>)
    }
    %scan3A_17 = arith.constant 10 : i32
    %barrier3A_18 = arith.constant 0 : index
    tpu.barrier barrier_id(%barrier3A_18)
    %lt3A_19 = arith.constant 2 : i32
    %lt3A_20 = arith.cmpi slt, %arg1, %lt3A_19 : i32
    %convert_element_type3A_21 = arith.extui %lt3A_20 : i1 to i32
    %cond3A_22 = arith.constant 0 : i32
    %cond3A_23 = arith.cmpi ne, %convert_element_type3A_21, %cond3A_22 : i32
    scf.if %cond3A_23 {
      "tpu.region"() ({
        %run_scoped3A = tpu.sem_alloc : memref<!tpu.dma_semaphore, #tpu.memory_space<semaphore_mem>>
        %dma_start3A = arith.constant 0 : i32
        %dma_start3A_29 = tpu.memref_slice %arg8[%arg0, %multiple_of3A, %dma_start3A] : memref<2x10000x128xf32, #tpu.memory_space<hbm>> -> memref<1x632x128xf32, #tpu.memory_space<hbm>>
        %dma_start3A_30 = tpu.memref_squeeze %dma_start3A_29 : memref<1x632x128xf32, #tpu.memory_space<hbm>> -> memref<632x128xf32, #tpu.memory_space<hbm>>
        %dma_start3A_31 = arith.constant 0 : i32
        %dma_start3A_32 = tpu.memref_slice %arg14[%multiple_of3A, %dma_start3A_31] : memref<10000x128xf32, #tpu.memory_space<vmem_shared>> -> memref<632x128xf32, #tpu.memory_space<vmem_shared>>
        tpu.enqueue_dma source(%dma_start3A_32 : memref<632x128xf32, #tpu.memory_space<vmem_shared>>) target(%dma_start3A_30 : memref<632x128xf32, #tpu.memory_space<hbm>>) target_semaphore(%run_scoped3A : memref<!tpu.dma_semaphore, #tpu.memory_space<semaphore_mem>>)
        %dma_wait3A = arith.constant 0 : i32
        %dma_wait3A_33 = tpu.memref_slice %arg8[%arg0, %multiple_of3A, %dma_wait3A] : memref<2x10000x128xf32, #tpu.memory_space<hbm>> -> memref<1x632x128xf32, #tpu.memory_space<hbm>>
        %dma_wait3A_34 = tpu.memref_squeeze %dma_wait3A_33 : memref<1x632x128xf32, #tpu.memory_space<hbm>> -> memref<632x128xf32, #tpu.memory_space<hbm>>
        %dma_wait3A_35 = arith.constant 0 : i32
        %dma_wait3A_36 = tpu.memref_slice %arg14[%multiple_of3A, %dma_wait3A_35] : memref<10000x128xf32, #tpu.memory_space<vmem_shared>> -> memref<632x128xf32, #tpu.memory_space<vmem_shared>>
        tpu.wait_dma2 semaphore(%run_scoped3A : memref<!tpu.dma_semaphore, #tpu.memory_space<semaphore_mem>>) src(%dma_wait3A_36 : memref<632x128xf32, #tpu.memory_space<vmem_shared>>) dst(%dma_wait3A_34 : memref<632x128xf32, #tpu.memory_space<hbm>>)
        tpu.yield
      }) : () -> ()
    } else {
    }
    %ge3A_24 = arith.constant 2 : i32
    %ge3A_25 = arith.cmpi sge, %arg1, %ge3A_24 : i32
    %convert_element_type3A_26 = arith.extui %ge3A_25 : i1 to i32
    %cond3A_27 = arith.constant 0 : i32
    %cond3A_28 = arith.cmpi ne, %convert_element_type3A_26, %cond3A_27 : i32
    scf.if %cond3A_28 {
      "tpu.region"() ({
        %run_scoped3A = tpu.sem_alloc : memref<!tpu.dma_semaphore, #tpu.memory_space<semaphore_mem>>
        %dma_start3A = arith.constant 0 : i32
        %dma_start3A_29 = tpu.memref_slice %arg8[%arg0, %multiple_of3A, %dma_start3A] : memref<2x10000x128xf32, #tpu.memory_space<hbm>> -> memref<1x624x128xf32, #tpu.memory_space<hbm>>
        %dma_start3A_30 = tpu.memref_squeeze %dma_start3A_29 : memref<1x624x128xf32, #tpu.memory_space<hbm>> -> memref<624x128xf32, #tpu.memory_space<hbm>>
        %dma_start3A_31 = arith.constant 0 : i32
        %dma_start3A_32 = tpu.memref_slice %arg14[%multiple_of3A, %dma_start3A_31] : memref<10000x128xf32, #tpu.memory_space<vmem_shared>> -> memref<624x128xf32, #tpu.memory_space<vmem_shared>>
        tpu.enqueue_dma source(%dma_start3A_32 : memref<624x128xf32, #tpu.memory_space<vmem_shared>>) target(%dma_start3A_30 : memref<624x128xf32, #tpu.memory_space<hbm>>) target_semaphore(%run_scoped3A : memref<!tpu.dma_semaphore, #tpu.memory_space<semaphore_mem>>)
        %dma_wait3A = arith.constant 0 : i32
        %dma_wait3A_33 = tpu.memref_slice %arg8[%arg0, %multiple_of3A, %dma_wait3A] : memref<2x10000x128xf32, #tpu.memory_space<hbm>> -> memref<1x624x128xf32, #tpu.memory_space<hbm>>
        %dma_wait3A_34 = tpu.memref_squeeze %dma_wait3A_33 : memref<1x624x128xf32, #tpu.memory_space<hbm>> -> memref<624x128xf32, #tpu.memory_space<hbm>>
        %dma_wait3A_35 = arith.constant 0 : i32
        %dma_wait3A_36 = tpu.memref_slice %arg14[%multiple_of3A, %dma_wait3A_35] : memref<10000x128xf32, #tpu.memory_space<vmem_shared>> -> memref<624x128xf32, #tpu.memory_space<vmem_shared>>
        tpu.wait_dma2 semaphore(%run_scoped3A : memref<!tpu.dma_semaphore, #tpu.memory_space<semaphore_mem>>) src(%dma_wait3A_36 : memref<624x128xf32, #tpu.memory_space<vmem_shared>>) dst(%dma_wait3A_34 : memref<624x128xf32, #tpu.memory_space<hbm>>)
        tpu.yield
      }) : () -> ()
    } else {
    }
    return
  }
}

module attributes {stable_mosaic.version = 14 : i64} {
  func.func @_mm_body(%arg0: i32, %arg1: memref<10000x128xbf16, #tpu.memory_space<vmem>>, %arg2: memref<1x128x128xbf16, #tpu.memory_space<vmem>>, %arg3: memref<1x10000x128xf32, #tpu.memory_space<vmem>>) attributes {dimension_semantics = [#tpu.dimension_semantics<arbitrary>], iteration_bounds = array<i64: 64>, scalar_prefetch = 0 : i64, scratch_operands = 0 : i64, tpu.core_type = #tpu.core_type<tc>, window_params = [{pipeline_mode = #tpu.pipeline_mode<synchronous>, transform_indices = @transform_0, window_bounds = array<i64: 10000, 128>}, {transform_indices = @transform_1, window_bounds = array<i64: 1, 128, 128>}, {transform_indices = @transform_2, window_bounds = array<i64: 1, 10000, 128>}]} {
    %get3A = arith.constant 0 : index
    %get3A_0 = arith.constant 0 : index
    %get3A_1 = vector.load %arg1[%get3A, %get3A_0] : memref<10000x128xbf16, #tpu.memory_space<vmem>>, vector<10000x128xbf16>
    %get3A_2 = arith.constant 0 : index
    %get3A_3 = arith.constant 0 : index
    %get3A_4 = arith.constant 0 : index
    %get3A_5 = vector.load %arg2[%get3A_2, %get3A_3, %get3A_4] : memref<1x128x128xbf16, #tpu.memory_space<vmem>>, vector<1x128x128xbf16>
    %get3A_6 = vector.shape_cast %get3A_5 : vector<1x128x128xbf16> to vector<128x128xbf16>
    %dot_general3A = arith.constant dense<0.000000e+00> : vector<10000x128xf32>
    %dot_general3A_7 = tpu.matmul %get3A_1, %get3A_6, %dot_general3A {dimension_numbers = #tpu.dot_dimension_numbers<[1], [0], [0], [1], [0, 0, 1, 1], [], []>, transpose_lhs_hint = false} : vector<10000x128xbf16>, vector<128x128xbf16>, vector<10000x128xf32> -> vector<10000x128xf32>
    %swap3A = arith.constant 0 : index
    %swap3A_8 = arith.constant 0 : index
    %swap3A_9 = arith.constant 0 : index
    %swap3A_10 = vector.load %arg3[%swap3A, %swap3A_8, %swap3A_9] : memref<1x10000x128xf32, #tpu.memory_space<vmem>>, vector<1x10000x128xf32>
    %swap3A_11 = vector.shape_cast %swap3A_10 : vector<1x10000x128xf32> to vector<10000x128xf32>
    %swap3A_12 = vector.shape_cast %dot_general3A_7 : vector<10000x128xf32> to vector<1x10000x128xf32>
    tpu.vector_store %arg3[%swap3A, %swap3A_8, %swap3A_9], %swap3A_12 {strides = array<i32>} : memref<1x10000x128xf32, #tpu.memory_space<vmem>>, vector<1x10000x128xf32>,
    return
  }
  func.func @transform_0(%arg0: i32) -> (i32, i32) {
    %c0_i32 = arith.constant 0 : i32
    %c0_i32_0 = arith.constant 0 : i32
    %c0_i32_1 = arith.constant 0 : i32
    return %c0_i32, %c0_i32_0 : i32, i32
  }
  func.func @transform_1(%arg0: i32) -> (i32, i32, i32) {
    %c0_i32 = arith.constant 0 : i32
    %c0_i32_0 = arith.constant 0 : i32
    %c0_i32_1 = arith.constant 0 : i32
    return %arg0, %c0_i32, %c0_i32_0 : i32, i32, i32
  }
  func.func @transform_2(%arg0: i32) -> (i32, i32, i32) {
    %c0_i32 = arith.constant 0 : i32
    %c0_i32_0 = arith.constant 0 : i32
    %c0_i32_1 = arith.constant 0 : i32
    return %arg0, %c0_i32, %c0_i32_0 : i32, i32, i32
  }
}

module attributes {stable_mosaic.version = 14 : i64} {
  func.func @_comb_body(%arg0: i32, %arg1: memref<2x2000x128xf32, #tpu.memory_space<vmem>>, %arg2: memref<1x128xf32, #tpu.memory_space<vmem>>, %arg3: memref<2000x128xf32, #tpu.memory_space<vmem>>) attributes {dimension_semantics = [#tpu.dimension_semantics<arbitrary>], iteration_bounds = array<i64: 5>, scalar_prefetch = 0 : i64, scratch_operands = 0 : i64, tpu.core_type = #tpu.core_type<tc>, window_params = [{transform_indices = @transform_0, window_bounds = array<i64: 2, 2000, 128>}, {pipeline_mode = #tpu.pipeline_mode<synchronous>, transform_indices = @transform_1, window_bounds = array<i64: 1, 128>}, {transform_indices = @transform_2, window_bounds = array<i64: 2000, 128>}]} {
    %get3A = arith.constant 0 : index
    %get3A_0 = arith.constant 0 : index
    %get3A_1 = arith.constant 0 : index
    %get3A_2 = vector.load %arg1[%get3A, %get3A_0, %get3A_1] : memref<2x2000x128xf32, #tpu.memory_space<vmem>>, vector<1x2000x128xf32>
    %get3A_3 = vector.shape_cast %get3A_2 : vector<1x2000x128xf32> to vector<2000x128xf32>
    %get3A_4 = arith.constant 1 : index
    %get3A_5 = arith.constant 0 : index
    %get3A_6 = arith.constant 0 : index
    %get3A_7 = vector.load %arg1[%get3A_4, %get3A_5, %get3A_6] : memref<2x2000x128xf32, #tpu.memory_space<vmem>>, vector<1x2000x128xf32>
    %get3A_8 = vector.shape_cast %get3A_7 : vector<1x2000x128xf32> to vector<2000x128xf32>
    %add3A = arith.addf %get3A_3, %get3A_8 : vector<2000x128xf32>
    %get3A_9 = arith.constant 0 : index
    %get3A_10 = arith.constant 0 : index
    %get3A_11 = vector.load %arg2[%get3A_9, %get3A_10] : memref<1x128xf32, #tpu.memory_space<vmem>>, vector<1x128xf32>
    %add3A_12 = vector.broadcast %get3A_11 : vector<1x128xf32> to vector<2000x128xf32>
    %add3A_13 = arith.addf %add3A, %add3A_12 : vector<2000x128xf32>
    %swap3A = arith.constant 0 : index
    %swap3A_14 = arith.constant 0 : index
    %swap3A_15 = vector.load %arg3[%swap3A, %swap3A_14] : memref<2000x128xf32, #tpu.memory_space<vmem>>, vector<2000x128xf32>
    tpu.vector_store %arg3[%swap3A, %swap3A_14], %add3A_13 {strides = array<i32>} : memref<2000x128xf32, #tpu.memory_space<vmem>>, vector<2000x128xf32>,
    return
  }
  func.func @transform_0(%arg0: i32) -> (i32, i32, i32) {
    %c0_i32 = arith.constant 0 : i32
    %c0_i32_0 = arith.constant 0 : i32
    %c0_i32_1 = arith.constant 0 : i32
    return %c0_i32, %arg0, %c0_i32_0 : i32, i32, i32
  }
  func.func @transform_1(%arg0: i32) -> (i32, i32) {
    %c0_i32 = arith.constant 0 : i32
    %c0_i32_0 = arith.constant 0 : i32
    %c0_i32_1 = arith.constant 0 : i32
    return %c0_i32, %c0_i32_0 : i32, i32
  }
  func.func @transform_2(%arg0: i32) -> (i32, i32) {
    %c0_i32 = arith.constant 0 : i32
    %c0_i32_0 = arith.constant 0 : i32
    return %arg0, %c0_i32 : i32, i32
  }
}

</mosaic_0001>

<sc_bundles>
// kernel: kernel.5.cloned.1.call-start
scs
__scs_entry_jumppad:
0x0: {  	(pc) =	sbr.rel $0x88, $3  }
0x1: {  	(tag) =	ssettag $0x0;
	lr =	simm.s32 $0x1  }
0x2: {  	[smem:$0x3F9B] =	sst lr;
	_ =	strace $0xD0000000  }
0x3: {  	_ = 	snop  }
0x4: {  	_ = 	snop  }
0x5: {  	_ = 	snop  }
0x6: {  	_ = 	snop  }
0x7: {  	_ = 	snop  }
__scs_overlays_trampoline_lowered:
0x8: {  	[smem:$0x3FAA] =	sst s0  }
0x9: {  	[smem:$0x3FAB] =	sst s1  }
0xa: {  	[smem:$0x3FAC] =	sst s2  }
0xb: {  	[smem:$0x3FAD] =	sst s3  }
0xc: {  	[smem:$0x3FAE] =	sst s4  }
0xd: {  	[smem:$0x3FAF] =	sst s5  }
0xe: {  	[smem:$0x3FB0] =	sst s6  }
0xf: {  	[smem:$0x3FB1] =	sst s7  }
0x10: {  	[smem:$0x3FB2] =	sst s8  }
0x11: {  	[smem:$0x3FB3] =	sst s9;
	s0 =	simm.s32 @!p0 $0x0  }
0x12: {  	s1 =	sld [smem:$0x3F99];
	s0 =	simm.s32 @p0 $0x1  }
0x13: {  	[smem:$0x3FB4] =	sst s0;
	s0 =	simm.s32 @!p1 $0x0  }
0x14: {  	s2 =	sld [smem:$0x3F98];
	s0 =	simm.s32 @p1 $0x1  }
0x15: {  	[smem:$0x3FB5] =	sst s0;
	s0 =	simm.s32 @!p2 $0x0  }
0x16: {  	s3 =	sld [smem:$0x3FDB];
	s0 =	simm.s32 @p2 $0x1  }
0x17: {  	s4 =	simm.s32 $0x1BF5;
	[smem:$0x3FB7] =	sst s0  }
0x18: {  	s0 =	sld [smem:$0x3F9A];
	_ =	swait.ge [sflag:s4], $0x0  }
0x19: {  	s7 =	sld [smem:$0x3F9B]  }
0x1a: {  	s8 =	sadd.s32 $0xFFFFE003, lr  }
0x1b: {  	s9 =	sadd.s32 $0xFFFFFEF7, lr;
	s5 =	simm.s32 $0xFFFFFFFF;
	p2 =	slt.u32 s8, $0xFFFFF086  }
0x1c: {  	p1 =	slt.u32 s9, $0xF7A;
	s5 =	simm.s32 @!p2 $0x0  }
0x1d: {  	s5 =	simm.s32 @p1 $0x1;
	p0 =	seq.s32 s7, s2  }
0x1e: {  	s7 =	smul.u32 @!p0 $0xF7A, s2;
	p2 =	seq.s32 @!p0 s5, $0x0  }
0x1f: {  	s9 =	smul.u32 $0xF7A, s1;
	s8 =	simm.s32 @!p0 $0x1BF5;
	p2 =	por !p2, p0  }
0x20: {  	[sflag:s8] =	ssyncset.s32 @!p0 $0xFFFFF086;
	s6 =	sadd.s32 @!p0 s3, s7;
	s7 =	simm.s32 @!p0 $0x108  }
0x21: {  	s3 =	sadd.s32 s3, s9;
	s6 =	sadd.s32 @!p0 $0x88, s6;
	s7 =	simm.s32 @p2 $0x1082  }
0x22: {  	[simem:s7], [sflag:s8] =	dma.local @!p0 [hbm:s6], $0xF7A  }
0x23: {  	s9 =	sor.u32 $0xD0000000, s2;
	s6 =	simm.s32 $0x108;
	_ =	swait.ge @!p0 [sflag:s8], $0x0  }
0x24: {  	s3 =	sadd.s32 $0x88, s3;
	s6 =	simm.s32 @!p1 $0x1082;
	[sflag:s4] =	ssyncset.s32 $0xFFFFF086  }
0x25: {  	[simem:s6], [sflag:s4] =	dma.local [hbm:s3], $0xF7A  }
0x26: {  	[smem:$0x3F9B] =	sst s1;
	(tag) =	ssettag s2;
	_ =	strace s9  }
0x27: {  	s1 =	sld [smem:$0x3FAB]  }
0x28: {  	s2 =	sld [smem:$0x3FAC]  }
0x29: {  	s4 =	sld [smem:$0x3FAE]  }
0x2a: {  	p0 =	seq.s32 s5, $0x0;
	s5 =	sld [smem:$0x3FAF]  }
0x2b: {  	s6 =	sld [smem:$0x3FB0]  }
0x2c: {  	s7 =	sld [smem:$0x3FB1]  }
0x2d: {  	s3 =	simm.s32 $0x108;
	s8 =	sld [smem:$0x3FB2]  }
0x2e: {  	s3 =	simm.s32 @!p0 $0x1082;
	s9 =	sld [smem:$0x3FB3]  }
0x2f: {  	lr =	sadd.s32 s0, s3;
	s0 =	sld [smem:$0x3FAA]  }
0x30: {  	s3 =	sld [smem:$0x3FAD]  }
0x31: {  	[smem:$0x3FB6] =	sst s10  }
0x32: {  	s10 =	sld [smem:$0x3FB4];
	_ =	sdelay $0x3  }
0x33: {  	p0 =	seq.s32 s10, $0x1;
	s10 =	sld [smem:$0x3FB6];
	_ =	sdelay $0x3  }
0x34: {  	[smem:$0x3FB6] =	sst s10  }
0x35: {  	s10 =	sld [smem:$0x3FB5];
	_ =	sdelay $0x3  }
0x36: {  	p1 =	seq.s32 s10, $0x1;
	s10 =	sld [smem:$0x3FB6];
	_ =	sdelay $0x3  }
0x37: {  	[smem:$0x3FB6] =	sst s10  }
0x38: {  	s10 =	sld [smem:$0x3FB7]  }
0x39: {  	_ = 	snop;
	(pc) =	sbr.ind lr, $3  }
0x3a: {  	_ = 	snop  }
0x3b: {  	_ = 	snop  }
0x3c: {  	p2 =	seq.s32 s10, $0x1;
	s10 =	sld [smem:$0x3FB6]  }
0x3d: {  	_ =	shalt  }
0x3e: {  	_ =	shalt  }
0x3f: {  	_ =	shalt  }
0x40: {  	_ =	shalt  }
0x41: {  	_ =	shalt  }
0x42: {  	_ =	shalt  }
0x43: {  	_ =	shalt  }
0x44: {  	_ =	shalt  }
0x45: {  	_ =	shalt  }
0x46: {  	_ =	shalt  }
0x47: {  	_ =	shalt  }
0x48: {  	_ =	shalt  }
0x49: {  	_ =	shalt  }
0x4a: {  	_ =	shalt  }
0x4b: {  	_ =	shalt  }
0x4c: {  	_ =	shalt  }
0x4d: {  	_ =	shalt  }
0x4e: {  	_ =	shalt  }
0x4f: {  	_ =	shalt  }
0x50: {  	_ =	shalt  }
0x51: {  	_ =	shalt  }
0x52: {  	_ =	shalt  }
0x53: {  	_ =	shalt  }
0x54: {  	_ =	shalt  }
0x55: {  	_ =	shalt  }
0x56: {  	_ =	shalt  }
0x57: {  	_ =	shalt  }
0x58: {  	_ =	shalt  }
0x59: {  	_ =	shalt  }
0x5a: {  	_ =	shalt  }
0x5b: {  	_ =	shalt  }
0x5c: {  	_ =	shalt  }
0x5d: {  	_ =	shalt  }
0x5e: {  	_ =	shalt  }
0x5f: {  	_ =	shalt  }
0x60: {  	_ =	shalt  }
0x61: {  	_ =	shalt  }
0x62: {  	_ =	shalt  }
0x63: {  	_ =	shalt  }
0x64: {  	_ =	shalt  }
0x65: {  	_ =	shalt  }
0x66: {  	_ =	shalt  }
0x67: {  	_ =	shalt  }
0x68: {  	_ =	shalt  }
0x69: {  	_ =	shalt  }
0x6a: {  	_ =	shalt  }
0x6b: {  	_ =	shalt  }
0x6c: {  	_ =	shalt  }
0x6d: {  	_ =	shalt  }
0x6e: {  	_ =	shalt  }
0x6f: {  	_ =	shalt  }
0x70: {  	_ =	shalt  }
0x71: {  	_ =	shalt  }
0x72: {  	_ =	shalt  }
0x73: {  	_ =	shalt  }
0x74: {  	_ =	shalt  }
0x75: {  	_ =	shalt  }
0x76: {  	_ =	shalt  }
0x77: {  	_ =	shalt  }
0x78: {  	_ =	shalt  }
0x79: {  	_ =	shalt  }
0x7a: {  	_ =	shalt  }
0x7b: {  	_ =	shalt  }
0x7c: {  	_ =	shalt  }
0x7d: {  	_ =	shalt  }
0x7e: {  	_ =	shalt  }
0x7f: {  	_ =	shalt  }
0x80: {  	_ =	shalt  }
0x81: {  	_ =	shalt  }
0x82: {  	_ =	shalt  }
0x83: {  	_ =	shalt  }
0x84: {  	_ =	shalt  }
0x85: {  	_ =	shalt  }
0x86: {  	_ =	shalt  }
0x87: {  	_ =	shalt  }
.Lfunc_end0:
.L_simem_size_0:
called_computation_lowered:
.L_overlay_start_0:
0x88: {  	s2 =	sld [smem:$0x3FD9]  }
0x89: {  	s3 =	sld [smem:$0x3FFE];
	_ =	sdelay $0x1  }
0x8a: {  	s1 =	srdreg.scid  }
0x8b: {  	s0 =	sand.u32 $0x1, s1  }
0x8c: {  	s17 =	sshll.u32 s0, $0xA;
	s2 =	sadd.s32 s3, s2  }
0x8d: {  	s2 =	sadd.s32 s2, s17  }
0x8e: {  	[smem:$0x3FC2] =	sst s2  }
0x8f: {  	_ = 	snop  }
0x90: {  	s2 =	sld [smem:$0x3FD0];
	(tm) =	ssettm $0x1  }
0x91: {  	s18 =	sld [smem:$0x3FFB];
	_ =	sdelay $0x3  }
0x92: {  	_ =	strace s18  }
0x93: {  	s3 =	sld [smem:$0x3FFC];
	_ =	sdelay $0x3  }
0x94: {  	_ =	strace s3  }
0x95: {  	s3 =	sld [smem:$0x3FFD];
	_ =	sdelay $0x3  }
0x96: {  	_ =	strace s3  }
0x97: {  	_ =	strace $0x8FFFFFFF  }
0x98: {  	s19 =	sld [smem:$0x3FDB];
	_ =	sdelay $0x1  }
0x99: {  	s4 =	simm.s32 $_scs_section_size  }
0x9a: {  	s5 =	simm.s32 $_size__tile_overlayer_lowered;
	s6 =	simm.s32 $_tile_overlayer_lowered  }
0x9b: {  	s22 =	simm.s32 $0x1BFF;
	s21 =	sshll.u32 s6, $0x1;
	s3 =	sadd.s32 s4, s19  }
0x9c: {  	s7 =	simm.s32 $0x0;
	s20 =	sshll.u32 s5, $0x1;
	s5 =	sadd.s32 s21, s3  }
0x9d: {  	[timem:s7], [sflag:s22] =	dma.local [hbm:s5], s20  }
0x9e: {  	_ =	swait.ge [sflag:s22], s20  }
0x9f: {  	s4 =	ssub.s32 $0x0, s20;
	[sflag:s22] =	ssyncset.done $0x0  }
0xa0: {  	[sflag:s22] =	ssyncadd.s32 s4;
	_ =	sdelay $0x1  }
0xa1: {  	s23 =	simm.s32 $0x1B8B  }
0xa2: {  	_ =	swait.ge [sflag:s23], $0x1  }
0xa3: {  	[sflag:s23] =	ssyncset.done $0x0  }
0xa4: {  	s25 =	simm.s32 $0x1B8E;
	s24 =	sld [smem:$0x3FFE];
	[sflag:s23] =	ssyncadd.s32 $0xFFFFFFFF  }
0xa5: {  	s26 =	simm.s32 $execute0_lowered;
	[smem:$0x3FD2] =	sst s25  }
0xa6: {  	s5 =	sshll.u32 s26, $0x1;
	_ =	strace $0x80000046;
	[dreg:$0x1] =	wrdreg $0xFFFFFFFF  }
0xa7: {  	s28 =	simm.s32 $_size_execute0_lowered;
	s3 =	sadd.s32 s3, s5;
	[dreg:$0x0] =	wrdreg $0x0  }
0xa8: {  	s5 =	sshll.u32 s28, $0x1;
	[dreg:$0x2] =	wrdreg s3  }
0xa9: {  	[dreg:$0x3] =	wrdreg s5  }
0xaa: {  	[dreg:$0x4] =	wrdreg $0xC0  }
0xab: {  	_ =	task [dreg:s7], $0x5FFFF  }
0xac: {  	[dreg:$0x1] =	wrdreg $0xFFFFFFFF  }
0xad: {  	[dreg:$0x0] =	wrdreg $0x60  }
0xae: {  	[dreg:$0x2] =	wrdreg s24  }
0xaf: {  	[dreg:$0x3] =	wrdreg s2  }
0xb0: {  	[dreg:$0x4] =	wrdreg $0x60000  }
0xb1: {  	[dreg:$0x5] =	wrdreg $0x9  }
0xb2: {  	_ =	task.clear_ibuf [dreg:s7], $0x6FFFF;
	_ =	strace $0x90000046  }
0xb3: {  	s29 =	simm.s32 $0x9;
	_ =	strace $0x80000048  }
0xb4: {  	_ =	swait.ge [sflag:s29], $0x1  }
0xb5: {  	[sflag:s29] =	ssyncadd.s32 $0xFFFFFFFF  }
0xb6: {  	_ =	strace $0x90000048  }
0xb7: {  	_ =	sfence  }
0xb8: {  	s30 =	sld [smem:$0x0];
	_ =	sdelay $0x2  }
0xb9: {  	s31 =	sshll.u32 s1, $0xD;
	s1 =	sshrl.u32 s1, $0x2  }
0xba: {  	s3 =	sand.u32 $0x4000, s31;
	s1 =	sadd.s32 s1, s30  }
0xbb: {  	s0 =	sor.u32 s3, s0;
	s1 =	sshll.u32 s1, $0x11  }
0xbc: {  	s0 =	sor.u32 s1, s0  }
0xbd: {  	s0 =	sadd.s32 $0x8F2B, s0  }
0xbe: {  	[sflag:s0] =	ssyncadd.remote.s32 $0x1  }
0xbf: {  	_ =	sfence.sel $0xFFFF  }
0xc0: {  	[dreg:$0x0] =	wrdreg $0xFFFFFFFF;
	(pc) =	sbr.abs _section_cstart, $3  }
0xc1: {  	[dreg:$0x1] =	wrdreg $0xFFFFFFFF  }
0xc2: {  	_ =	task.clear_ibuf [dreg:s7], $0x2FFFF;
	_ =	strace $0x9FFFFFFF  }
0xc3: {  	(tm) =	ssettm $0x7FFFFFFF  }
tec
execute0_lowered:
.L_overlay_start_1:
0x0: {  	(tag) =	ssettag $0x1  }
0x1: {  	s9 =	rddreg [dreg:$0x0]  }
0x2: {  	s10 =	rddreg [dreg:$0x1]  }
0x3: {  	s2 =	rddreg [dreg:$0x2]  }
0x4: {  	s0 =	rddreg [dreg:$0x3]  }
0x5: {  	s3 =	simm.s32 $0x0;
	s1 =	stileid.u32;
	s4 =	srdreg.scid  }
0x6: {  	s17 =	simm.s32 $0x800;
	s18 =	simm.s32 $0x1000;
	s19 =	simm.s32 $0x1800  }
0x7: {  	s20 =	simm.s32 $0x40;
	s21 =	simm.s32 $0x2000;
	s22 =	simm.s32 $0x3  }
0x8: {  	s23 =	simm.s32 $0x4;
	s5 =	smul.u32 $0x270, s1;
	s6 =	smin.u32 s1, $0x2  }
0x9: {  	[smem:$0x7FF] =	sst s3;
	s11 =	sand.u32 $0x1, s4;
	s4 =	sadd.s32 $0x28600, s9  }
0xa: {  	s7 =	sadd.s32 $0x14600, s9;
	s16 =	sshll.u32 s1, $0x1;
	s31 =	sshll.u32 s1, $0x6  }
0xb: {  	p0 =	sgt.u32 s1, $0x1;
	s28 =	sshll.u32 s6, $0x3;
	_ =	strace $0x80000047  }
0xc: {  	s8 =	smul.u32 $0x138800, s11;
	s6 =	sadd.s32 $0x3C600, s9;
	s15 =	ssub.s32 $0x2, s11  }
0xd: {  	s11 =	sor.u32 s11, s16;
	s12 =	sadd.s32 s5, s28;
	s29 =	sshrl.u32 s15, $0x1  }
0xe: {  	s5 =	sadd.s32 $0x600, s9;
	s13 =	sshll.u32 s12, $0x7;
	s15 =	ssub.s32 s15, s29  }
.Ltmp0:
0xf: {  	s30 =	sshll.u32 s12, $0x4;
	s14 =	sadd.s32 s8, s13;
	(pc) =	sbr.rel .LBB2_1-.Ltmp0, $4  }
0x10: {  	s8 =	sadd.s32 $0x50600, s9;
	s16 =	sadd.s32 s13, s2;
	s12 =	smax.u32 s15, $0x1  }
0x11: {  	s13 =	sor.u32 $0x1C05, s31;
	s14 =	sshrl.u32 s14, $0x3;
	s15 =	sshrl.u32 @!p0 s16, $0x3  }
0x12: {  	s14 =	sadd.s32 s14, s9;
	s9 =	sadd.s32 s10, s30;
	s10 =	smul.u32 $0x5000, s11  }
0x13: {  	s11 =	sadd.s32 $0xA14600, s14;
	s14 =	sshrl.u32 @p0 s16, $0x3;
	s16 =	simm.s32 $0x5  }
.LBB2_12:
0x14: {  	[bflag:$0x0] =	sbarrier.arrive $0xFFFF;
	s24 =	simm.s32 @p0 $0x5  }
0x15: {  	[hbm:s11], [sflag:s13] =	dma.local @p0 [spmem:s14], $0x2700  }
0x16: {  	s3 =	sadd.s32 $0x1, s3;
	_ =	swait.ge @p0 [sflag:s24], $0x2700  }
0x17: {  	p1 =	sne.s32 s3, s12;
	[sflag:s24] =	ssyncset.done @p0 $0x0  }
.Ltmp1:
0x18: {  	[sflag:s24] =	ssyncadd.s32 @p0 $0xFFFFD900;
	s24 =	simm.s32 @!p0 $0x5;
	(pc) =	sbr.rel @!p1 .LBB2_13-.Ltmp1, $4  }
0x19: {  	[hbm:s11], [sflag:s13] =	dma.local @!p0 [spmem:s15], $0x2780  }
0x1a: {  	_ =	swait.ge @!p0 [sflag:s24], $0x2780  }
0x1b: {  	[sflag:s24] =	ssyncset.done @!p0 $0x0  }
0x1c: {  	[sflag:s24] =	ssyncadd.s32 @!p0 $0xFFFFD880  }
.LBB2_1:
0x1d: {  	[spmem:s14], [sflag:s13] =	dma.local @p0 [hbm:s9], $0x2700  }
0x1e: {  	s24 =	simm.s32 @p0 $0x5  }
0x1f: {  	_ =	swait.ge @p0 [sflag:s24], $0x2700  }
0x20: {  	[sflag:s24] =	ssyncset.done @p0 $0x0  }
0x21: {  	[sflag:s24] =	ssyncadd.s32 @p0 $0xFFFFD900;
	s24 =	simm.s32 @!p0 $0x5  }
0x22: {  	[spmem:s15], [sflag:s13] =	dma.local @!p0 [hbm:s9], $0x2780  }
.Ltmp2:
0x23: {  	_ =	swait.ge @!p0 [sflag:s24], $0x2780;
	(pc) =	sbr.rel .LBB2_2-.Ltmp2, $4  }
0x24: {  	[sflag:s24] =	ssyncset.done @!p0 $0x0  }
0x25: {  	[sflag:s24] =	ssyncadd.s32 @!p0 $0xFFFFD880  }
0x26: {  	[bflag:$0x0] =	sbarrier.arrive $0xFFFF  }
0x27: {  	s24 =	simm.s32 $0x0  }
.LBB2_11:
0x28: {  	s24 =	sadd.s32 $0x1, s24  }
0x29: {  	_ =	swait.ge [sflag:s22], $0x2000;
	p1 =	sne.s32 s24, $0xA  }
.Ltmp3:
0x2a: {  	[sflag:s22] =	ssyncset.done $0x0;
	(pc) =	sbr.rel @!p1 .LBB2_12-.Ltmp3, $4  }
0x2b: {  	[sflag:s22] =	ssyncadd.s32 $0xFFFFE000  }
0x2c: {  	_ =	swait.ge [sflag:s23], $0x2000  }
0x2d: {  	[sflag:s23] =	ssyncset.done $0x0  }
0x2e: {  	[sflag:s23] =	ssyncadd.s32 $0xFFFFE000  }
.LBB2_2:
0x2f: {  	s25 =	sshll.u32 s24, $0xB  }
0x30: {  	s25 =	sadd.s32 s10, s25  }
0x31: {  	s25 =	sshrl.u32 s25, $0x3  }
0x32: {  	s28 =	simm.s32 $0x0;
	s26 =	sadd.s32 s4, s25  }
0x33: {  	[tilespmem:s28], [sflag:$0x5] =	stream.linear.gather [hbm4b:s26+s28], $0x800, $0x38;
	[tilespmem:$0x19880] =	vst v63  }
0x34: {  	_ =	swait.ge [sflag:s16], $0x800  }
0x35: {  	[sflag:s16] =	ssyncset.done $0x0  }
0x36: {  	s30 =	sadd.s32 s5, s25;
	[sflag:s16] =	ssyncadd.s32 $0xFFFFF800  }
0x37: {  	[tilespmem:s17], [sflag:$0x5] =	stream.linear.gather [hbm4b:s30+s28], $0x800, $0x38;
	[tilespmem:$0x19880] =	vst v63  }
0x38: {  	_ =	swait.ge [sflag:s16], $0x800  }
0x39: {  	[sflag:s16] =	ssyncset.done $0x0  }
0x3a: {  	s31 =	sadd.s32 s6, s25;
	[sflag:s16] =	ssyncadd.s32 $0xFFFFF800  }
0x3b: {  	[tilespmem:s18], [sflag:$0x5] =	stream.linear.gather [hbm4b:s31+s28], $0x800, $0x38;
	[tilespmem:$0x19880] =	vst v63  }
0x3c: {  	_ =	swait.ge [sflag:s16], $0x800  }
0x3d: {  	[sflag:s16] =	ssyncset.done $0x0  }
0x3e: {  	s25 =	sadd.s32 s7, s25;
	[sflag:s16] =	ssyncadd.s32 $0xFFFFF800  }
0x3f: {  	[tilespmem:s19], [sflag:$0x5] =	stream.linear.gather [hbm4b:s25+s28], $0x800, $0x38;
	[tilespmem:$0x19880] =	vst v63  }
0x40: {  	_ =	swait.ge [sflag:s16], $0x800  }
0x41: {  	[sflag:s16] =	ssyncset.done $0x0  }
0x42: {  	s25 =	simm.s32 $0x0;
	[sflag:s16] =	ssyncadd.s32 $0xFFFFF800  }
0x43: {  	v1 =	vld [tilespmem:s25+$0x0]  }
0x44: {  	v0 =	vld [tilespmem:s25+$0x10]  }
0x45: {  	v4 =	vld [tilespmem:s25+$0x800]  }
0x46: {  	v3 =	vld [tilespmem:s25+$0x810]  }
0x47: {  	s26 =	simm.s32 $0x200;
	v2 =	vld [tilespmem:s25+$0x820]  }
.LBB2_3:
0x48: {  	p1 =	sne.s32 s26, $0x1E00;
	v5 =	vld [tilespmem:s25+$0x830]  }
0x49: {  	v6 =	vld [tilespmem:s25+$0x20]  }
0x4a: {  	v4 =	vmul.u32 $0x2710, v4;
	v7 =	vld [tilespmem:s25+$0x30]  }
0x4b: {  	s28 =	sshra.s32 s26, $0x2;
	v3 =	vmul.u32 $0x2710, v3  }
.Ltmp4:
0x4c: {  	v4 =	vadd.s32 v1, v4;
	v1 =	vld [tilespmem:s28+$0x0];
	v2 =	vmul.u32 $0x2710, v2;
	(pc) =	sbr.rel @p1 .LBB2_3-.Ltmp4, $4  }
0x4d: {  	[tilespmem:s25+$0x800] =	vst v4;
	v3 =	vadd.s32 v0, v3;
	v0 =	vld [tilespmem:s28+$0x10];
	v5 =	vmul.u32 $0x2710, v5  }
0x4e: {  	v4 =	vld [tilespmem:s28+$0x800];
	[tilespmem:s25+$0x810] =	vst v3;
	v2 =	vadd.s32 v6, v2  }
0x4f: {  	v3 =	vld [tilespmem:s28+$0x810];
	[tilespmem:s25+$0x820] =	vst v2;
	v5 =	vadd.s32 v7, v5  }
0x50: {  	s26 =	sadd.s32 $0x200, s26;
	v2 =	vld [tilespmem:s28+$0x820];
	[tilespmem:s25+$0x830] =	vst v5;
	s25 =	smov.u32 s28  }
0x51: {  	v5 =	vld [tilespmem:s25+$0x830]  }
0x52: {  	v6 =	vld [tilespmem:s25+$0x20]  }
0x53: {  	v7 =	vld [tilespmem:s25+$0x30];
	v4 =	vmul.u32 $0x2710, v4  }
0x54: {  	v3 =	vmul.u32 $0x2710, v3  }
0x55: {  	v1 =	vadd.s32 v1, v4;
	v2 =	vmul.u32 $0x2710, v2  }
.Ltmp5:
0x56: {  	[tilespmem:s25+$0x800] =	vst v1;
	v0 =	vadd.s32 v0, v3;
	v61 =	vmul.u32 $0x2710, v5;
	(pc) =	sbr.rel .LBB2_5-.Ltmp5, $4  }
0x57: {  	[tilespmem:s25+$0x810] =	vst v0;
	v62 =	vadd.s32 v6, v2  }
0x58: {  	[tilespmem:s25+$0x820] =	vst v62;
	v63 =	vadd.s32 v7, v61  }
0x59: {  	[tilespmem:s25+$0x830] =	vst v63;
	s25 =	simm.s32 $0x0  }
0x5a: {  	[tilespmem:s21], [sflag:$0x1] =	stream.indirect.gather [hbm4b:s8+s20], $0x80, s17, s20, $0xb8;
	[tilespmem:$0x19880] =	vst v63  }
.LBB2_10:
0x5b: {  	s25 =	sadd.s32 $0x1, s25  }
0x5c: {  	p1 =	sne.s32 s25, $0x10  }
.Ltmp6:
0x5d: {  	_ = 	snop;
	(pc) =	sbr.rel @!p1 .LBB2_11-.Ltmp6, $4  }
0x5e: {  	_ = 	snop  }
0x5f: {  	s28 =	sshll.u32 s29, $0xD  }
0x60: {  	s26 =	sadd.s32 $0x880, s26;
	s31 =	sadd.s32 $0x1, s29;
	s28 =	sadd.s32 $0x2000, s28  }
0x61: {  	[tilespmem:s28], [sflag:s31] =	stream.indirect.gather [hbm4b:s8+s20], $0x80, s26, s20, $0xb8;
	[tilespmem:$0x19880] =	vst v63  }
.LBB2_5:
0x62: {  	s26 =	sshll.u32 s25, $0x9  }
0x63: {  	s28 =	sand.u32 $0x1, s25;
	s26 =	sshrl.u32 s26, $0x2  }
0x64: {  	s30 =	sadd.s32 $0x1, s28;
	s31 =	sadd.s32 $0x1800, s26  }
0x65: {  	s29 =	sshll.u32 s28, $0xD;
	_ =	swait.ge [sflag:s30], $0x2000;
	v0 =	vmov s31  }
0x66: {  	s29 =	sadd.s32 $0x2000, s29;
	[sflag:s30] =	ssyncset.done $0x0  }
0x67: {  	v1 =	vmov s29;
	[sflag:s30] =	ssyncadd.s32 $0xFFFFE000;
	s30 =	simm.s32 $0x0  }
.LBB2_6:
0x68: {  	s31 =	sshll.u32 s30, $0x4  }
0x69: {  	s31 =	sand.u32 $0x3FFFFFF0, s31  }
0x6a: {  	v2 =	vld.idx.msk [tilespmem:v0+s31+$0x0 ss:$0x1], $0xffff;
	s31 =	sshll.u32 s30, $0xD  }
0x6b: {  	s31 =	sshra.s32 s31, $0x2  }
0x6c: {  	v3 =	vld.idx.msk [tilespmem:v1+s31+$0x0 ss:$0x1], $0xffff;
	_ =	sdelay $0x2  }
0x6d: {  	v4 =	vbroadcast v2, $0x0;
	_ =	sdelay $0x1  }
0x6e: {  	v3 =	vmul.f32 v4, v3;
	_ =	sdelay $0x1  }
0x6f: {  	[tilespmem:v1+s31+$0x0 ss:$0x1] =	vst.idx.msk $0xffff, v3  }
0x70: {  	v3 =	vld.idx.msk [tilespmem:v1+s31+$0x10 ss:$0x1], $0xffff;
	_ =	sdelay $0x4  }
0x71: {  	v3 =	vmul.f32 v3, v4;
	_ =	sdelay $0x1  }
0x72: {  	[tilespmem:v1+s31+$0x10 ss:$0x1] =	vst.idx.msk $0xffff, v3  }
0x73: {  	v3 =	vld.idx.msk [tilespmem:v1+s31+$0x20 ss:$0x1], $0xffff;
	_ =	sdelay $0x4  }
0x74: {  	v3 =	vmul.f32 v3, v4;
	_ =	sdelay $0x1  }
0x75: {  	[tilespmem:v1+s31+$0x20 ss:$0x1] =	vst.idx.msk $0xffff, v3  }
0x76: {  	v3 =	vld.idx.msk [tilespmem:v1+s31+$0x30 ss:$0x1], $0xffff;
	_ =	sdelay $0x4  }
0x77: {  	v3 =	vmul.f32 v3, v4;
	_ =	sdelay $0x1  }
0x78: {  	[tilespmem:v1+s31+$0x30 ss:$0x1] =	vst.idx.msk $0xffff, v3  }
0x79: {  	v3 =	vld.idx.msk [tilespmem:v1+s31+$0x40 ss:$0x1], $0xffff;
	_ =	sdelay $0x4  }
0x7a: {  	v3 =	vmul.f32 v3, v4;
	_ =	sdelay $0x1  }
0x7b: {  	[tilespmem:v1+s31+$0x40 ss:$0x1] =	vst.idx.msk $0xffff, v3  }
0x7c: {  	v3 =	vld.idx.msk [tilespmem:v1+s31+$0x50 ss:$0x1], $0xffff;
	_ =	sdelay $0x4  }
0x7d: {  	v3 =	vmul.f32 v3, v4;
	_ =	sdelay $0x1  }
0x7e: {  	[tilespmem:v1+s31+$0x50 ss:$0x1] =	vst.idx.msk $0xffff, v3  }
0x7f: {  	v3 =	vld.idx.msk [tilespmem:v1+s31+$0x60 ss:$0x1], $0xffff;
	_ =	sdelay $0x4  }
0x80: {  	v3 =	vmul.f32 v3, v4;
	_ =	sdelay $0x1  }
0x81: {  	[tilespmem:v1+s31+$0x60 ss:$0x1] =	vst.idx.msk $0xffff, v3  }
0x82: {  	v3 =	vld.idx.msk [tilespmem:v1+s31+$0x70 ss:$0x1], $0xffff;
	_ =	sdelay $0x4  }
0x83: {  	v3 =	vmul.f32 v3, v4;
	_ =	sdelay $0x1  }
0x84: {  	[tilespmem:v1+s31+$0x70 ss:$0x1] =	vst.idx.msk $0xffff, v3  }
0x85: {  	v3 =	vld.idx.msk [tilespmem:v1+s31+$0x80 ss:$0x1], $0xffff;
	_ =	sdelay $0x2  }
0x86: {  	v50 =	vbroadcast v2, $0x1;
	_ =	sdelay $0x1  }
0x87: {  	v3 =	vmul.f32 v3, v50;
	_ =	sdelay $0x1  }
0x88: {  	[tilespmem:v1+s31+$0x80 ss:$0x1] =	vst.idx.msk $0xffff, v3  }
0x89: {  	v3 =	vld.idx.msk [tilespmem:v1+s31+$0x90 ss:$0x1], $0xffff;
	_ =	sdelay $0x4  }
0x8a: {  	v3 =	vmul.f32 v3, v50;
	_ =	sdelay $0x1  }
0x8b: {  	[tilespmem:v1+s31+$0x90 ss:$0x1] =	vst.idx.msk $0xffff, v3  }
0x8c: {  	v3 =	vld.idx.msk [tilespmem:v1+s31+$0xA0 ss:$0x1], $0xffff;
	_ =	sdelay $0x4  }
0x8d: {  	v3 =	vmul.f32 v3, v50;
	_ =	sdelay $0x1  }
0x8e: {  	[tilespmem:v1+s31+$0xA0 ss:$0x1] =	vst.idx.msk $0xffff, v3  }
0x8f: {  	v3 =	vld.idx.msk [tilespmem:v1+s31+$0xB0 ss:$0x1], $0xffff;
	_ =	sdelay $0x4  }
0x90: {  	v3 =	vmul.f32 v3, v50;
	_ =	sdelay $0x1  }
0x91: {  	[tilespmem:v1+s31+$0xB0 ss:$0x1] =	vst.idx.msk $0xffff, v3  }
0x92: {  	v3 =	vld.idx.msk [tilespmem:v1+s31+$0xC0 ss:$0x1], $0xffff;
	_ =	sdelay $0x4  }
0x93: {  	v3 =	vmul.f32 v3, v50;
	_ =	sdelay $0x1  }
0x94: {  	[tilespmem:v1+s31+$0xC0 ss:$0x1] =	vst.idx.msk $0xffff, v3  }
0x95: {  	v3 =	vld.idx.msk [tilespmem:v1+s31+$0xD0 ss:$0x1], $0xffff;
	_ =	sdelay $0x4  }
0x96: {  	v3 =	vmul.f32 v3, v50;
	_ =	sdelay $0x1  }
0x97: {  	[tilespmem:v1+s31+$0xD0 ss:$0x1] =	vst.idx.msk $0xffff, v3  }
0x98: {  	v3 =	vld.idx.msk [tilespmem:v1+s31+$0xE0 ss:$0x1], $0xffff;
	_ =	sdelay $0x4  }
0x99: {  	v3 =	vmul.f32 v3, v50;
	_ =	sdelay $0x1  }
0x9a: {  	[tilespmem:v1+s31+$0xE0 ss:$0x1] =	vst.idx.msk $0xffff, v3  }
0x9b: {  	v3 =	vld.idx.msk [tilespmem:v1+s31+$0xF0 ss:$0x1], $0xffff;
	_ =	sdelay $0x4  }
0x9c: {  	v3 =	vmul.f32 v3, v50;
	_ =	sdelay $0x1  }
0x9d: {  	[tilespmem:v1+s31+$0xF0 ss:$0x1] =	vst.idx.msk $0xffff, v3  }
0x9e: {  	v3 =	vld.idx.msk [tilespmem:v1+s31+$0x100 ss:$0x1], $0xffff;
	_ =	sdelay $0x2  }
0x9f: {  	v51 =	vbroadcast v2, $0x2;
	_ =	sdelay $0x1  }
0xa0: {  	v3 =	vmul.f32 v3, v51;
	_ =	sdelay $0x1  }
0xa1: {  	[tilespmem:v1+s31+$0x100 ss:$0x1] =	vst.idx.msk $0xffff, v3  }
0xa2: {  	v3 =	vld.idx.msk [tilespmem:v1+s31+$0x110 ss:$0x1], $0xffff;
	_ =	sdelay $0x4  }
0xa3: {  	v3 =	vmul.f32 v3, v51;
	_ =	sdelay $0x1  }
0xa4: {  	[tilespmem:v1+s31+$0x110 ss:$0x1] =	vst.idx.msk $0xffff, v3  }
0xa5: {  	v3 =	vld.idx.msk [tilespmem:v1+s31+$0x120 ss:$0x1], $0xffff;
	_ =	sdelay $0x4  }
0xa6: {  	v3 =	vmul.f32 v3, v51;
	_ =	sdelay $0x1  }
0xa7: {  	[tilespmem:v1+s31+$0x120 ss:$0x1] =	vst.idx.msk $0xffff, v3  }
0xa8: {  	v3 =	vld.idx.msk [tilespmem:v1+s31+$0x130 ss:$0x1], $0xffff;
	_ =	sdelay $0x4  }
0xa9: {  	v3 =	vmul.f32 v3, v51;
	_ =	sdelay $0x1  }
0xaa: {  	[tilespmem:v1+s31+$0x130 ss:$0x1] =	vst.idx.msk $0xffff, v3  }
0xab: {  	v3 =	vld.idx.msk [tilespmem:v1+s31+$0x140 ss:$0x1], $0xffff;
	_ =	sdelay $0x4  }
0xac: {  	v3 =	vmul.f32 v3, v51;
	_ =	sdelay $0x1  }
0xad: {  	[tilespmem:v1+s31+$0x140 ss:$0x1] =	vst.idx.msk $0xffff, v3  }
0xae: {  	v3 =	vld.idx.msk [tilespmem:v1+s31+$0x150 ss:$0x1], $0xffff;
	_ =	sdelay $0x4  }
0xaf: {  	v3 =	vmul.f32 v3, v51;
	_ =	sdelay $0x1  }
0xb0: {  	[tilespmem:v1+s31+$0x150 ss:$0x1] =	vst.idx.msk $0xffff, v3  }
0xb1: {  	v3 =	vld.idx.msk [tilespmem:v1+s31+$0x160 ss:$0x1], $0xffff;
	_ =	sdelay $0x4  }
0xb2: {  	v3 =	vmul.f32 v3, v51;
	_ =	sdelay $0x1  }
0xb3: {  	[tilespmem:v1+s31+$0x160 ss:$0x1] =	vst.idx.msk $0xffff, v3  }
0xb4: {  	v3 =	vld.idx.msk [tilespmem:v1+s31+$0x170 ss:$0x1], $0xffff;
	_ =	sdelay $0x4  }
0xb5: {  	v3 =	vmul.f32 v3, v51;
	_ =	sdelay $0x1  }
0xb6: {  	[tilespmem:v1+s31+$0x170 ss:$0x1] =	vst.idx.msk $0xffff, v3  }
0xb7: {  	v3 =	vld.idx.msk [tilespmem:v1+s31+$0x180 ss:$0x1], $0xffff;
	_ =	sdelay $0x2  }
0xb8: {  	v52 =	vbroadcast v2, $0x3;
	_ =	sdelay $0x1  }
0xb9: {  	v3 =	vmul.f32 v3, v52;
	_ =	sdelay $0x1  }
0xba: {  	[tilespmem:v1+s31+$0x180 ss:$0x1] =	vst.idx.msk $0xffff, v3  }
0xbb: {  	v3 =	vld.idx.msk [tilespmem:v1+s31+$0x190 ss:$0x1], $0xffff;
	_ =	sdelay $0x4  }
0xbc: {  	v3 =	vmul.f32 v3, v52;
	_ =	sdelay $0x1  }
0xbd: {  	[tilespmem:v1+s31+$0x190 ss:$0x1] =	vst.idx.msk $0xffff, v3  }
0xbe: {  	v3 =	vld.idx.msk [tilespmem:v1+s31+$0x1A0 ss:$0x1], $0xffff;
	_ =	sdelay $0x4  }
0xbf: {  	v3 =	vmul.f32 v3, v52;
	_ =	sdelay $0x1  }
0xc0: {  	[tilespmem:v1+s31+$0x1A0 ss:$0x1] =	vst.idx.msk $0xffff, v3  }
0xc1: {  	v3 =	vld.idx.msk [tilespmem:v1+s31+$0x1B0 ss:$0x1], $0xffff;
	_ =	sdelay $0x4  }
0xc2: {  	v3 =	vmul.f32 v3, v52;
	_ =	sdelay $0x1  }
0xc3: {  	[tilespmem:v1+s31+$0x1B0 ss:$0x1] =	vst.idx.msk $0xffff, v3  }
0xc4: {  	v3 =	vld.idx.msk [tilespmem:v1+s31+$0x1C0 ss:$0x1], $0xffff;
	_ =	sdelay $0x4  }
0xc5: {  	v3 =	vmul.f32 v3, v52;
	_ =	sdelay $0x1  }
0xc6: {  	[tilespmem:v1+s31+$0x1C0 ss:$0x1] =	vst.idx.msk $0xffff, v3  }
0xc7: {  	v3 =	vld.idx.msk [tilespmem:v1+s31+$0x1D0 ss:$0x1], $0xffff;
	_ =	sdelay $0x4  }
0xc8: {  	v3 =	vmul.f32 v3, v52;
	_ =	sdelay $0x1  }
0xc9: {  	[tilespmem:v1+s31+$0x1D0 ss:$0x1] =	vst.idx.msk $0xffff, v3  }
0xca: {  	v3 =	vld.idx.msk [tilespmem:v1+s31+$0x1E0 ss:$0x1], $0xffff;
	_ =	sdelay $0x4  }
0xcb: {  	v3 =	vmul.f32 v3, v52;
	_ =	sdelay $0x1  }
0xcc: {  	[tilespmem:v1+s31+$0x1E0 ss:$0x1] =	vst.idx.msk $0xffff, v3  }
0xcd: {  	v3 =	vld.idx.msk [tilespmem:v1+s31+$0x1F0 ss:$0x1], $0xffff;
	_ =	sdelay $0x4  }
0xce: {  	v3 =	vmul.f32 v3, v52;
	_ =	sdelay $0x1  }
0xcf: {  	[tilespmem:v1+s31+$0x1F0 ss:$0x1] =	vst.idx.msk $0xffff, v3  }
0xd0: {  	v3 =	vld.idx.msk [tilespmem:v1+s31+$0x200 ss:$0x1], $0xffff;
	_ =	sdelay $0x2  }
0xd1: {  	v53 =	vbroadcast v2, $0x4;
	_ =	sdelay $0x1  }
0xd2: {  	v3 =	vmul.f32 v3, v53;
	_ =	sdelay $0x1  }
0xd3: {  	[tilespmem:v1+s31+$0x200 ss:$0x1] =	vst.idx.msk $0xffff, v3  }
0xd4: {  	v3 =	vld.idx.msk [tilespmem:v1+s31+$0x210 ss:$0x1], $0xffff;
	_ =	sdelay $0x4  }
0xd5: {  	v3 =	vmul.f32 v3, v53;
	_ =	sdelay $0x1  }
0xd6: {  	[tilespmem:v1+s31+$0x210 ss:$0x1] =	vst.idx.msk $0xffff, v3  }
0xd7: {  	v3 =	vld.idx.msk [tilespmem:v1+s31+$0x220 ss:$0x1], $0xffff;
	_ =	sdelay $0x4  }
0xd8: {  	v3 =	vmul.f32 v3, v53;
	_ =	sdelay $0x1  }
0xd9: {  	[tilespmem:v1+s31+$0x220 ss:$0x1] =	vst.idx.msk $0xffff, v3  }
0xda: {  	v3 =	vld.idx.msk [tilespmem:v1+s31+$0x230 ss:$0x1], $0xffff;
	_ =	sdelay $0x4  }
0xdb: {  	v3 =	vmul.f32 v3, v53;
	_ =	sdelay $0x1  }
0xdc: {  	[tilespmem:v1+s31+$0x230 ss:$0x1] =	vst.idx.msk $0xffff, v3  }
0xdd: {  	v3 =	vld.idx.msk [tilespmem:v1+s31+$0x240 ss:$0x1], $0xffff;
	_ =	sdelay $0x4  }
0xde: {  	v3 =	vmul.f32 v3, v53;
	_ =	sdelay $0x1  }
0xdf: {  	[tilespmem:v1+s31+$0x240 ss:$0x1] =	vst.idx.msk $0xffff, v3  }
0xe0: {  	v3 =	vld.idx.msk [tilespmem:v1+s31+$0x250 ss:$0x1], $0xffff;
	_ =	sdelay $0x4  }
0xe1: {  	v3 =	vmul.f32 v3, v53;
	_ =	sdelay $0x1  }
0xe2: {  	[tilespmem:v1+s31+$0x250 ss:$0x1] =	vst.idx.msk $0xffff, v3  }
0xe3: {  	v3 =	vld.idx.msk [tilespmem:v1+s31+$0x260 ss:$0x1], $0xffff;
	_ =	sdelay $0x4  }
0xe4: {  	v3 =	vmul.f32 v3, v53;
	_ =	sdelay $0x1  }
0xe5: {  	[tilespmem:v1+s31+$0x260 ss:$0x1] =	vst.idx.msk $0xffff, v3  }
0xe6: {  	v3 =	vld.idx.msk [tilespmem:v1+s31+$0x270 ss:$0x1], $0xffff;
	_ =	sdelay $0x4  }
0xe7: {  	v3 =	vmul.f32 v3, v53;
	_ =	sdelay $0x1  }
0xe8: {  	[tilespmem:v1+s31+$0x270 ss:$0x1] =	vst.idx.msk $0xffff, v3  }
0xe9: {  	v3 =	vld.idx.msk [tilespmem:v1+s31+$0x280 ss:$0x1], $0xffff;
	_ =	sdelay $0x2  }
0xea: {  	v54 =	vbroadcast v2, $0x5;
	_ =	sdelay $0x1  }
0xeb: {  	v3 =	vmul.f32 v3, v54;
	_ =	sdelay $0x1  }
0xec: {  	[tilespmem:v1+s31+$0x280 ss:$0x1] =	vst.idx.msk $0xffff, v3  }
0xed: {  	v3 =	vld.idx.msk [tilespmem:v1+s31+$0x290 ss:$0x1], $0xffff;
	_ =	sdelay $0x4  }
0xee: {  	v3 =	vmul.f32 v3, v54;
	_ =	sdelay $0x1  }
0xef: {  	[tilespmem:v1+s31+$0x290 ss:$0x1] =	vst.idx.msk $0xffff, v3  }
0xf0: {  	v3 =	vld.idx.msk [tilespmem:v1+s31+$0x2A0 ss:$0x1], $0xffff;
	_ =	sdelay $0x4  }
0xf1: {  	v3 =	vmul.f32 v3, v54;
	_ =	sdelay $0x1  }
0xf2: {  	[tilespmem:v1+s31+$0x2A0 ss:$0x1] =	vst.idx.msk $0xffff, v3  }
0xf3: {  	v3 =	vld.idx.msk [tilespmem:v1+s31+$0x2B0 ss:$0x1], $0xffff;
	_ =	sdelay $0x4  }
0xf4: {  	v3 =	vmul.f32 v3, v54;
	_ =	sdelay $0x1  }
0xf5: {  	[tilespmem:v1+s31+$0x2B0 ss:$0x1] =	vst.idx.msk $0xffff, v3  }
0xf6: {  	v3 =	vld.idx.msk [tilespmem:v1+s31+$0x2C0 ss:$0x1], $0xffff;
	_ =	sdelay $0x4  }
0xf7: {  	v3 =	vmul.f32 v3, v54;
	_ =	sdelay $0x1  }
0xf8: {  	[tilespmem:v1+s31+$0x2C0 ss:$0x1] =	vst.idx.msk $0xffff, v3  }
0xf9: {  	v3 =	vld.idx.msk [tilespmem:v1+s31+$0x2D0 ss:$0x1], $0xffff;
	_ =	sdelay $0x4  }
0xfa: {  	v3 =	vmul.f32 v3, v54;
	_ =	sdelay $0x1  }
0xfb: {  	[tilespmem:v1+s31+$0x2D0 ss:$0x1] =	vst.idx.msk $0xffff, v3  }
0xfc: {  	v3 =	vld.idx.msk [tilespmem:v1+s31+$0x2E0 ss:$0x1], $0xffff;
	_ =	sdelay $0x4  }
0xfd: {  	v3 =	vmul.f32 v3, v54;
	_ =	sdelay $0x1  }
0xfe: {  	[tilespmem:v1+s31+$0x2E0 ss:$0x1] =	vst.idx.msk $0xffff, v3  }
0xff: {  	v3 =	vld.idx.msk [tilespmem:v1+s31+$0x2F0 ss:$0x1], $0xffff;
	_ =	sdelay $0x4  }
0x100: {  	v3 =	vmul.f32 v3, v54;
	_ =	sdelay $0x1  }
0x101: {  	[tilespmem:v1+s31+$0x2F0 ss:$0x1] =	vst.idx.msk $0xffff, v3  }
0x102: {  	v3 =	vld.idx.msk [tilespmem:v1+s31+$0x300 ss:$0x1], $0xffff;
	_ =	sdelay $0x2  }
0x103: {  	v55 =	vbroadcast v2, $0x6;
	_ =	sdelay $0x1  }
0x104: {  	v3 =	vmul.f32 v3, v55;
	_ =	sdelay $0x1  }
0x105: {  	[tilespmem:v1+s31+$0x300 ss:$0x1] =	vst.idx.msk $0xffff, v3  }
0x106: {  	v3 =	vld.idx.msk [tilespmem:v1+s31+$0x310 ss:$0x1], $0xffff;
	_ =	sdelay $0x4  }
0x107: {  	v3 =	vmul.f32 v3, v55;
	_ =	sdelay $0x1  }
0x108: {  	[tilespmem:v1+s31+$0x310 ss:$0x1] =	vst.idx.msk $0xffff, v3  }
0x109: {  	v3 =	vld.idx.msk [tilespmem:v1+s31+$0x320 ss:$0x1], $0xffff;
	_ =	sdelay $0x4  }
0x10a: {  	v3 =	vmul.f32 v3, v55;
	_ =	sdelay $0x1  }
0x10b: {  	[tilespmem:v1+s31+$0x320 ss:$0x1] =	vst.idx.msk $0xffff, v3  }
0x10c: {  	v3 =	vld.idx.msk [tilespmem:v1+s31+$0x330 ss:$0x1], $0xffff;
	_ =	sdelay $0x4  }
0x10d: {  	v3 =	vmul.f32 v3, v55;
	_ =	sdelay $0x1  }
0x10e: {  	[tilespmem:v1+s31+$0x330 ss:$0x1] =	vst.idx.msk $0xffff, v3  }
0x10f: {  	v3 =	vld.idx.msk [tilespmem:v1+s31+$0x340 ss:$0x1], $0xffff;
	_ =	sdelay $0x4  }
0x110: {  	v3 =	vmul.f32 v3, v55;
	_ =	sdelay $0x1  }
0x111: {  	[tilespmem:v1+s31+$0x340 ss:$0x1] =	vst.idx.msk $0xffff, v3  }
0x112: {  	v3 =	vld.idx.msk [tilespmem:v1+s31+$0x350 ss:$0x1], $0xffff;
	_ =	sdelay $0x4  }
0x113: {  	v3 =	vmul.f32 v3, v55;
	_ =	sdelay $0x1  }
0x114: {  	[tilespmem:v1+s31+$0x350 ss:$0x1] =	vst.idx.msk $0xffff, v3  }
0x115: {  	v3 =	vld.idx.msk [tilespmem:v1+s31+$0x360 ss:$0x1], $0xffff;
	_ =	sdelay $0x4  }
0x116: {  	v3 =	vmul.f32 v3, v55;
	_ =	sdelay $0x1  }
0x117: {  	[tilespmem:v1+s31+$0x360 ss:$0x1] =	vst.idx.msk $0xffff, v3  }
0x118: {  	v3 =	vld.idx.msk [tilespmem:v1+s31+$0x370 ss:$0x1], $0xffff;
	_ =	sdelay $0x4  }
0x119: {  	v3 =	vmul.f32 v3, v55;
	_ =	sdelay $0x1  }
0x11a: {  	[tilespmem:v1+s31+$0x370 ss:$0x1] =	vst.idx.msk $0xffff, v3  }
0x11b: {  	v3 =	vld.idx.msk [tilespmem:v1+s31+$0x380 ss:$0x1], $0xffff;
	_ =	sdelay $0x2  }
0x11c: {  	v56 =	vbroadcast v2, $0x7;
	_ =	sdelay $0x1  }
0x11d: {  	v3 =	vmul.f32 v3, v56;
	_ =	sdelay $0x1  }
0x11e: {  	[tilespmem:v1+s31+$0x380 ss:$0x1] =	vst.idx.msk $0xffff, v3  }
0x11f: {  	v3 =	vld.idx.msk [tilespmem:v1+s31+$0x390 ss:$0x1], $0xffff;
	_ =	sdelay $0x4  }
0x120: {  	v3 =	vmul.f32 v3, v56;
	_ =	sdelay $0x1  }
0x121: {  	[tilespmem:v1+s31+$0x390 ss:$0x1] =	vst.idx.msk $0xffff, v3  }
0x122: {  	v3 =	vld.idx.msk [tilespmem:v1+s31+$0x3A0 ss:$0x1], $0xffff;
	_ =	sdelay $0x4  }
0x123: {  	v3 =	vmul.f32 v3, v56;
	_ =	sdelay $0x1  }
0x124: {  	[tilespmem:v1+s31+$0x3A0 ss:$0x1] =	vst.idx.msk $0xffff, v3  }
0x125: {  	v3 =	vld.idx.msk [tilespmem:v1+s31+$0x3B0 ss:$0x1], $0xffff;
	_ =	sdelay $0x4  }
0x126: {  	v3 =	vmul.f32 v3, v56;
	_ =	sdelay $0x1  }
0x127: {  	[tilespmem:v1+s31+$0x3B0 ss:$0x1] =	vst.idx.msk $0xffff, v3  }
0x128: {  	v3 =	vld.idx.msk [tilespmem:v1+s31+$0x3C0 ss:$0x1], $0xffff;
	_ =	sdelay $0x4  }
0x129: {  	v3 =	vmul.f32 v3, v56;
	_ =	sdelay $0x1  }
0x12a: {  	[tilespmem:v1+s31+$0x3C0 ss:$0x1] =	vst.idx.msk $0xffff, v3  }
0x12b: {  	v3 =	vld.idx.msk [tilespmem:v1+s31+$0x3D0 ss:$0x1], $0xffff;
	_ =	sdelay $0x4  }
0x12c: {  	v3 =	vmul.f32 v3, v56;
	_ =	sdelay $0x1  }
0x12d: {  	[tilespmem:v1+s31+$0x3D0 ss:$0x1] =	vst.idx.msk $0xffff, v3  }
0x12e: {  	v3 =	vld.idx.msk [tilespmem:v1+s31+$0x3E0 ss:$0x1], $0xffff;
	_ =	sdelay $0x4  }
0x12f: {  	v3 =	vmul.f32 v3, v56;
	_ =	sdelay $0x1  }
0x130: {  	[tilespmem:v1+s31+$0x3E0 ss:$0x1] =	vst.idx.msk $0xffff, v3  }
0x131: {  	v3 =	vld.idx.msk [tilespmem:v1+s31+$0x3F0 ss:$0x1], $0xffff;
	_ =	sdelay $0x4  }
0x132: {  	v3 =	vmul.f32 v3, v56;
	_ =	sdelay $0x1  }
0x133: {  	[tilespmem:v1+s31+$0x3F0 ss:$0x1] =	vst.idx.msk $0xffff, v3  }
0x134: {  	v3 =	vld.idx.msk [tilespmem:v1+s31+$0x400 ss:$0x1], $0xffff;
	_ =	sdelay $0x2  }
0x135: {  	v57 =	vbroadcast v2, $0x8;
	_ =	sdelay $0x1  }
0x136: {  	v3 =	vmul.f32 v3, v57;
	_ =	sdelay $0x1  }
0x137: {  	[tilespmem:v1+s31+$0x400 ss:$0x1] =	vst.idx.msk $0xffff, v3  }
0x138: {  	v3 =	vld.idx.msk [tilespmem:v1+s31+$0x410 ss:$0x1], $0xffff;
	_ =	sdelay $0x4  }
0x139: {  	v3 =	vmul.f32 v3, v57;
	_ =	sdelay $0x1  }
0x13a: {  	[tilespmem:v1+s31+$0x410 ss:$0x1] =	vst.idx.msk $0xffff, v3  }
0x13b: {  	v3 =	vld.idx.msk [tilespmem:v1+s31+$0x420 ss:$0x1], $0xffff;
	_ =	sdelay $0x4  }
0x13c: {  	v3 =	vmul.f32 v3, v57;
	_ =	sdelay $0x1  }
0x13d: {  	[tilespmem:v1+s31+$0x420 ss:$0x1] =	vst.idx.msk $0xffff, v3  }
0x13e: {  	v3 =	vld.idx.msk [tilespmem:v1+s31+$0x430 ss:$0x1], $0xffff;
	_ =	sdelay $0x4  }
0x13f: {  	v3 =	vmul.f32 v3, v57;
	_ =	sdelay $0x1  }
0x140: {  	[tilespmem:v1+s31+$0x430 ss:$0x1] =	vst.idx.msk $0xffff, v3  }
0x141: {  	v3 =	vld.idx.msk [tilespmem:v1+s31+$0x440 ss:$0x1], $0xffff;
	_ =	sdelay $0x4  }
0x142: {  	v3 =	vmul.f32 v3, v57;
	_ =	sdelay $0x1  }
0x143: {  	[tilespmem:v1+s31+$0x440 ss:$0x1] =	vst.idx.msk $0xffff, v3  }
0x144: {  	v3 =	vld.idx.msk [tilespmem:v1+s31+$0x450 ss:$0x1], $0xffff;
	_ =	sdelay $0x4  }
0x145: {  	v3 =	vmul.f32 v3, v57;
	_ =	sdelay $0x1  }
0x146: {  	[tilespmem:v1+s31+$0x450 ss:$0x1] =	vst.idx.msk $0xffff, v3  }
0x147: {  	v3 =	vld.idx.msk [tilespmem:v1+s31+$0x460 ss:$0x1], $0xffff;
	_ =	sdelay $0x4  }
0x148: {  	v3 =	vmul.f32 v3, v57;
	_ =	sdelay $0x1  }
0x149: {  	[tilespmem:v1+s31+$0x460 ss:$0x1] =	vst.idx.msk $0xffff, v3  }
0x14a: {  	v3 =	vld.idx.msk [tilespmem:v1+s31+$0x470 ss:$0x1], $0xffff;
	_ =	sdelay $0x4  }
0x14b: {  	v3 =	vmul.f32 v3, v57;
	_ =	sdelay $0x1  }
0x14c: {  	[tilespmem:v1+s31+$0x470 ss:$0x1] =	vst.idx.msk $0xffff, v3  }
0x14d: {  	v3 =	vld.idx.msk [tilespmem:v1+s31+$0x480 ss:$0x1], $0xffff;
	_ =	sdelay $0x2  }
0x14e: {  	v58 =	vbroadcast v2, $0x9;
	_ =	sdelay $0x1  }
0x14f: {  	v3 =	vmul.f32 v3, v58;
	_ =	sdelay $0x1  }
0x150: {  	[tilespmem:v1+s31+$0x480 ss:$0x1] =	vst.idx.msk $0xffff, v3  }
0x151: {  	v3 =	vld.idx.msk [tilespmem:v1+s31+$0x490 ss:$0x1], $0xffff;
	_ =	sdelay $0x4  }
0x152: {  	v3 =	vmul.f32 v3, v58;
	_ =	sdelay $0x1  }
0x153: {  	[tilespmem:v1+s31+$0x490 ss:$0x1] =	vst.idx.msk $0xffff, v3  }
0x154: {  	v3 =	vld.idx.msk [tilespmem:v1+s31+$0x4A0 ss:$0x1], $0xffff;
	_ =	sdelay $0x4  }
0x155: {  	v3 =	vmul.f32 v3, v58;
	_ =	sdelay $0x1  }
0x156: {  	[tilespmem:v1+s31+$0x4A0 ss:$0x1] =	vst.idx.msk $0xffff, v3  }
0x157: {  	v3 =	vld.idx.msk [tilespmem:v1+s31+$0x4B0 ss:$0x1], $0xffff;
	_ =	sdelay $0x4  }
0x158: {  	v3 =	vmul.f32 v3, v58;
	_ =	sdelay $0x1  }
0x159: {  	[tilespmem:v1+s31+$0x4B0 ss:$0x1] =	vst.idx.msk $0xffff, v3  }
0x15a: {  	v3 =	vld.idx.msk [tilespmem:v1+s31+$0x4C0 ss:$0x1], $0xffff;
	_ =	sdelay $0x4  }
0x15b: {  	v3 =	vmul.f32 v3, v58;
	_ =	sdelay $0x1  }
0x15c: {  	[tilespmem:v1+s31+$0x4C0 ss:$0x1] =	vst.idx.msk $0xffff, v3  }
0x15d: {  	v3 =	vld.idx.msk [tilespmem:v1+s31+$0x4D0 ss:$0x1], $0xffff;
	_ =	sdelay $0x4  }
0x15e: {  	v3 =	vmul.f32 v3, v58;
	_ =	sdelay $0x1  }
0x15f: {  	[tilespmem:v1+s31+$0x4D0 ss:$0x1] =	vst.idx.msk $0xffff, v3  }
0x160: {  	v3 =	vld.idx.msk [tilespmem:v1+s31+$0x4E0 ss:$0x1], $0xffff;
	_ =	sdelay $0x4  }
0x161: {  	v3 =	vmul.f32 v3, v58;
	_ =	sdelay $0x1  }
0x162: {  	[tilespmem:v1+s31+$0x4E0 ss:$0x1] =	vst.idx.msk $0xffff, v3  }
0x163: {  	v3 =	vld.idx.msk [tilespmem:v1+s31+$0x4F0 ss:$0x1], $0xffff;
	_ =	sdelay $0x4  }
0x164: {  	v3 =	vmul.f32 v3, v58;
	_ =	sdelay $0x1  }
0x165: {  	[tilespmem:v1+s31+$0x4F0 ss:$0x1] =	vst.idx.msk $0xffff, v3  }
0x166: {  	v3 =	vld.idx.msk [tilespmem:v1+s31+$0x500 ss:$0x1], $0xffff;
	_ =	sdelay $0x2  }
0x167: {  	v59 =	vbroadcast v2, $0xA;
	_ =	sdelay $0x1  }
0x168: {  	v3 =	vmul.f32 v3, v59;
	_ =	sdelay $0x1  }
0x169: {  	[tilespmem:v1+s31+$0x500 ss:$0x1] =	vst.idx.msk $0xffff, v3  }
0x16a: {  	v3 =	vld.idx.msk [tilespmem:v1+s31+$0x510 ss:$0x1], $0xffff;
	_ =	sdelay $0x4  }
0x16b: {  	v3 =	vmul.f32 v3, v59;
	_ =	sdelay $0x1  }
0x16c: {  	[tilespmem:v1+s31+$0x510 ss:$0x1] =	vst.idx.msk $0xffff, v3  }
0x16d: {  	v3 =	vld.idx.msk [tilespmem:v1+s31+$0x520 ss:$0x1], $0xffff;
	_ =	sdelay $0x4  }
0x16e: {  	v3 =	vmul.f32 v3, v59;
	_ =	sdelay $0x1  }
0x16f: {  	[tilespmem:v1+s31+$0x520 ss:$0x1] =	vst.idx.msk $0xffff, v3  }
0x170: {  	v3 =	vld.idx.msk [tilespmem:v1+s31+$0x530 ss:$0x1], $0xffff;
	_ =	sdelay $0x4  }
0x171: {  	v3 =	vmul.f32 v3, v59;
	_ =	sdelay $0x1  }
0x172: {  	[tilespmem:v1+s31+$0x530 ss:$0x1] =	vst.idx.msk $0xffff, v3  }
0x173: {  	v3 =	vld.idx.msk [tilespmem:v1+s31+$0x540 ss:$0x1], $0xffff;
	_ =	sdelay $0x4  }
0x174: {  	v3 =	vmul.f32 v3, v59;
	_ =	sdelay $0x1  }
0x175: {  	[tilespmem:v1+s31+$0x540 ss:$0x1] =	vst.idx.msk $0xffff, v3  }
0x176: {  	v3 =	vld.idx.msk [tilespmem:v1+s31+$0x550 ss:$0x1], $0xffff;
	_ =	sdelay $0x4  }
0x177: {  	v3 =	vmul.f32 v3, v59;
	_ =	sdelay $0x1  }
0x178: {  	[tilespmem:v1+s31+$0x550 ss:$0x1] =	vst.idx.msk $0xffff, v3  }
0x179: {  	v3 =	vld.idx.msk [tilespmem:v1+s31+$0x560 ss:$0x1], $0xffff;
	_ =	sdelay $0x4  }
0x17a: {  	v3 =	vmul.f32 v3, v59;
	_ =	sdelay $0x1  }
0x17b: {  	[tilespmem:v1+s31+$0x560 ss:$0x1] =	vst.idx.msk $0xffff, v3  }
0x17c: {  	v3 =	vld.idx.msk [tilespmem:v1+s31+$0x570 ss:$0x1], $0xffff;
	_ =	sdelay $0x4  }
0x17d: {  	v3 =	vmul.f32 v3, v59;
	_ =	sdelay $0x1  }
0x17e: {  	[tilespmem:v1+s31+$0x570 ss:$0x1] =	vst.idx.msk $0xffff, v3  }
0x17f: {  	v3 =	vld.idx.msk [tilespmem:v1+s31+$0x580 ss:$0x1], $0xffff;
	_ =	sdelay $0x2  }
0x180: {  	v60 =	vbroadcast v2, $0xB;
	_ =	sdelay $0x1  }
0x181: {  	v3 =	vmul.f32 v3, v60;
	_ =	sdelay $0x1  }
0x182: {  	[tilespmem:v1+s31+$0x580 ss:$0x1] =	vst.idx.msk $0xffff, v3  }
0x183: {  	v3 =	vld.idx.msk [tilespmem:v1+s31+$0x590 ss:$0x1], $0xffff;
	_ =	sdelay $0x4  }
0x184: {  	v3 =	vmul.f32 v3, v60;
	_ =	sdelay $0x1  }
0x185: {  	[tilespmem:v1+s31+$0x590 ss:$0x1] =	vst.idx.msk $0xffff, v3  }
0x186: {  	v3 =	vld.idx.msk [tilespmem:v1+s31+$0x5A0 ss:$0x1], $0xffff;
	_ =	sdelay $0x4  }
0x187: {  	v3 =	vmul.f32 v3, v60;
	_ =	sdelay $0x1  }
0x188: {  	[tilespmem:v1+s31+$0x5A0 ss:$0x1] =	vst.idx.msk $0xffff, v3  }
0x189: {  	v3 =	vld.idx.msk [tilespmem:v1+s31+$0x5B0 ss:$0x1], $0xffff;
	_ =	sdelay $0x4  }
0x18a: {  	v3 =	vmul.f32 v3, v60;
	_ =	sdelay $0x1  }
0x18b: {  	[tilespmem:v1+s31+$0x5B0 ss:$0x1] =	vst.idx.msk $0xffff, v3  }
0x18c: {  	v3 =	vld.idx.msk [tilespmem:v1+s31+$0x5C0 ss:$0x1], $0xffff;
	_ =	sdelay $0x4  }
0x18d: {  	v3 =	vmul.f32 v3, v60;
	_ =	sdelay $0x1  }
0x18e: {  	[tilespmem:v1+s31+$0x5C0 ss:$0x1] =	vst.idx.msk $0xffff, v3  }
0x18f: {  	v3 =	vld.idx.msk [tilespmem:v1+s31+$0x5D0 ss:$0x1], $0xffff;
	_ =	sdelay $0x4  }
0x190: {  	v3 =	vmul.f32 v3, v60;
	_ =	sdelay $0x1  }
0x191: {  	[tilespmem:v1+s31+$0x5D0 ss:$0x1] =	vst.idx.msk $0xffff, v3  }
0x192: {  	v3 =	vld.idx.msk [tilespmem:v1+s31+$0x5E0 ss:$0x1], $0xffff;
	_ =	sdelay $0x4  }
0x193: {  	v3 =	vmul.f32 v3, v60;
	_ =	sdelay $0x1  }
0x194: {  	[tilespmem:v1+s31+$0x5E0 ss:$0x1] =	vst.idx.msk $0xffff, v3  }
0x195: {  	v3 =	vld.idx.msk [tilespmem:v1+s31+$0x5F0 ss:$0x1], $0xffff;
	_ =	sdelay $0x4  }
0x196: {  	v3 =	vmul.f32 v3, v60;
	_ =	sdelay $0x1  }
0x197: {  	[tilespmem:v1+s31+$0x5F0 ss:$0x1] =	vst.idx.msk $0xffff, v3  }
0x198: {  	v3 =	vld.idx.msk [tilespmem:v1+s31+$0x600 ss:$0x1], $0xffff;
	_ =	sdelay $0x2  }
0x199: {  	v61 =	vbroadcast v2, $0xC;
	_ =	sdelay $0x1  }
0x19a: {  	v3 =	vmul.f32 v3, v61;
	_ =	sdelay $0x1  }
0x19b: {  	[tilespmem:v1+s31+$0x600 ss:$0x1] =	vst.idx.msk $0xffff, v3  }
0x19c: {  	v3 =	vld.idx.msk [tilespmem:v1+s31+$0x610 ss:$0x1], $0xffff;
	_ =	sdelay $0x4  }
0x19d: {  	v3 =	vmul.f32 v3, v61;
	_ =	sdelay $0x1  }
0x19e: {  	[tilespmem:v1+s31+$0x610 ss:$0x1] =	vst.idx.msk $0xffff, v3  }
0x19f: {  	v3 =	vld.idx.msk [tilespmem:v1+s31+$0x620 ss:$0x1], $0xffff;
	_ =	sdelay $0x4  }
0x1a0: {  	v3 =	vmul.f32 v3, v61;
	_ =	sdelay $0x1  }
0x1a1: {  	[tilespmem:v1+s31+$0x620 ss:$0x1] =	vst.idx.msk $0xffff, v3  }
0x1a2: {  	v3 =	vld.idx.msk [tilespmem:v1+s31+$0x630 ss:$0x1], $0xffff;
	_ =	sdelay $0x4  }
0x1a3: {  	v3 =	vmul.f32 v3, v61;
	_ =	sdelay $0x1  }
0x1a4: {  	[tilespmem:v1+s31+$0x630 ss:$0x1] =	vst.idx.msk $0xffff, v3  }
0x1a5: {  	v3 =	vld.idx.msk [tilespmem:v1+s31+$0x640 ss:$0x1], $0xffff;
	_ =	sdelay $0x4  }
0x1a6: {  	v3 =	vmul.f32 v3, v61;
	_ =	sdelay $0x1  }
0x1a7: {  	[tilespmem:v1+s31+$0x640 ss:$0x1] =	vst.idx.msk $0xffff, v3  }
0x1a8: {  	v3 =	vld.idx.msk [tilespmem:v1+s31+$0x650 ss:$0x1], $0xffff;
	_ =	sdelay $0x4  }
0x1a9: {  	v3 =	vmul.f32 v3, v61;
	_ =	sdelay $0x1  }
0x1aa: {  	[tilespmem:v1+s31+$0x650 ss:$0x1] =	vst.idx.msk $0xffff, v3  }
0x1ab: {  	v3 =	vld.idx.msk [tilespmem:v1+s31+$0x660 ss:$0x1], $0xffff;
	_ =	sdelay $0x4  }
0x1ac: {  	v3 =	vmul.f32 v3, v61;
	_ =	sdelay $0x1  }
0x1ad: {  	[tilespmem:v1+s31+$0x660 ss:$0x1] =	vst.idx.msk $0xffff, v3  }
0x1ae: {  	v3 =	vld.idx.msk [tilespmem:v1+s31+$0x670 ss:$0x1], $0xffff;
	_ =	sdelay $0x4  }
0x1af: {  	v3 =	vmul.f32 v3, v61;
	_ =	sdelay $0x1  }
0x1b0: {  	[tilespmem:v1+s31+$0x670 ss:$0x1] =	vst.idx.msk $0xffff, v3  }
0x1b1: {  	v3 =	vld.idx.msk [tilespmem:v1+s31+$0x680 ss:$0x1], $0xffff;
	_ =	sdelay $0x2  }
0x1b2: {  	v62 =	vbroadcast v2, $0xD;
	_ =	sdelay $0x1  }
0x1b3: {  	v3 =	vmul.f32 v3, v62;
	_ =	sdelay $0x1  }
0x1b4: {  	[tilespmem:v1+s31+$0x680 ss:$0x1] =	vst.idx.msk $0xffff, v3  }
0x1b5: {  	v3 =	vld.idx.msk [tilespmem:v1+s31+$0x690 ss:$0x1], $0xffff;
	_ =	sdelay $0x4  }
0x1b6: {  	v3 =	vmul.f32 v3, v62;
	_ =	sdelay $0x1  }
0x1b7: {  	[tilespmem:v1+s31+$0x690 ss:$0x1] =	vst.idx.msk $0xffff, v3  }
0x1b8: {  	v3 =	vld.idx.msk [tilespmem:v1+s31+$0x6A0 ss:$0x1], $0xffff;
	_ =	sdelay $0x4  }
0x1b9: {  	v3 =	vmul.f32 v3, v62;
	_ =	sdelay $0x1  }
0x1ba: {  	[tilespmem:v1+s31+$0x6A0 ss:$0x1] =	vst.idx.msk $0xffff, v3  }
0x1bb: {  	v3 =	vld.idx.msk [tilespmem:v1+s31+$0x6B0 ss:$0x1], $0xffff;
	_ =	sdelay $0x4  }
0x1bc: {  	v3 =	vmul.f32 v3, v62;
	_ =	sdelay $0x1  }
0x1bd: {  	[tilespmem:v1+s31+$0x6B0 ss:$0x1] =	vst.idx.msk $0xffff, v3  }
0x1be: {  	v3 =	vld.idx.msk [tilespmem:v1+s31+$0x6C0 ss:$0x1], $0xffff;
	_ =	sdelay $0x4  }
0x1bf: {  	v3 =	vmul.f32 v3, v62;
	_ =	sdelay $0x1  }
0x1c0: {  	[tilespmem:v1+s31+$0x6C0 ss:$0x1] =	vst.idx.msk $0xffff, v3  }
0x1c1: {  	v3 =	vld.idx.msk [tilespmem:v1+s31+$0x6D0 ss:$0x1], $0xffff;
	_ =	sdelay $0x4  }
0x1c2: {  	v3 =	vmul.f32 v3, v62;
	_ =	sdelay $0x1  }
0x1c3: {  	[tilespmem:v1+s31+$0x6D0 ss:$0x1] =	vst.idx.msk $0xffff, v3  }
0x1c4: {  	v3 =	vld.idx.msk [tilespmem:v1+s31+$0x6E0 ss:$0x1], $0xffff;
	_ =	sdelay $0x4  }
0x1c5: {  	v3 =	vmul.f32 v3, v62;
	_ =	sdelay $0x1  }
0x1c6: {  	[tilespmem:v1+s31+$0x6E0 ss:$0x1] =	vst.idx.msk $0xffff, v3  }
0x1c7: {  	v3 =	vld.idx.msk [tilespmem:v1+s31+$0x6F0 ss:$0x1], $0xffff;
	_ =	sdelay $0x4  }
0x1c8: {  	v3 =	vmul.f32 v3, v62;
	_ =	sdelay $0x1  }
0x1c9: {  	[tilespmem:v1+s31+$0x6F0 ss:$0x1] =	vst.idx.msk $0xffff, v3  }
0x1ca: {  	v3 =	vld.idx.msk [tilespmem:v1+s31+$0x700 ss:$0x1], $0xffff;
	_ =	sdelay $0x2  }
0x1cb: {  	v63 =	vbroadcast v2, $0xE;
	_ =	sdelay $0x1  }
0x1cc: {  	v3 =	vmul.f32 v3, v63;
	_ =	sdelay $0x1  }
0x1cd: {  	[tilespmem:v1+s31+$0x700 ss:$0x1] =	vst.idx.msk $0xffff, v3  }
0x1ce: {  	v3 =	vld.idx.msk [tilespmem:v1+s31+$0x710 ss:$0x1], $0xffff;
	_ =	sdelay $0x4  }
0x1cf: {  	v3 =	vmul.f32 v3, v63;
	_ =	sdelay $0x1  }
0x1d0: {  	[tilespmem:v1+s31+$0x710 ss:$0x1] =	vst.idx.msk $0xffff, v3  }
0x1d1: {  	v3 =	vld.idx.msk [tilespmem:v1+s31+$0x720 ss:$0x1], $0xffff;
	_ =	sdelay $0x4  }
0x1d2: {  	v3 =	vmul.f32 v3, v63;
	_ =	sdelay $0x1  }
0x1d3: {  	[tilespmem:v1+s31+$0x720 ss:$0x1] =	vst.idx.msk $0xffff, v3  }
0x1d4: {  	v3 =	vld.idx.msk [tilespmem:v1+s31+$0x730 ss:$0x1], $0xffff;
	_ =	sdelay $0x4  }
0x1d5: {  	v3 =	vmul.f32 v3, v63;
	_ =	sdelay $0x1  }
0x1d6: {  	[tilespmem:v1+s31+$0x730 ss:$0x1] =	vst.idx.msk $0xffff, v3  }
0x1d7: {  	v3 =	vld.idx.msk [tilespmem:v1+s31+$0x740 ss:$0x1], $0xffff;
	_ =	sdelay $0x4  }
0x1d8: {  	v3 =	vmul.f32 v3, v63;
	_ =	sdelay $0x1  }
0x1d9: {  	[tilespmem:v1+s31+$0x740 ss:$0x1] =	vst.idx.msk $0xffff, v3  }
0x1da: {  	v3 =	vld.idx.msk [tilespmem:v1+s31+$0x750 ss:$0x1], $0xffff;
	_ =	sdelay $0x4  }
0x1db: {  	v3 =	vmul.f32 v3, v63;
	_ =	sdelay $0x1  }
0x1dc: {  	[tilespmem:v1+s31+$0x750 ss:$0x1] =	vst.idx.msk $0xffff, v3  }
0x1dd: {  	v3 =	vld.idx.msk [tilespmem:v1+s31+$0x760 ss:$0x1], $0xffff;
	_ =	sdelay $0x4  }
0x1de: {  	v3 =	vmul.f32 v3, v63;
	_ =	sdelay $0x1  }
0x1df: {  	[tilespmem:v1+s31+$0x760 ss:$0x1] =	vst.idx.msk $0xffff, v3  }
0x1e0: {  	v3 =	vld.idx.msk [tilespmem:v1+s31+$0x770 ss:$0x1], $0xffff;
	_ =	sdelay $0x4  }
0x1e1: {  	v3 =	vmul.f32 v3, v63;
	_ =	sdelay $0x1  }
0x1e2: {  	[tilespmem:v1+s31+$0x770 ss:$0x1] =	vst.idx.msk $0xffff, v3  }
0x1e3: {  	v3 =	vld.idx.msk [tilespmem:v1+s31+$0x780 ss:$0x1], $0xffff;
	_ =	sdelay $0x2  }
0x1e4: {  	v2 =	vbroadcast v2, $0xF;
	_ =	sdelay $0x1  }
0x1e5: {  	v3 =	vmul.f32 v3, v2;
	_ =	sdelay $0x1  }
0x1e6: {  	[tilespmem:v1+s31+$0x780 ss:$0x1] =	vst.idx.msk $0xffff, v3  }
0x1e7: {  	v3 =	vld.idx.msk [tilespmem:v1+s31+$0x790 ss:$0x1], $0xffff;
	_ =	sdelay $0x4  }
0x1e8: {  	v3 =	vmul.f32 v3, v2;
	_ =	sdelay $0x1  }
0x1e9: {  	[tilespmem:v1+s31+$0x790 ss:$0x1] =	vst.idx.msk $0xffff, v3  }
0x1ea: {  	v3 =	vld.idx.msk [tilespmem:v1+s31+$0x7A0 ss:$0x1], $0xffff;
	_ =	sdelay $0x4  }
0x1eb: {  	v3 =	vmul.f32 v3, v2;
	_ =	sdelay $0x1  }
0x1ec: {  	[tilespmem:v1+s31+$0x7A0 ss:$0x1] =	vst.idx.msk $0xffff, v3  }
0x1ed: {  	v3 =	vld.idx.msk [tilespmem:v1+s31+$0x7B0 ss:$0x1], $0xffff;
	_ =	sdelay $0x4  }
0x1ee: {  	v3 =	vmul.f32 v3, v2;
	_ =	sdelay $0x1  }
0x1ef: {  	[tilespmem:v1+s31+$0x7B0 ss:$0x1] =	vst.idx.msk $0xffff, v3  }
0x1f0: {  	v3 =	vld.idx.msk [tilespmem:v1+s31+$0x7C0 ss:$0x1], $0xffff;
	_ =	sdelay $0x4  }
0x1f1: {  	v3 =	vmul.f32 v3, v2;
	_ =	sdelay $0x1  }
0x1f2: {  	[tilespmem:v1+s31+$0x7C0 ss:$0x1] =	vst.idx.msk $0xffff, v3  }
0x1f3: {  	v3 =	vld.idx.msk [tilespmem:v1+s31+$0x7D0 ss:$0x1], $0xffff;
	_ =	sdelay $0x4  }
0x1f4: {  	v3 =	vmul.f32 v3, v2;
	_ =	sdelay $0x1  }
0x1f5: {  	[tilespmem:v1+s31+$0x7D0 ss:$0x1] =	vst.idx.msk $0xffff, v3  }
0x1f6: {  	v3 =	vld.idx.msk [tilespmem:v1+s31+$0x7E0 ss:$0x1], $0xffff;
	_ =	sdelay $0x4  }
0x1f7: {  	v3 =	vmul.f32 v3, v2;
	_ =	sdelay $0x1  }
0x1f8: {  	[tilespmem:v1+s31+$0x7E0 ss:$0x1] =	vst.idx.msk $0xffff, v3  }
0x1f9: {  	v3 =	vld.idx.msk [tilespmem:v1+s31+$0x7F0 ss:$0x1], $0xffff;
	_ =	sdelay $0x1  }
0x1fa: {  	p1 =	sne.s32 s30, $0x3  }
.Ltmp7:
0x1fb: {  	_ = 	snop;
	(pc) =	sbr.rel @p1 .LBB2_6-.Ltmp7, $3  }
0x1fc: {  	_ = 	snop  }
0x1fd: {  	v2 =	vmul.f32 v3, v2;
	_ =	sdelay $0x1  }
0x1fe: {  	s30 =	sadd.s32 $0x1, s30;
	[tilespmem:v1+s31+$0x7F0 ss:$0x1] =	vst.idx.msk $0xffff, v2  }
0x1ff: {  	p1 =	seq.s32 s25, $0x0  }
.Ltmp8:
0x200: {  	_ = 	snop;
	(pc) =	sbr.rel @p1 .LBB2_10-.Ltmp8, $4  }
0x201: {  	_ = 	snop  }
0x202: {  	s30 =	sadd.s32 $0x1000, s26;
	s31 =	sadd.s32 $0x3, s28  }
0x203: {  	[spmem:s2] =	stream.indirect.scatter.add.f32 [tilespmem:s29], [sflag:s31], $0x80, s30, s20, $0xb8;
	[tilespmem:$0x19880] =	vst v63  }
0x204: {  	s29 =	simm.s32 $0x1  }
0x205: {  	p1 =	seq.s32 s25, $0xF  }
.Ltmp9:
0x206: {  	_ = 	snop;
	(pc) =	sbr.rel @p1 .LBB2_11-.Ltmp9, $1  }
0x207: {  	_ =	sdelay $0x3  }
.Ltmp10:
0x208: {  	s29 =	sxor.u32 $0x1, s28;
	(pc) =	sbr.rel .LBB2_10-.Ltmp10, $4  }
0x209: {  	s28 =	sadd.s32 $0x3, s29  }
0x20a: {  	_ =	swait.ge [sflag:s28], $0x2000  }
0x20b: {  	[sflag:s28] =	ssyncset.done $0x0  }
0x20c: {  	[sflag:s28] =	ssyncadd.s32 $0xFFFFE000  }
.LBB2_13:
0x20d: {  	_ =	sfence.sel $0x180000  }
0x20e: {  	[bflag:$0x0] =	sbarrier.arrive $0xFFFF  }
0x20f: {  	p0 =	sne.s32 s1, $0x0;
	_ =	strace $0x90000047  }
0x210: {  	s0 =	sadd.s32 @!p0 $0x100000, s0;
	[bflag:$0x2] =	sbarrier.arrive $0xFFFF  }
0x211: {  	[sflag:s0] =	ssyncadd.tile.s32 @!p0 $0x1;
	_ =	shalt  }
.Lfunc_end2:
_tile_overlayer_lowered:
.L_overlay_start_2:
0x212: {  	(tag) =	ssettag $0x2  }
0x213: {  	s0 =	rddreg [dreg:$0x0];
	s2 =	stileid.u32  }
0x214: {  	s1 =	rddreg [dreg:$0x1];
	p0 =	sne.s32 s2, $0x0  }
0x215: {  	s3 =	rddreg [dreg:$0x2];
	[bflag:$0x3] =	sbarrier.arrive $0xFFFF;
	s2 =	simm.s32 @!p0 $0x1C05  }
0x216: {  	[timem:s3], [sflag:s2] =	dma.local @!p0 [hbm:s0], s1  }
0x217: {  	s0 =	simm.s32 @!p0 $0x5  }
0x218: {  	_ =	swait.ge @!p0 [sflag:s0], s1  }
0x219: {  	s1 =	ssub.s32 @!p0 $0x0, s1;
	[sflag:s0] =	ssyncset.done @!p0 $0x0  }
0x21a: {  	[sflag:s0] =	ssyncadd.s32 @!p0 s1  }
0x21b: {  	[bflag:$0x3] =	sbarrier.arrive $0xFFFF  }
0x21c: {  	_ =	shalt  }

</sc_bundles>
